<compile_context>
chip_gen: v7x
topology: tpu7x:2x2x1
jax: 0.10.2.dev20260603
libtpu: 0.0.44.dev20260713+nightly
codegen_flags: <defaults>
</compile_context>

<pallas_src>
import functools

import jax
import jax.numpy as jnp
from jax import lax
from jax.experimental import pallas as pl
from jax.experimental.pallas import tpu as pltpu
from jax.experimental.pallas import tpu_sc as plsc

D_MODEL = 32
_NC = 2
_NS = 16
_NW = _NC * _NS
_CHUNK = 128
_NBUF = 4
_L = 16


@functools.cache
def _make_gather(N_I: int, N_J: int):
    i_per_w = N_I // _NW
    n_chunks_j = i_per_w // _CHUNK
    n_chunks = N_J * n_chunks_j
    n_groups = n_chunks // _NBUF
    mesh = plsc.VectorSubcoreMesh(core_axis_name="c", subcore_axis_name="s")

    @functools.partial(
        pl.kernel,
        mesh=mesh,
        out_type=jax.ShapeDtypeStruct((N_J, D_MODEL, N_I), jnp.float32),
        scratch_types=[
            pltpu.VMEM((N_J * i_per_w,), jnp.int32),
            pltpu.VMEM((N_J, i_per_w), jnp.int32),
            [pltpu.VMEM((_CHUNK, D_MODEL), jnp.float32) for _ in range(_NBUF)],
            [pltpu.VMEM((D_MODEL, _CHUNK), jnp.float32) for _ in range(_NBUF)],
            [pltpu.SemaphoreType.DMA for _ in range(_NBUF)],
            [pltpu.SemaphoreType.DMA for _ in range(_NBUF)],
        ],
        compiler_params=pltpu.CompilerParams(
            use_tc_tiling_on_sc=False, needs_layout_passes=False),
    )
    def gather(table_hbm, idx_hbm, out_hbm, x_v, idx_v, rows, trans, gsem, wsem):
        wid = lax.axis_index("s") * _NC + lax.axis_index("c")
        i0 = wid * i_per_w
        pltpu.sync_copy(idx_hbm.at[pl.ds(i0 * N_J, i_per_w * N_J)], x_v)
        iota = lax.iota(jnp.int32, _L)
        iota_nj = iota * N_J

        def jbody(j, carry):
            for l0 in range(0, i_per_w, _L):
                addr = iota_nj + (l0 * N_J + j)
                v = plsc.load_gather(x_v, [addr])
                idx_v[j, pl.ds(l0, _L)] = v
            return carry

        lax.fori_loop(0, N_J, jbody, 0)

        def start_gather(c, b):
            j = c // n_chunks_j
            col = (c % n_chunks_j) * _CHUNK
            pltpu.async_copy(
                table_hbm.at[idx_v.at[j, pl.ds(col, _CHUNK)]],
                rows[b], gsem[b])

        def wait_gather(b):
            pltpu.make_async_copy(
                table_hbm.at[pl.ds(0, _CHUNK)], rows[b], gsem[b]).wait()

        def start_wb(c, b):
            j = c // n_chunks_j
            col = i0 + (c % n_chunks_j) * _CHUNK
            pltpu.async_copy(
                trans[b], out_hbm.at[j, :, pl.ds(col, _CHUNK)], wsem[b])

        def wait_wb(b):
            pltpu.make_async_copy(
                trans[b], out_hbm.at[0, :, pl.ds(0, _CHUNK)], wsem[b]).wait()

        def transpose(b):
            iota = lax.iota(jnp.int32, _L)

            def kbody(k, carry):
                colbase = (iota + k) & (_L - 1)
                for l0 in range(0, _CHUNK, _L):
                    row = iota + l0
                    for d0 in range(0, D_MODEL, _L):
                        col = colbase + d0
                        v = plsc.load_gather(rows[b], [row, col])
                        plsc.store_scatter(trans[b], [col, row], v)
                return carry

            lax.fori_loop(0, _L, kbody, 0)

        for b in range(_NBUF):
            start_gather(b, b)

        def body(g, carry):
            for b in range(_NBUF):
                c = g * _NBUF + b
                wait_gather(b)

                @pl.when(g != 0)
                def _():
                    wait_wb(b)

                transpose(b)
                start_wb(c, b)

                @pl.when(g < n_groups - 1)
                def _():
                    start_gather(c + _NBUF, b)

            return carry

        lax.fori_loop(0, n_groups, body, 0)
        for b in range(_NBUF):
            wait_wb(b)

    return gather


def kernel(x, W):
    n_b, n_h = x.shape
    xf = x.astype(jnp.int32).reshape(-1)
    out_t = _make_gather(n_b, n_h)(W, xf)
    return jnp.transpose(out_t, (2, 0, 1))

# --- scband reference (transcript-rebuilt; emitter-appended) ---
"""Pipeline reference for scband-embedding-58342835748972 (READ-ONLY COPY).

The authoritative reference and input builder live on the scoring server;
editing this copy changes nothing except your own understanding.
"""

import jax, jax.numpy as jnp
import numpy as np
import math

VOCAB = 1000000
D_MODEL = 32
BATCH = 16384
HIST = 50

def setup_inputs(seed: int = 0) -> dict:
    key = jax.random.key(seed)
    k_idx, k_w = jax.random.split(key)
    x = jax.random.randint(k_idx, (BATCH, HIST), 0, VOCAB, dtype=jnp.int64)
    # nn.Embedding default init: N(0, 1)
    W = jax.random.normal(k_w, (VOCAB, D_MODEL), dtype=jnp.float32)
    return {"x": x, "W": W}

def reference(x, W):
    # Faithful translation of nn.Embedding lookup: out = lut(x)
    return jnp.take(W, x, axis=0)

if __name__ == "__main__":
    import jax
    _d = setup_inputs()
    print(jax.jit(kernel)(*tuple(_d.values())))

</pallas_src>

<mosaic_0001>
#map = affine_map<(d0, d1) -> (0, 0)>
#map1 = affine_map<(d0, d1) -> (0)>
#map2 = affine_map<(d0, d1) -> (0, 0, 0)>
module attributes {stable_mosaic.version = 14 : i64} {
  func.func @gather(%arg0: i32, %arg1: i32, %arg2: memref<1000000x32xf32, #tpu.memory_space<hbm>>, %arg3: memref<819200xi32, #tpu.memory_space<hbm>>, %arg4: memref<50x32x16384xf32, #tpu.memory_space<hbm>>, %arg5: memref<25600xi32, #tpu.memory_space<vmem>>, %arg6: memref<50x512xi32, #tpu.memory_space<vmem>>, %arg7: memref<128x32xf32, #tpu.memory_space<vmem>>, %arg8: memref<128x32xf32, #tpu.memory_space<vmem>>, %arg9: memref<128x32xf32, #tpu.memory_space<vmem>>, %arg10: memref<128x32xf32, #tpu.memory_space<vmem>>, %arg11: memref<32x128xf32, #tpu.memory_space<vmem>>, %arg12: memref<32x128xf32, #tpu.memory_space<vmem>>, %arg13: memref<32x128xf32, #tpu.memory_space<vmem>>, %arg14: memref<32x128xf32, #tpu.memory_space<vmem>>, %arg15: memref<!tpu.dma_semaphore, #tpu.memory_space<semaphore_mem>>, %arg16: memref<!tpu.dma_semaphore, #tpu.memory_space<semaphore_mem>>, %arg17: memref<!tpu.dma_semaphore, #tpu.memory_space<semaphore_mem>>, %arg18: memref<!tpu.dma_semaphore, #tpu.memory_space<semaphore_mem>>, %arg19: memref<!tpu.dma_semaphore, #tpu.memory_space<semaphore_mem>>, %arg20: memref<!tpu.dma_semaphore, #tpu.memory_space<semaphore_mem>>, %arg21: memref<!tpu.dma_semaphore, #tpu.memory_space<semaphore_mem>>, %arg22: memref<!tpu.dma_semaphore, #tpu.memory_space<semaphore_mem>>) attributes {dimension_semantics = [#tpu.dimension_semantics<core_parallel>, #tpu.dimension_semantics<subcore_parallel>], iteration_bounds = array<i64: 2, 16>, scalar_prefetch = 0 : i64, scratch_operands = 18 : i64, tpu.core_type = #tpu.core_type<sc_vector_subcore>, window_params = [{transform_indices = #map}, {transform_indices = #map1}, {transform_indices = #map2}]} {
    %mul3A = arith.constant 2 : i32
    %mul3A_0 = arith.muli %arg1, %mul3A : i32
    %add3A = arith.addi %mul3A_0, %arg0 : i32
    %mul3A_1 = arith.constant 512 : i32
    %mul3A_2 = arith.muli %add3A, %mul3A_1 : i32
    %mul3A_3 = arith.constant 50 : i32
    %mul3A_4 = arith.muli %mul3A_2, %mul3A_3 : i32
    "tpu.region"() ({
      %run_scoped3A = tpu.sem_alloc : memref<!tpu.dma_semaphore, #tpu.memory_space<semaphore_mem>>
      %dma_start3A_81 = tpu.memref_slice %arg3[%mul3A_4] : memref<819200xi32, #tpu.memory_space<hbm>> -> memref<25600xi32, #tpu.memory_space<hbm>>
      %dma_start3A_82 = tpu.memref_slice %arg3[%mul3A_4] : memref<819200xi32, #tpu.memory_space<hbm>> -> memref<25600xi32, #tpu.memory_space<hbm>>
      tpu.enqueue_dma source(%dma_start3A_82 : memref<25600xi32, #tpu.memory_space<hbm>>) target(%arg5 : memref<25600xi32, #tpu.memory_space<vmem>>) target_semaphore(%run_scoped3A : memref<!tpu.dma_semaphore, #tpu.memory_space<semaphore_mem>>)
      %dma_wait3A_83 = tpu.memref_slice %arg3[%mul3A_4] : memref<819200xi32, #tpu.memory_space<hbm>> -> memref<25600xi32, #tpu.memory_space<hbm>>
      %dma_wait3A_84 = tpu.memref_slice %arg3[%mul3A_4] : memref<819200xi32, #tpu.memory_space<hbm>> -> memref<25600xi32, #tpu.memory_space<hbm>>
      tpu.wait_dma2 semaphore(%run_scoped3A : memref<!tpu.dma_semaphore, #tpu.memory_space<semaphore_mem>>) src(%dma_wait3A_84 : memref<25600xi32, #tpu.memory_space<hbm>>) dst(%arg5 : memref<25600xi32, #tpu.memory_space<vmem>>)
      tpu.yield
    }) : () -> ()
    %iota3A = tpu.iota {dimensions = array<i32: 0>} : vector<16xi32>
    %mul3A_5 = arith.constant 50 : i32
    %mul3A_6 = vector.broadcast %mul3A_5 : i32 to vector<16xi32>
    %mul3A_7 = arith.muli %iota3A, %mul3A_6 : vector<16xi32>
    %scan3A = arith.constant 0 : i32
    %scan3A_8 = arith.constant 0 : i32
    %scan3A_9 = arith.constant 50 : i32
    %scan3A_10 = arith.addi %scan3A_8, %scan3A_9 : i32
    %scan3A_11 = arith.constant 1 : i32
    scf.for %scan3A_81 = %scan3A_8 to %scan3A_10 step %scan3A_11  : i32 {
      %add3A_82 = arith.constant 0 : i32
      %add3A_83 = arith.addi %add3A_82, %scan3A_81 : i32
      %add3A_84 = vector.broadcast %add3A_83 : i32 to vector<16xi32>
      %add3A_85 = arith.addi %mul3A_7, %add3A_84 : vector<16xi32>
      %gather3A = tpu.vector_load_idx %arg5[%add3A_85] : memref<25600xi32, #tpu.memory_space<vmem>>[vector<16xi32>], vector<16xi32>,
      %swap3A = arith.index_cast %scan3A_81 : i32 to index
      %swap3A_86 = arith.constant 0 : index
      %swap3A_87 = tpu.vector_load %arg6[%swap3A, %swap3A_86] {strides = array<i32>} : memref<50x512xi32, #tpu.memory_space<vmem>>, vector<16xi32>,
      tpu.vector_store %arg6[%swap3A, %swap3A_86], %gather3A {strides = array<i32>} : memref<50x512xi32, #tpu.memory_space<vmem>>, vector<16xi32>,
      %add3A_88 = arith.constant 800 : i32
      %add3A_89 = arith.addi %add3A_88, %scan3A_81 : i32
      %add3A_90 = vector.broadcast %add3A_89 : i32 to vector<16xi32>
      %add3A_91 = arith.addi %mul3A_7, %add3A_90 : vector<16xi32>
      %gather3A_92 = tpu.vector_load_idx %arg5[%add3A_91] : memref<25600xi32, #tpu.memory_space<vmem>>[vector<16xi32>], vector<16xi32>,
      %swap3A_93 = arith.index_cast %scan3A_81 : i32 to index
      %swap3A_94 = arith.constant 16 : index
      %swap3A_95 = tpu.vector_load %arg6[%swap3A_93, %swap3A_94] {strides = array<i32>} : memref<50x512xi32, #tpu.memory_space<vmem>>, vector<16xi32>,
      tpu.vector_store %arg6[%swap3A_93, %swap3A_94], %gather3A_92 {strides = array<i32>} : memref<50x512xi32, #tpu.memory_space<vmem>>, vector<16xi32>,
      %add3A_96 = arith.constant 1600 : i32
      %add3A_97 = arith.addi %add3A_96, %scan3A_81 : i32
      %add3A_98 = vector.broadcast %add3A_97 : i32 to vector<16xi32>
      %add3A_99 = arith.addi %mul3A_7, %add3A_98 : vector<16xi32>
      %gather3A_100 = tpu.vector_load_idx %arg5[%add3A_99] : memref<25600xi32, #tpu.memory_space<vmem>>[vector<16xi32>], vector<16xi32>,
      %swap3A_101 = arith.index_cast %scan3A_81 : i32 to index
      %swap3A_102 = arith.constant 32 : index
      %swap3A_103 = tpu.vector_load %arg6[%swap3A_101, %swap3A_102] {strides = array<i32>} : memref<50x512xi32, #tpu.memory_space<vmem>>, vector<16xi32>,
      tpu.vector_store %arg6[%swap3A_101, %swap3A_102], %gather3A_100 {strides = array<i32>} : memref<50x512xi32, #tpu.memory_space<vmem>>, vector<16xi32>,
      %add3A_104 = arith.constant 2400 : i32
      %add3A_105 = arith.addi %add3A_104, %scan3A_81 : i32
      %add3A_106 = vector.broadcast %add3A_105 : i32 to vector<16xi32>
      %add3A_107 = arith.addi %mul3A_7, %add3A_106 : vector<16xi32>
      %gather3A_108 = tpu.vector_load_idx %arg5[%add3A_107] : memref<25600xi32, #tpu.memory_space<vmem>>[vector<16xi32>], vector<16xi32>,
      %swap3A_109 = arith.index_cast %scan3A_81 : i32 to index
      %swap3A_110 = arith.constant 48 : index
      %swap3A_111 = tpu.vector_load %arg6[%swap3A_109, %swap3A_110] {strides = array<i32>} : memref<50x512xi32, #tpu.memory_space<vmem>>, vector<16xi32>,
      tpu.vector_store %arg6[%swap3A_109, %swap3A_110], %gather3A_108 {strides = array<i32>} : memref<50x512xi32, #tpu.memory_space<vmem>>, vector<16xi32>,
      %add3A_112 = arith.constant 3200 : i32
      %add3A_113 = arith.addi %add3A_112, %scan3A_81 : i32
      %add3A_114 = vector.broadcast %add3A_113 : i32 to vector<16xi32>
      %add3A_115 = arith.addi %mul3A_7, %add3A_114 : vector<16xi32>
      %gather3A_116 = tpu.vector_load_idx %arg5[%add3A_115] : memref<25600xi32, #tpu.memory_space<vmem>>[vector<16xi32>], vector<16xi32>,
      %swap3A_117 = arith.index_cast %scan3A_81 : i32 to index
      %swap3A_118 = arith.constant 64 : index
      %swap3A_119 = tpu.vector_load %arg6[%swap3A_117, %swap3A_118] {strides = array<i32>} : memref<50x512xi32, #tpu.memory_space<vmem>>, vector<16xi32>,
      tpu.vector_store %arg6[%swap3A_117, %swap3A_118], %gather3A_116 {strides = array<i32>} : memref<50x512xi32, #tpu.memory_space<vmem>>, vector<16xi32>,
      %add3A_120 = arith.constant 4000 : i32
      %add3A_121 = arith.addi %add3A_120, %scan3A_81 : i32
      %add3A_122 = vector.broadcast %add3A_121 : i32 to vector<16xi32>
      %add3A_123 = arith.addi %mul3A_7, %add3A_122 : vector<16xi32>
      %gather3A_124 = tpu.vector_load_idx %arg5[%add3A_123] : memref<25600xi32, #tpu.memory_space<vmem>>[vector<16xi32>], vector<16xi32>,
      %swap3A_125 = arith.index_cast %scan3A_81 : i32 to index
      %swap3A_126 = arith.constant 80 : index
      %swap3A_127 = tpu.vector_load %arg6[%swap3A_125, %swap3A_126] {strides = array<i32>} : memref<50x512xi32, #tpu.memory_space<vmem>>, vector<16xi32>,
      tpu.vector_store %arg6[%swap3A_125, %swap3A_126], %gather3A_124 {strides = array<i32>} : memref<50x512xi32, #tpu.memory_space<vmem>>, vector<16xi32>,
      %add3A_128 = arith.constant 4800 : i32
      %add3A_129 = arith.addi %add3A_128, %scan3A_81 : i32
      %add3A_130 = vector.broadcast %add3A_129 : i32 to vector<16xi32>
      %add3A_131 = arith.addi %mul3A_7, %add3A_130 : vector<16xi32>
      %gather3A_132 = tpu.vector_load_idx %arg5[%add3A_131] : memref<25600xi32, #tpu.memory_space<vmem>>[vector<16xi32>], vector<16xi32>,
      %swap3A_133 = arith.index_cast %scan3A_81 : i32 to index
      %swap3A_134 = arith.constant 96 : index
      %swap3A_135 = tpu.vector_load %arg6[%swap3A_133, %swap3A_134] {strides = array<i32>} : memref<50x512xi32, #tpu.memory_space<vmem>>, vector<16xi32>,
      tpu.vector_store %arg6[%swap3A_133, %swap3A_134], %gather3A_132 {strides = array<i32>} : memref<50x512xi32, #tpu.memory_space<vmem>>, vector<16xi32>,
      %add3A_136 = arith.constant 5600 : i32
      %add3A_137 = arith.addi %add3A_136, %scan3A_81 : i32
      %add3A_138 = vector.broadcast %add3A_137 : i32 to vector<16xi32>
      %add3A_139 = arith.addi %mul3A_7, %add3A_138 : vector<16xi32>
      %gather3A_140 = tpu.vector_load_idx %arg5[%add3A_139] : memref<25600xi32, #tpu.memory_space<vmem>>[vector<16xi32>], vector<16xi32>,
      %swap3A_141 = arith.index_cast %scan3A_81 : i32 to index
      %swap3A_142 = arith.constant 112 : index
      %swap3A_143 = tpu.vector_load %arg6[%swap3A_141, %swap3A_142] {strides = array<i32>} : memref<50x512xi32, #tpu.memory_space<vmem>>, vector<16xi32>,
      tpu.vector_store %arg6[%swap3A_141, %swap3A_142], %gather3A_140 {strides = array<i32>} : memref<50x512xi32, #tpu.memory_space<vmem>>, vector<16xi32>,
      %add3A_144 = arith.constant 6400 : i32
      %add3A_145 = arith.addi %add3A_144, %scan3A_81 : i32
      %add3A_146 = vector.broadcast %add3A_145 : i32 to vector<16xi32>
      %add3A_147 = arith.addi %mul3A_7, %add3A_146 : vector<16xi32>
      %gather3A_148 = tpu.vector_load_idx %arg5[%add3A_147] : memref<25600xi32, #tpu.memory_space<vmem>>[vector<16xi32>], vector<16xi32>,
      %swap3A_149 = arith.index_cast %scan3A_81 : i32 to index
      %swap3A_150 = arith.constant 128 : index
      %swap3A_151 = tpu.vector_load %arg6[%swap3A_149, %swap3A_150] {strides = array<i32>} : memref<50x512xi32, #tpu.memory_space<vmem>>, vector<16xi32>,
      tpu.vector_store %arg6[%swap3A_149, %swap3A_150], %gather3A_148 {strides = array<i32>} : memref<50x512xi32, #tpu.memory_space<vmem>>, vector<16xi32>,
      %add3A_152 = arith.constant 7200 : i32
      %add3A_153 = arith.addi %add3A_152, %scan3A_81 : i32
      %add3A_154 = vector.broadcast %add3A_153 : i32 to vector<16xi32>
      %add3A_155 = arith.addi %mul3A_7, %add3A_154 : vector<16xi32>
      %gather3A_156 = tpu.vector_load_idx %arg5[%add3A_155] : memref<25600xi32, #tpu.memory_space<vmem>>[vector<16xi32>], vector<16xi32>,
      %swap3A_157 = arith.index_cast %scan3A_81 : i32 to index
      %swap3A_158 = arith.constant 144 : index
      %swap3A_159 = tpu.vector_load %arg6[%swap3A_157, %swap3A_158] {strides = array<i32>} : memref<50x512xi32, #tpu.memory_space<vmem>>, vector<16xi32>,
      tpu.vector_store %arg6[%swap3A_157, %swap3A_158], %gather3A_156 {strides = array<i32>} : memref<50x512xi32, #tpu.memory_space<vmem>>, vector<16xi32>,
      %add3A_160 = arith.constant 8000 : i32
      %add3A_161 = arith.addi %add3A_160, %scan3A_81 : i32
      %add3A_162 = vector.broadcast %add3A_161 : i32 to vector<16xi32>
      %add3A_163 = arith.addi %mul3A_7, %add3A_162 : vector<16xi32>
      %gather3A_164 = tpu.vector_load_idx %arg5[%add3A_163] : memref<25600xi32, #tpu.memory_space<vmem>>[vector<16xi32>], vector<16xi32>,
      %swap3A_165 = arith.index_cast %scan3A_81 : i32 to index
      %swap3A_166 = arith.constant 160 : index
      %swap3A_167 = tpu.vector_load %arg6[%swap3A_165, %swap3A_166] {strides = array<i32>} : memref<50x512xi32, #tpu.memory_space<vmem>>, vector<16xi32>,
      tpu.vector_store %arg6[%swap3A_165, %swap3A_166], %gather3A_164 {strides = array<i32>} : memref<50x512xi32, #tpu.memory_space<vmem>>, vector<16xi32>,
      %add3A_168 = arith.constant 8800 : i32
      %add3A_169 = arith.addi %add3A_168, %scan3A_81 : i32
      %add3A_170 = vector.broadcast %add3A_169 : i32 to vector<16xi32>
      %add3A_171 = arith.addi %mul3A_7, %add3A_170 : vector<16xi32>
      %gather3A_172 = tpu.vector_load_idx %arg5[%add3A_171] : memref<25600xi32, #tpu.memory_space<vmem>>[vector<16xi32>], vector<16xi32>,
      %swap3A_173 = arith.index_cast %scan3A_81 : i32 to index
      %swap3A_174 = arith.constant 176 : index
      %swap3A_175 = tpu.vector_load %arg6[%swap3A_173, %swap3A_174] {strides = array<i32>} : memref<50x512xi32, #tpu.memory_space<vmem>>, vector<16xi32>,
      tpu.vector_store %arg6[%swap3A_173, %swap3A_174], %gather3A_172 {strides = array<i32>} : memref<50x512xi32, #tpu.memory_space<vmem>>, vector<16xi32>,
      %add3A_176 = arith.constant 9600 : i32
      %add3A_177 = arith.addi %add3A_176, %scan3A_81 : i32
      %add3A_178 = vector.broadcast %add3A_177 : i32 to vector<16xi32>
      %add3A_179 = arith.addi %mul3A_7, %add3A_178 : vector<16xi32>
      %gather3A_180 = tpu.vector_load_idx %arg5[%add3A_179] : memref<25600xi32, #tpu.memory_space<vmem>>[vector<16xi32>], vector<16xi32>,
      %swap3A_181 = arith.index_cast %scan3A_81 : i32 to index
      %swap3A_182 = arith.constant 192 : index
      %swap3A_183 = tpu.vector_load %arg6[%swap3A_181, %swap3A_182] {strides = array<i32>} : memref<50x512xi32, #tpu.memory_space<vmem>>, vector<16xi32>,
      tpu.vector_store %arg6[%swap3A_181, %swap3A_182], %gather3A_180 {strides = array<i32>} : memref<50x512xi32, #tpu.memory_space<vmem>>, vector<16xi32>,
      %add3A_184 = arith.constant 10400 : i32
      %add3A_185 = arith.addi %add3A_184, %scan3A_81 : i32
      %add3A_186 = vector.broadcast %add3A_185 : i32 to vector<16xi32>
      %add3A_187 = arith.addi %mul3A_7, %add3A_186 : vector<16xi32>
      %gather3A_188 = tpu.vector_load_idx %arg5[%add3A_187] : memref<25600xi32, #tpu.memory_space<vmem>>[vector<16xi32>], vector<16xi32>,
      %swap3A_189 = arith.index_cast %scan3A_81 : i32 to index
      %swap3A_190 = arith.constant 208 : index
      %swap3A_191 = tpu.vector_load %arg6[%swap3A_189, %swap3A_190] {strides = array<i32>} : memref<50x512xi32, #tpu.memory_space<vmem>>, vector<16xi32>,
      tpu.vector_store %arg6[%swap3A_189, %swap3A_190], %gather3A_188 {strides = array<i32>} : memref<50x512xi32, #tpu.memory_space<vmem>>, vector<16xi32>,
      %add3A_192 = arith.constant 11200 : i32
      %add3A_193 = arith.addi %add3A_192, %scan3A_81 : i32
      %add3A_194 = vector.broadcast %add3A_193 : i32 to vector<16xi32>
      %add3A_195 = arith.addi %mul3A_7, %add3A_194 : vector<16xi32>
      %gather3A_196 = tpu.vector_load_idx %arg5[%add3A_195] : memref<25600xi32, #tpu.memory_space<vmem>>[vector<16xi32>], vector<16xi32>,
      %swap3A_197 = arith.index_cast %scan3A_81 : i32 to index
      %swap3A_198 = arith.constant 224 : index
      %swap3A_199 = tpu.vector_load %arg6[%swap3A_197, %swap3A_198] {strides = array<i32>} : memref<50x512xi32, #tpu.memory_space<vmem>>, vector<16xi32>,
      tpu.vector_store %arg6[%swap3A_197, %swap3A_198], %gather3A_196 {strides = array<i32>} : memref<50x512xi32, #tpu.memory_space<vmem>>, vector<16xi32>,
      %add3A_200 = arith.constant 12000 : i32
      %add3A_201 = arith.addi %add3A_200, %scan3A_81 : i32
      %add3A_202 = vector.broadcast %add3A_201 : i32 to vector<16xi32>
      %add3A_203 = arith.addi %mul3A_7, %add3A_202 : vector<16xi32>
      %gather3A_204 = tpu.vector_load_idx %arg5[%add3A_203] : memref<25600xi32, #tpu.memory_space<vmem>>[vector<16xi32>], vector<16xi32>,
      %swap3A_205 = arith.index_cast %scan3A_81 : i32 to index
      %swap3A_206 = arith.constant 240 : index
      %swap3A_207 = tpu.vector_load %arg6[%swap3A_205, %swap3A_206] {strides = array<i32>} : memref<50x512xi32, #tpu.memory_space<vmem>>, vector<16xi32>,
      tpu.vector_store %arg6[%swap3A_205, %swap3A_206], %gather3A_204 {strides = array<i32>} : memref<50x512xi32, #tpu.memory_space<vmem>>, vector<16xi32>,
      %add3A_208 = arith.constant 12800 : i32
      %add3A_209 = arith.addi %add3A_208, %scan3A_81 : i32
      %add3A_210 = vector.broadcast %add3A_209 : i32 to vector<16xi32>
      %add3A_211 = arith.addi %mul3A_7, %add3A_210 : vector<16xi32>
      %gather3A_212 = tpu.vector_load_idx %arg5[%add3A_211] : memref<25600xi32, #tpu.memory_space<vmem>>[vector<16xi32>], vector<16xi32>,
      %swap3A_213 = arith.index_cast %scan3A_81 : i32 to index
      %swap3A_214 = arith.constant 256 : index
      %swap3A_215 = tpu.vector_load %arg6[%swap3A_213, %swap3A_214] {strides = array<i32>} : memref<50x512xi32, #tpu.memory_space<vmem>>, vector<16xi32>,
      tpu.vector_store %arg6[%swap3A_213, %swap3A_214], %gather3A_212 {strides = array<i32>} : memref<50x512xi32, #tpu.memory_space<vmem>>, vector<16xi32>,
      %add3A_216 = arith.constant 13600 : i32
      %add3A_217 = arith.addi %add3A_216, %scan3A_81 : i32
      %add3A_218 = vector.broadcast %add3A_217 : i32 to vector<16xi32>
      %add3A_219 = arith.addi %mul3A_7, %add3A_218 : vector<16xi32>
      %gather3A_220 = tpu.vector_load_idx %arg5[%add3A_219] : memref<25600xi32, #tpu.memory_space<vmem>>[vector<16xi32>], vector<16xi32>,
      %swap3A_221 = arith.index_cast %scan3A_81 : i32 to index
      %swap3A_222 = arith.constant 272 : index
      %swap3A_223 = tpu.vector_load %arg6[%swap3A_221, %swap3A_222] {strides = array<i32>} : memref<50x512xi32, #tpu.memory_space<vmem>>, vector<16xi32>,
      tpu.vector_store %arg6[%swap3A_221, %swap3A_222], %gather3A_220 {strides = array<i32>} : memref<50x512xi32, #tpu.memory_space<vmem>>, vector<16xi32>,
      %add3A_224 = arith.constant 14400 : i32
      %add3A_225 = arith.addi %add3A_224, %scan3A_81 : i32
      %add3A_226 = vector.broadcast %add3A_225 : i32 to vector<16xi32>
      %add3A_227 = arith.addi %mul3A_7, %add3A_226 : vector<16xi32>
      %gather3A_228 = tpu.vector_load_idx %arg5[%add3A_227] : memref<25600xi32, #tpu.memory_space<vmem>>[vector<16xi32>], vector<16xi32>,
      %swap3A_229 = arith.index_cast %scan3A_81 : i32 to index
      %swap3A_230 = arith.constant 288 : index
      %swap3A_231 = tpu.vector_load %arg6[%swap3A_229, %swap3A_230] {strides = array<i32>} : memref<50x512xi32, #tpu.memory_space<vmem>>, vector<16xi32>,
      tpu.vector_store %arg6[%swap3A_229, %swap3A_230], %gather3A_228 {strides = array<i32>} : memref<50x512xi32, #tpu.memory_space<vmem>>, vector<16xi32>,
      %add3A_232 = arith.constant 15200 : i32
      %add3A_233 = arith.addi %add3A_232, %scan3A_81 : i32
      %add3A_234 = vector.broadcast %add3A_233 : i32 to vector<16xi32>
      %add3A_235 = arith.addi %mul3A_7, %add3A_234 : vector<16xi32>
      %gather3A_236 = tpu.vector_load_idx %arg5[%add3A_235] : memref<25600xi32, #tpu.memory_space<vmem>>[vector<16xi32>], vector<16xi32>,
      %swap3A_237 = arith.index_cast %scan3A_81 : i32 to index
      %swap3A_238 = arith.constant 304 : index
      %swap3A_239 = tpu.vector_load %arg6[%swap3A_237, %swap3A_238] {strides = array<i32>} : memref<50x512xi32, #tpu.memory_space<vmem>>, vector<16xi32>,
      tpu.vector_store %arg6[%swap3A_237, %swap3A_238], %gather3A_236 {strides = array<i32>} : memref<50x512xi32, #tpu.memory_space<vmem>>, vector<16xi32>,
      %add3A_240 = arith.constant 16000 : i32
      %add3A_241 = arith.addi %add3A_240, %scan3A_81 : i32
      %add3A_242 = vector.broadcast %add3A_241 : i32 to vector<16xi32>
      %add3A_243 = arith.addi %mul3A_7, %add3A_242 : vector<16xi32>
      %gather3A_244 = tpu.vector_load_idx %arg5[%add3A_243] : memref<25600xi32, #tpu.memory_space<vmem>>[vector<16xi32>], vector<16xi32>,
      %swap3A_245 = arith.index_cast %scan3A_81 : i32 to index
      %swap3A_246 = arith.constant 320 : index
      %swap3A_247 = tpu.vector_load %arg6[%swap3A_245, %swap3A_246] {strides = array<i32>} : memref<50x512xi32, #tpu.memory_space<vmem>>, vector<16xi32>,
      tpu.vector_store %arg6[%swap3A_245, %swap3A_246], %gather3A_244 {strides = array<i32>} : memref<50x512xi32, #tpu.memory_space<vmem>>, vector<16xi32>,
      %add3A_248 = arith.constant 16800 : i32
      %add3A_249 = arith.addi %add3A_248, %scan3A_81 : i32
      %add3A_250 = vector.broadcast %add3A_249 : i32 to vector<16xi32>
      %add3A_251 = arith.addi %mul3A_7, %add3A_250 : vector<16xi32>
      %gather3A_252 = tpu.vector_load_idx %arg5[%add3A_251] : memref<25600xi32, #tpu.memory_space<vmem>>[vector<16xi32>], vector<16xi32>,
      %swap3A_253 = arith.index_cast %scan3A_81 : i32 to index
      %swap3A_254 = arith.constant 336 : index
      %swap3A_255 = tpu.vector_load %arg6[%swap3A_253, %swap3A_254] {strides = array<i32>} : memref<50x512xi32, #tpu.memory_space<vmem>>, vector<16xi32>,
      tpu.vector_store %arg6[%swap3A_253, %swap3A_254], %gather3A_252 {strides = array<i32>} : memref<50x512xi32, #tpu.memory_space<vmem>>, vector<16xi32>,
      %add3A_256 = arith.constant 17600 : i32
      %add3A_257 = arith.addi %add3A_256, %scan3A_81 : i32
      %add3A_258 = vector.broadcast %add3A_257 : i32 to vector<16xi32>
      %add3A_259 = arith.addi %mul3A_7, %add3A_258 : vector<16xi32>
      %gather3A_260 = tpu.vector_load_idx %arg5[%add3A_259] : memref<25600xi32, #tpu.memory_space<vmem>>[vector<16xi32>], vector<16xi32>,
      %swap3A_261 = arith.index_cast %scan3A_81 : i32 to index
      %swap3A_262 = arith.constant 352 : index
      %swap3A_263 = tpu.vector_load %arg6[%swap3A_261, %swap3A_262] {strides = array<i32>} : memref<50x512xi32, #tpu.memory_space<vmem>>, vector<16xi32>,
      tpu.vector_store %arg6[%swap3A_261, %swap3A_262], %gather3A_260 {strides = array<i32>} : memref<50x512xi32, #tpu.memory_space<vmem>>, vector<16xi32>,
      %add3A_264 = arith.constant 18400 : i32
      %add3A_265 = arith.addi %add3A_264, %scan3A_81 : i32
      %add3A_266 = vector.broadcast %add3A_265 : i32 to vector<16xi32>
      %add3A_267 = arith.addi %mul3A_7, %add3A_266 : vector<16xi32>
      %gather3A_268 = tpu.vector_load_idx %arg5[%add3A_267] : memref<25600xi32, #tpu.memory_space<vmem>>[vector<16xi32>], vector<16xi32>,
      %swap3A_269 = arith.index_cast %scan3A_81 : i32 to index
      %swap3A_270 = arith.constant 368 : index
      %swap3A_271 = tpu.vector_load %arg6[%swap3A_269, %swap3A_270] {strides = array<i32>} : memref<50x512xi32, #tpu.memory_space<vmem>>, vector<16xi32>,
      tpu.vector_store %arg6[%swap3A_269, %swap3A_270], %gather3A_268 {strides = array<i32>} : memref<50x512xi32, #tpu.memory_space<vmem>>, vector<16xi32>,
      %add3A_272 = arith.constant 19200 : i32
      %add3A_273 = arith.addi %add3A_272, %scan3A_81 : i32
      %add3A_274 = vector.broadcast %add3A_273 : i32 to vector<16xi32>
      %add3A_275 = arith.addi %mul3A_7, %add3A_274 : vector<16xi32>
      %gather3A_276 = tpu.vector_load_idx %arg5[%add3A_275] : memref<25600xi32, #tpu.memory_space<vmem>>[vector<16xi32>], vector<16xi32>,
      %swap3A_277 = arith.index_cast %scan3A_81 : i32 to index
      %swap3A_278 = arith.constant 384 : index
      %swap3A_279 = tpu.vector_load %arg6[%swap3A_277, %swap3A_278] {strides = array<i32>} : memref<50x512xi32, #tpu.memory_space<vmem>>, vector<16xi32>,
      tpu.vector_store %arg6[%swap3A_277, %swap3A_278], %gather3A_276 {strides = array<i32>} : memref<50x512xi32, #tpu.memory_space<vmem>>, vector<16xi32>,
      %add3A_280 = arith.constant 20000 : i32
      %add3A_281 = arith.addi %add3A_280, %scan3A_81 : i32
      %add3A_282 = vector.broadcast %add3A_281 : i32 to vector<16xi32>
      %add3A_283 = arith.addi %mul3A_7, %add3A_282 : vector<16xi32>
      %gather3A_284 = tpu.vector_load_idx %arg5[%add3A_283] : memref<25600xi32, #tpu.memory_space<vmem>>[vector<16xi32>], vector<16xi32>,
      %swap3A_285 = arith.index_cast %scan3A_81 : i32 to index
      %swap3A_286 = arith.constant 400 : index
      %swap3A_287 = tpu.vector_load %arg6[%swap3A_285, %swap3A_286] {strides = array<i32>} : memref<50x512xi32, #tpu.memory_space<vmem>>, vector<16xi32>,
      tpu.vector_store %arg6[%swap3A_285, %swap3A_286], %gather3A_284 {strides = array<i32>} : memref<50x512xi32, #tpu.memory_space<vmem>>, vector<16xi32>,
      %add3A_288 = arith.constant 20800 : i32
      %add3A_289 = arith.addi %add3A_288, %scan3A_81 : i32
      %add3A_290 = vector.broadcast %add3A_289 : i32 to vector<16xi32>
      %add3A_291 = arith.addi %mul3A_7, %add3A_290 : vector<16xi32>
      %gather3A_292 = tpu.vector_load_idx %arg5[%add3A_291] : memref<25600xi32, #tpu.memory_space<vmem>>[vector<16xi32>], vector<16xi32>,
      %swap3A_293 = arith.index_cast %scan3A_81 : i32 to index
      %swap3A_294 = arith.constant 416 : index
      %swap3A_295 = tpu.vector_load %arg6[%swap3A_293, %swap3A_294] {strides = array<i32>} : memref<50x512xi32, #tpu.memory_space<vmem>>, vector<16xi32>,
      tpu.vector_store %arg6[%swap3A_293, %swap3A_294], %gather3A_292 {strides = array<i32>} : memref<50x512xi32, #tpu.memory_space<vmem>>, vector<16xi32>,
      %add3A_296 = arith.constant 21600 : i32
      %add3A_297 = arith.addi %add3A_296, %scan3A_81 : i32
      %add3A_298 = vector.broadcast %add3A_297 : i32 to vector<16xi32>
      %add3A_299 = arith.addi %mul3A_7, %add3A_298 : vector<16xi32>
      %gather3A_300 = tpu.vector_load_idx %arg5[%add3A_299] : memref<25600xi32, #tpu.memory_space<vmem>>[vector<16xi32>], vector<16xi32>,
      %swap3A_301 = arith.index_cast %scan3A_81 : i32 to index
      %swap3A_302 = arith.constant 432 : index
      %swap3A_303 = tpu.vector_load %arg6[%swap3A_301, %swap3A_302] {strides = array<i32>} : memref<50x512xi32, #tpu.memory_space<vmem>>, vector<16xi32>,
      tpu.vector_store %arg6[%swap3A_301, %swap3A_302], %gather3A_300 {strides = array<i32>} : memref<50x512xi32, #tpu.memory_space<vmem>>, vector<16xi32>,
      %add3A_304 = arith.constant 22400 : i32
      %add3A_305 = arith.addi %add3A_304, %scan3A_81 : i32
      %add3A_306 = vector.broadcast %add3A_305 : i32 to vector<16xi32>
      %add3A_307 = arith.addi %mul3A_7, %add3A_306 : vector<16xi32>
      %gather3A_308 = tpu.vector_load_idx %arg5[%add3A_307] : memref<25600xi32, #tpu.memory_space<vmem>>[vector<16xi32>], vector<16xi32>,
      %swap3A_309 = arith.index_cast %scan3A_81 : i32 to index
      %swap3A_310 = arith.constant 448 : index
      %swap3A_311 = tpu.vector_load %arg6[%swap3A_309, %swap3A_310] {strides = array<i32>} : memref<50x512xi32, #tpu.memory_space<vmem>>, vector<16xi32>,
      tpu.vector_store %arg6[%swap3A_309, %swap3A_310], %gather3A_308 {strides = array<i32>} : memref<50x512xi32, #tpu.memory_space<vmem>>, vector<16xi32>,
      %add3A_312 = arith.constant 23200 : i32
      %add3A_313 = arith.addi %add3A_312, %scan3A_81 : i32
      %add3A_314 = vector.broadcast %add3A_313 : i32 to vector<16xi32>
      %add3A_315 = arith.addi %mul3A_7, %add3A_314 : vector<16xi32>
      %gather3A_316 = tpu.vector_load_idx %arg5[%add3A_315] : memref<25600xi32, #tpu.memory_space<vmem>>[vector<16xi32>], vector<16xi32>,
      %swap3A_317 = arith.index_cast %scan3A_81 : i32 to index
      %swap3A_318 = arith.constant 464 : index
      %swap3A_319 = tpu.vector_load %arg6[%swap3A_317, %swap3A_318] {strides = array<i32>} : memref<50x512xi32, #tpu.memory_space<vmem>>, vector<16xi32>,
      tpu.vector_store %arg6[%swap3A_317, %swap3A_318], %gather3A_316 {strides = array<i32>} : memref<50x512xi32, #tpu.memory_space<vmem>>, vector<16xi32>,
      %add3A_320 = arith.constant 24000 : i32
      %add3A_321 = arith.addi %add3A_320, %scan3A_81 : i32
      %add3A_322 = vector.broadcast %add3A_321 : i32 to vector<16xi32>
      %add3A_323 = arith.addi %mul3A_7, %add3A_322 : vector<16xi32>
      %gather3A_324 = tpu.vector_load_idx %arg5[%add3A_323] : memref<25600xi32, #tpu.memory_space<vmem>>[vector<16xi32>], vector<16xi32>,
      %swap3A_325 = arith.index_cast %scan3A_81 : i32 to index
      %swap3A_326 = arith.constant 480 : index
      %swap3A_327 = tpu.vector_load %arg6[%swap3A_325, %swap3A_326] {strides = array<i32>} : memref<50x512xi32, #tpu.memory_space<vmem>>, vector<16xi32>,
      tpu.vector_store %arg6[%swap3A_325, %swap3A_326], %gather3A_324 {strides = array<i32>} : memref<50x512xi32, #tpu.memory_space<vmem>>, vector<16xi32>,
      %add3A_328 = arith.constant 24800 : i32
      %add3A_329 = arith.addi %add3A_328, %scan3A_81 : i32
      %add3A_330 = vector.broadcast %add3A_329 : i32 to vector<16xi32>
      %add3A_331 = arith.addi %mul3A_7, %add3A_330 : vector<16xi32>
      %gather3A_332 = tpu.vector_load_idx %arg5[%add3A_331] : memref<25600xi32, #tpu.memory_space<vmem>>[vector<16xi32>], vector<16xi32>,
      %swap3A_333 = arith.index_cast %scan3A_81 : i32 to index
      %swap3A_334 = arith.constant 496 : index
      %swap3A_335 = tpu.vector_load %arg6[%swap3A_333, %swap3A_334] {strides = array<i32>} : memref<50x512xi32, #tpu.memory_space<vmem>>, vector<16xi32>,
      tpu.vector_store %arg6[%swap3A_333, %swap3A_334], %gather3A_332 {strides = array<i32>} : memref<50x512xi32, #tpu.memory_space<vmem>>, vector<16xi32>,
    }
    %scan3A_12 = arith.constant 50 : i32
    %dma_start3A = arith.constant 0 : i32
    %dma_start3A_13 = arith.constant 0 : i32
    %dma_start3A_14 = tpu.memref_slice %arg6[%dma_start3A, %dma_start3A_13] : memref<50x512xi32, #tpu.memory_space<vmem>> -> memref<1x128xi32, #tpu.memory_space<vmem>>
    %dma_start3A_15 = tpu.memref_squeeze %dma_start3A_14 : memref<1x128xi32, #tpu.memory_space<vmem>> -> memref<128xi32, #tpu.memory_space<vmem>>
    %dma_start3A_16 = arith.constant 0 : i32
    %dma_start3A_17 = arith.constant 0 : i32
    %dma_start3A_18 = tpu.memref_slice %arg2[%dma_start3A_16, %dma_start3A_17] : memref<1000000x32xf32, #tpu.memory_space<hbm>> -> memref<1000000x32xf32, #tpu.memory_space<hbm>>
    tpu.enqueue_indirect_dma source(%dma_start3A_18 : memref<1000000x32xf32, #tpu.memory_space<hbm>>) target(%arg7 : memref<128x32xf32, #tpu.memory_space<vmem>>) offsets(%dma_start3A_15 : memref<128xi32, #tpu.memory_space<vmem>>) semaphore(%arg15 : memref<!tpu.dma_semaphore, #tpu.memory_space<semaphore_mem>>)
    %dma_start3A_19 = arith.constant 0 : i32
    %dma_start3A_20 = arith.constant 128 : i32
    %dma_start3A_21 = tpu.memref_slice %arg6[%dma_start3A_19, %dma_start3A_20] : memref<50x512xi32, #tpu.memory_space<vmem>> -> memref<1x128xi32, #tpu.memory_space<vmem>>
    %dma_start3A_22 = tpu.memref_squeeze %dma_start3A_21 : memref<1x128xi32, #tpu.memory_space<vmem>> -> memref<128xi32, #tpu.memory_space<vmem>>
    %dma_start3A_23 = arith.constant 0 : i32
    %dma_start3A_24 = arith.constant 0 : i32
    %dma_start3A_25 = tpu.memref_slice %arg2[%dma_start3A_23, %dma_start3A_24] : memref<1000000x32xf32, #tpu.memory_space<hbm>> -> memref<1000000x32xf32, #tpu.memory_space<hbm>>
    tpu.enqueue_indirect_dma source(%dma_start3A_25 : memref<1000000x32xf32, #tpu.memory_space<hbm>>) target(%arg8 : memref<128x32xf32, #tpu.memory_space<vmem>>) offsets(%dma_start3A_22 : memref<128xi32, #tpu.memory_space<vmem>>) semaphore(%arg16 : memref<!tpu.dma_semaphore, #tpu.memory_space<semaphore_mem>>)
    %dma_start3A_26 = arith.constant 0 : i32
    %dma_start3A_27 = arith.constant 256 : i32
    %dma_start3A_28 = tpu.memref_slice %arg6[%dma_start3A_26, %dma_start3A_27] : memref<50x512xi32, #tpu.memory_space<vmem>> -> memref<1x128xi32, #tpu.memory_space<vmem>>
    %dma_start3A_29 = tpu.memref_squeeze %dma_start3A_28 : memref<1x128xi32, #tpu.memory_space<vmem>> -> memref<128xi32, #tpu.memory_space<vmem>>
    %dma_start3A_30 = arith.constant 0 : i32
    %dma_start3A_31 = arith.constant 0 : i32
    %dma_start3A_32 = tpu.memref_slice %arg2[%dma_start3A_30, %dma_start3A_31] : memref<1000000x32xf32, #tpu.memory_space<hbm>> -> memref<1000000x32xf32, #tpu.memory_space<hbm>>
    tpu.enqueue_indirect_dma source(%dma_start3A_32 : memref<1000000x32xf32, #tpu.memory_space<hbm>>) target(%arg9 : memref<128x32xf32, #tpu.memory_space<vmem>>) offsets(%dma_start3A_29 : memref<128xi32, #tpu.memory_space<vmem>>) semaphore(%arg17 : memref<!tpu.dma_semaphore, #tpu.memory_space<semaphore_mem>>)
    %dma_start3A_33 = arith.constant 0 : i32
    %dma_start3A_34 = arith.constant 384 : i32
    %dma_start3A_35 = tpu.memref_slice %arg6[%dma_start3A_33, %dma_start3A_34] : memref<50x512xi32, #tpu.memory_space<vmem>> -> memref<1x128xi32, #tpu.memory_space<vmem>>
    %dma_start3A_36 = tpu.memref_squeeze %dma_start3A_35 : memref<1x128xi32, #tpu.memory_space<vmem>> -> memref<128xi32, #tpu.memory_space<vmem>>
    %dma_start3A_37 = arith.constant 0 : i32
    %dma_start3A_38 = arith.constant 0 : i32
    %dma_start3A_39 = tpu.memref_slice %arg2[%dma_start3A_37, %dma_start3A_38] : memref<1000000x32xf32, #tpu.memory_space<hbm>> -> memref<1000000x32xf32, #tpu.memory_space<hbm>>
    tpu.enqueue_indirect_dma source(%dma_start3A_39 : memref<1000000x32xf32, #tpu.memory_space<hbm>>) target(%arg10 : memref<128x32xf32, #tpu.memory_space<vmem>>) offsets(%dma_start3A_36 : memref<128xi32, #tpu.memory_space<vmem>>) semaphore(%arg18 : memref<!tpu.dma_semaphore, #tpu.memory_space<semaphore_mem>>)
    %scan3A_40 = arith.constant 0 : i32
    %scan3A_41 = arith.constant 0 : i32
    %scan3A_42 = arith.constant 50 : i32
    %scan3A_43 = arith.addi %scan3A_41, %scan3A_42 : i32
    %scan3A_44 = arith.constant 1 : i32
    scf.for %scan3A_81 = %scan3A_41 to %scan3A_43 step %scan3A_44  : i32 {
      %mul3A_82 = arith.constant 4 : i32
      %mul3A_83 = arith.muli %scan3A_81, %mul3A_82 : i32
      %add3A_84 = arith.constant 0 : i32
      %add3A_85 = arith.addi %mul3A_83, %add3A_84 : i32
      %dma_wait3A_86 = arith.constant 0 : i32
      %dma_wait3A_87 = arith.constant 0 : i32
      %dma_wait3A_88 = tpu.memref_slice %arg2[%dma_wait3A_86, %dma_wait3A_87] : memref<1000000x32xf32, #tpu.memory_space<hbm>> -> memref<128x32xf32, #tpu.memory_space<hbm>>
      %dma_wait3A_89 = arith.constant 0 : i32
      %dma_wait3A_90 = arith.constant 0 : i32
      %dma_wait3A_91 = tpu.memref_slice %arg2[%dma_wait3A_89, %dma_wait3A_90] : memref<1000000x32xf32, #tpu.memory_space<hbm>> -> memref<128x32xf32, #tpu.memory_space<hbm>>
      tpu.wait_dma2 semaphore(%arg15 : memref<!tpu.dma_semaphore, #tpu.memory_space<semaphore_mem>>) src(%dma_wait3A_91 : memref<128x32xf32, #tpu.memory_space<hbm>>) dst(%arg7 : memref<128x32xf32, #tpu.memory_space<vmem>>)
      %ne3A = arith.constant 0 : i32
      %ne3A_92 = arith.cmpi ne, %scan3A_81, %ne3A : i32
      %convert_element_type3A = arith.extui %ne3A_92 : i1 to i32
      %cond3A = arith.constant 0 : i32
      %cond3A_93 = arith.cmpi ne, %convert_element_type3A, %cond3A : i32
      scf.if %cond3A_93 {
        %dma_wait3A_374 = arith.constant 0 : i32
        %dma_wait3A_375 = arith.constant 0 : i32
        %dma_wait3A_376 = arith.constant 0 : i32
        %dma_wait3A_377 = tpu.memref_slice %arg4[%dma_wait3A_374, %dma_wait3A_375, %dma_wait3A_376] : memref<50x32x16384xf32, #tpu.memory_space<hbm>> -> memref<1x32x128xf32, #tpu.memory_space<hbm>>
        %dma_wait3A_378 = tpu.memref_squeeze %dma_wait3A_377 : memref<1x32x128xf32, #tpu.memory_space<hbm>> -> memref<32x128xf32, #tpu.memory_space<hbm>>
        %dma_wait3A_379 = arith.constant 0 : i32
        %dma_wait3A_380 = arith.constant 0 : i32
        %dma_wait3A_381 = tpu.memref_slice %arg4[%dma_wait3A_374, %dma_wait3A_379, %dma_wait3A_380] : memref<50x32x16384xf32, #tpu.memory_space<hbm>> -> memref<1x32x128xf32, #tpu.memory_space<hbm>>
        %dma_wait3A_382 = tpu.memref_squeeze %dma_wait3A_381 : memref<1x32x128xf32, #tpu.memory_space<hbm>> -> memref<32x128xf32, #tpu.memory_space<hbm>>
        tpu.wait_dma2 semaphore(%arg19 : memref<!tpu.dma_semaphore, #tpu.memory_space<semaphore_mem>>) src(%arg11 : memref<32x128xf32, #tpu.memory_space<vmem>>) dst(%dma_wait3A_382 : memref<32x128xf32, #tpu.memory_space<hbm>>)
      } else {
      }
      %iota3A_94 = tpu.iota {dimensions = array<i32: 0>} : vector<16xi32>
      %scan3A_95 = arith.constant 0 : i32
      %scan3A_96 = arith.constant 0 : i32
      %scan3A_97 = arith.constant 16 : i32
      %scan3A_98 = arith.addi %scan3A_96, %scan3A_97 : i32
      %scan3A_99 = arith.constant 1 : i32
      scf.for %scan3A_374 = %scan3A_96 to %scan3A_98 step %scan3A_99  : i32 {
        %add3A_375 = vector.broadcast %scan3A_374 : i32 to vector<16xi32>
        %add3A_376 = arith.addi %iota3A_94, %add3A_375 : vector<16xi32>
        %and3A_377 = arith.constant 15 : i32
        %and3A_378 = vector.broadcast %and3A_377 : i32 to vector<16xi32>
        %and3A_379 = arith.andi %add3A_376, %and3A_378 : vector<16xi32>
        %add3A_380 = arith.constant 0 : i32
        %add3A_381 = vector.broadcast %add3A_380 : i32 to vector<16xi32>
        %add3A_382 = arith.addi %iota3A_94, %add3A_381 : vector<16xi32>
        %add3A_383 = arith.constant 0 : i32
        %add3A_384 = vector.broadcast %add3A_383 : i32 to vector<16xi32>
        %add3A_385 = arith.addi %and3A_379, %add3A_384 : vector<16xi32>
        %gather3A = tpu.vector_load_idx %arg7[%add3A_382, %add3A_385] : memref<128x32xf32, #tpu.memory_space<vmem>>[vector<16xi32>, vector<16xi32>], vector<16xf32>,
        tpu.vector_store_idx %arg11[%add3A_385, %add3A_382], %gather3A : memref<32x128xf32, #tpu.memory_space<vmem>>[vector<16xi32>, vector<16xi32>], vector<16xf32>,
        %add3A_386 = arith.constant 16 : i32
        %add3A_387 = vector.broadcast %add3A_386 : i32 to vector<16xi32>
        %add3A_388 = arith.addi %and3A_379, %add3A_387 : vector<16xi32>
        %gather3A_389 = tpu.vector_load_idx %arg7[%add3A_382, %add3A_388] : memref<128x32xf32, #tpu.memory_space<vmem>>[vector<16xi32>, vector<16xi32>], vector<16xf32>,
        tpu.vector_store_idx %arg11[%add3A_388, %add3A_382], %gather3A_389 : memref<32x128xf32, #tpu.memory_space<vmem>>[vector<16xi32>, vector<16xi32>], vector<16xf32>,
        %add3A_390 = arith.constant 16 : i32
        %add3A_391 = vector.broadcast %add3A_390 : i32 to vector<16xi32>
        %add3A_392 = arith.addi %iota3A_94, %add3A_391 : vector<16xi32>
        %add3A_393 = arith.constant 0 : i32
        %add3A_394 = vector.broadcast %add3A_393 : i32 to vector<16xi32>
        %add3A_395 = arith.addi %and3A_379, %add3A_394 : vector<16xi32>
        %gather3A_396 = tpu.vector_load_idx %arg7[%add3A_392, %add3A_395] : memref<128x32xf32, #tpu.memory_space<vmem>>[vector<16xi32>, vector<16xi32>], vector<16xf32>,
        tpu.vector_store_idx %arg11[%add3A_395, %add3A_392], %gather3A_396 : memref<32x128xf32, #tpu.memory_space<vmem>>[vector<16xi32>, vector<16xi32>], vector<16xf32>,
        %add3A_397 = arith.constant 16 : i32
        %add3A_398 = vector.broadcast %add3A_397 : i32 to vector<16xi32>
        %add3A_399 = arith.addi %and3A_379, %add3A_398 : vector<16xi32>
        %gather3A_400 = tpu.vector_load_idx %arg7[%add3A_392, %add3A_399] : memref<128x32xf32, #tpu.memory_space<vmem>>[vector<16xi32>, vector<16xi32>], vector<16xf32>,
        tpu.vector_store_idx %arg11[%add3A_399, %add3A_392], %gather3A_400 : memref<32x128xf32, #tpu.memory_space<vmem>>[vector<16xi32>, vector<16xi32>], vector<16xf32>,
        %add3A_401 = arith.constant 32 : i32
        %add3A_402 = vector.broadcast %add3A_401 : i32 to vector<16xi32>
        %add3A_403 = arith.addi %iota3A_94, %add3A_402 : vector<16xi32>
        %add3A_404 = arith.constant 0 : i32
        %add3A_405 = vector.broadcast %add3A_404 : i32 to vector<16xi32>
        %add3A_406 = arith.addi %and3A_379, %add3A_405 : vector<16xi32>
        %gather3A_407 = tpu.vector_load_idx %arg7[%add3A_403, %add3A_406] : memref<128x32xf32, #tpu.memory_space<vmem>>[vector<16xi32>, vector<16xi32>], vector<16xf32>,
        tpu.vector_store_idx %arg11[%add3A_406, %add3A_403], %gather3A_407 : memref<32x128xf32, #tpu.memory_space<vmem>>[vector<16xi32>, vector<16xi32>], vector<16xf32>,
        %add3A_408 = arith.constant 16 : i32
        %add3A_409 = vector.broadcast %add3A_408 : i32 to vector<16xi32>
        %add3A_410 = arith.addi %and3A_379, %add3A_409 : vector<16xi32>
        %gather3A_411 = tpu.vector_load_idx %arg7[%add3A_403, %add3A_410] : memref<128x32xf32, #tpu.memory_space<vmem>>[vector<16xi32>, vector<16xi32>], vector<16xf32>,
        tpu.vector_store_idx %arg11[%add3A_410, %add3A_403], %gather3A_411 : memref<32x128xf32, #tpu.memory_space<vmem>>[vector<16xi32>, vector<16xi32>], vector<16xf32>,
        %add3A_412 = arith.constant 48 : i32
        %add3A_413 = vector.broadcast %add3A_412 : i32 to vector<16xi32>
        %add3A_414 = arith.addi %iota3A_94, %add3A_413 : vector<16xi32>
        %add3A_415 = arith.constant 0 : i32
        %add3A_416 = vector.broadcast %add3A_415 : i32 to vector<16xi32>
        %add3A_417 = arith.addi %and3A_379, %add3A_416 : vector<16xi32>
        %gather3A_418 = tpu.vector_load_idx %arg7[%add3A_414, %add3A_417] : memref<128x32xf32, #tpu.memory_space<vmem>>[vector<16xi32>, vector<16xi32>], vector<16xf32>,
        tpu.vector_store_idx %arg11[%add3A_417, %add3A_414], %gather3A_418 : memref<32x128xf32, #tpu.memory_space<vmem>>[vector<16xi32>, vector<16xi32>], vector<16xf32>,
        %add3A_419 = arith.constant 16 : i32
        %add3A_420 = vector.broadcast %add3A_419 : i32 to vector<16xi32>
        %add3A_421 = arith.addi %and3A_379, %add3A_420 : vector<16xi32>
        %gather3A_422 = tpu.vector_load_idx %arg7[%add3A_414, %add3A_421] : memref<128x32xf32, #tpu.memory_space<vmem>>[vector<16xi32>, vector<16xi32>], vector<16xf32>,
        tpu.vector_store_idx %arg11[%add3A_421, %add3A_414], %gather3A_422 : memref<32x128xf32, #tpu.memory_space<vmem>>[vector<16xi32>, vector<16xi32>], vector<16xf32>,
        %add3A_423 = arith.constant 64 : i32
        %add3A_424 = vector.broadcast %add3A_423 : i32 to vector<16xi32>
        %add3A_425 = arith.addi %iota3A_94, %add3A_424 : vector<16xi32>
        %add3A_426 = arith.constant 0 : i32
        %add3A_427 = vector.broadcast %add3A_426 : i32 to vector<16xi32>
        %add3A_428 = arith.addi %and3A_379, %add3A_427 : vector<16xi32>
        %gather3A_429 = tpu.vector_load_idx %arg7[%add3A_425, %add3A_428] : memref<128x32xf32, #tpu.memory_space<vmem>>[vector<16xi32>, vector<16xi32>], vector<16xf32>,
        tpu.vector_store_idx %arg11[%add3A_428, %add3A_425], %gather3A_429 : memref<32x128xf32, #tpu.memory_space<vmem>>[vector<16xi32>, vector<16xi32>], vector<16xf32>,
        %add3A_430 = arith.constant 16 : i32
        %add3A_431 = vector.broadcast %add3A_430 : i32 to vector<16xi32>
        %add3A_432 = arith.addi %and3A_379, %add3A_431 : vector<16xi32>
        %gather3A_433 = tpu.vector_load_idx %arg7[%add3A_425, %add3A_432] : memref<128x32xf32, #tpu.memory_space<vmem>>[vector<16xi32>, vector<16xi32>], vector<16xf32>,
        tpu.vector_store_idx %arg11[%add3A_432, %add3A_425], %gather3A_433 : memref<32x128xf32, #tpu.memory_space<vmem>>[vector<16xi32>, vector<16xi32>], vector<16xf32>,
        %add3A_434 = arith.constant 80 : i32
        %add3A_435 = vector.broadcast %add3A_434 : i32 to vector<16xi32>
        %add3A_436 = arith.addi %iota3A_94, %add3A_435 : vector<16xi32>
        %add3A_437 = arith.constant 0 : i32
        %add3A_438 = vector.broadcast %add3A_437 : i32 to vector<16xi32>
        %add3A_439 = arith.addi %and3A_379, %add3A_438 : vector<16xi32>
        %gather3A_440 = tpu.vector_load_idx %arg7[%add3A_436, %add3A_439] : memref<128x32xf32, #tpu.memory_space<vmem>>[vector<16xi32>, vector<16xi32>], vector<16xf32>,
        tpu.vector_store_idx %arg11[%add3A_439, %add3A_436], %gather3A_440 : memref<32x128xf32, #tpu.memory_space<vmem>>[vector<16xi32>, vector<16xi32>], vector<16xf32>,
        %add3A_441 = arith.constant 16 : i32
        %add3A_442 = vector.broadcast %add3A_441 : i32 to vector<16xi32>
        %add3A_443 = arith.addi %and3A_379, %add3A_442 : vector<16xi32>
        %gather3A_444 = tpu.vector_load_idx %arg7[%add3A_436, %add3A_443] : memref<128x32xf32, #tpu.memory_space<vmem>>[vector<16xi32>, vector<16xi32>], vector<16xf32>,
        tpu.vector_store_idx %arg11[%add3A_443, %add3A_436], %gather3A_444 : memref<32x128xf32, #tpu.memory_space<vmem>>[vector<16xi32>, vector<16xi32>], vector<16xf32>,
        %add3A_445 = arith.constant 96 : i32
        %add3A_446 = vector.broadcast %add3A_445 : i32 to vector<16xi32>
        %add3A_447 = arith.addi %iota3A_94, %add3A_446 : vector<16xi32>
        %add3A_448 = arith.constant 0 : i32
        %add3A_449 = vector.broadcast %add3A_448 : i32 to vector<16xi32>
        %add3A_450 = arith.addi %and3A_379, %add3A_449 : vector<16xi32>
        %gather3A_451 = tpu.vector_load_idx %arg7[%add3A_447, %add3A_450] : memref<128x32xf32, #tpu.memory_space<vmem>>[vector<16xi32>, vector<16xi32>], vector<16xf32>,
        tpu.vector_store_idx %arg11[%add3A_450, %add3A_447], %gather3A_451 : memref<32x128xf32, #tpu.memory_space<vmem>>[vector<16xi32>, vector<16xi32>], vector<16xf32>,
        %add3A_452 = arith.constant 16 : i32
        %add3A_453 = vector.broadcast %add3A_452 : i32 to vector<16xi32>
        %add3A_454 = arith.addi %and3A_379, %add3A_453 : vector<16xi32>
        %gather3A_455 = tpu.vector_load_idx %arg7[%add3A_447, %add3A_454] : memref<128x32xf32, #tpu.memory_space<vmem>>[vector<16xi32>, vector<16xi32>], vector<16xf32>,
        tpu.vector_store_idx %arg11[%add3A_454, %add3A_447], %gather3A_455 : memref<32x128xf32, #tpu.memory_space<vmem>>[vector<16xi32>, vector<16xi32>], vector<16xf32>,
        %add3A_456 = arith.constant 112 : i32
        %add3A_457 = vector.broadcast %add3A_456 : i32 to vector<16xi32>
        %add3A_458 = arith.addi %iota3A_94, %add3A_457 : vector<16xi32>
        %add3A_459 = arith.constant 0 : i32
        %add3A_460 = vector.broadcast %add3A_459 : i32 to vector<16xi32>
        %add3A_461 = arith.addi %and3A_379, %add3A_460 : vector<16xi32>
        %gather3A_462 = tpu.vector_load_idx %arg7[%add3A_458, %add3A_461] : memref<128x32xf32, #tpu.memory_space<vmem>>[vector<16xi32>, vector<16xi32>], vector<16xf32>,
        tpu.vector_store_idx %arg11[%add3A_461, %add3A_458], %gather3A_462 : memref<32x128xf32, #tpu.memory_space<vmem>>[vector<16xi32>, vector<16xi32>], vector<16xf32>,
        %add3A_463 = arith.constant 16 : i32
        %add3A_464 = vector.broadcast %add3A_463 : i32 to vector<16xi32>
        %add3A_465 = arith.addi %and3A_379, %add3A_464 : vector<16xi32>
        %gather3A_466 = tpu.vector_load_idx %arg7[%add3A_458, %add3A_465] : memref<128x32xf32, #tpu.memory_space<vmem>>[vector<16xi32>, vector<16xi32>], vector<16xf32>,
        tpu.vector_store_idx %arg11[%add3A_465, %add3A_458], %gather3A_466 : memref<32x128xf32, #tpu.memory_space<vmem>>[vector<16xi32>, vector<16xi32>], vector<16xf32>,
      }
      %scan3A_100 = arith.constant 16 : i32
      %jit3A = arith.constant 4 : i32
      %div3A = arith.divsi %add3A_85, %jit3A : i32
      %sign3A = arith.constant 0 : i32
      %sign3A_101 = arith.cmpi sgt, %add3A_85, %sign3A : i32
      %sign3A_102 = arith.extui %sign3A_101 : i1 to i32
      %sign3A_103 = arith.constant 0 : i32
      %sign3A_104 = arith.cmpi slt, %add3A_85, %sign3A_103 : i32
      %sign3A_105 = arith.extui %sign3A_104 : i1 to i32
      %sign3A_106 = arith.subi %sign3A_102, %sign3A_105 : i32
      %sign3A_107 = arith.constant 0 : i32
      %sign3A_108 = arith.cmpi sgt, %jit3A, %sign3A_107 : i32
      %sign3A_109 = arith.extui %sign3A_108 : i1 to i32
      %sign3A_110 = arith.constant 0 : i32
      %sign3A_111 = arith.cmpi slt, %jit3A, %sign3A_110 : i32
      %sign3A_112 = arith.extui %sign3A_111 : i1 to i32
      %sign3A_113 = arith.subi %sign3A_109, %sign3A_112 : i32
      %ne3A_114 = arith.cmpi ne, %sign3A_106, %sign3A_113 : i32
      %rem3A = arith.remsi %add3A_85, %jit3A : i32
      %ne3A_115 = arith.constant 0 : i32
      %ne3A_116 = arith.cmpi ne, %rem3A, %ne3A_115 : i32
      %and3A = arith.andi %ne3A_114, %ne3A_116 : i1
      %sub3A = arith.constant 1 : i32
      %sub3A_117 = arith.subi %div3A, %sub3A : i32
      %select_n3A = arith.select %and3A, %sub3A_117, %div3A : i32
      %jit3A_118 = arith.constant 4 : i32
      %eq3A = arith.constant 0 : i32
      %eq3A_119 = arith.cmpi eq, %jit3A_118, %eq3A : i32
      %jit3A_120 = arith.constant 1 : i32
      %select_n3A_121 = arith.select %eq3A_119, %jit3A_120, %jit3A_118 : i32
      %rem3A_122 = arith.remsi %add3A_85, %select_n3A_121 : i32
      %ne3A_123 = arith.constant 0 : i32
      %ne3A_124 = arith.cmpi ne, %rem3A_122, %ne3A_123 : i32
      %lt3A = arith.constant 0 : i32
      %lt3A_125 = arith.cmpi slt, %rem3A_122, %lt3A : i32
      %lt3A_126 = arith.constant 0 : i32
      %lt3A_127 = arith.cmpi slt, %select_n3A_121, %lt3A_126 : i32
      %ne3A_128 = arith.xori %lt3A_125, %lt3A_127 : i1
      %and3A_129 = arith.andi %ne3A_128, %ne3A_124 : i1
      %add3A_130 = arith.addi %rem3A_122, %select_n3A_121 : i32
      %select_n3A_131 = arith.select %and3A_129, %add3A_130, %rem3A_122 : i32
      %mul3A_132 = arith.constant 128 : i32
      %mul3A_133 = arith.muli %select_n3A_131, %mul3A_132 : i32
      %add3A_134 = arith.addi %mul3A_2, %mul3A_133 : i32
      %dma_start3A_135 = arith.constant 0 : i32
      %dma_start3A_136 = tpu.memref_slice %arg4[%select_n3A, %dma_start3A_135, %add3A_134] : memref<50x32x16384xf32, #tpu.memory_space<hbm>> -> memref<1x32x128xf32, #tpu.memory_space<hbm>>
      %dma_start3A_137 = tpu.memref_squeeze %dma_start3A_136 : memref<1x32x128xf32, #tpu.memory_space<hbm>> -> memref<32x128xf32, #tpu.memory_space<hbm>>
      %dma_start3A_138 = arith.constant 0 : i32
      %dma_start3A_139 = tpu.memref_slice %arg4[%select_n3A, %dma_start3A_138, %add3A_134] : memref<50x32x16384xf32, #tpu.memory_space<hbm>> -> memref<1x32x128xf32, #tpu.memory_space<hbm>>
      %dma_start3A_140 = tpu.memref_squeeze %dma_start3A_139 : memref<1x32x128xf32, #tpu.memory_space<hbm>> -> memref<32x128xf32, #tpu.memory_space<hbm>>
      tpu.enqueue_dma source(%arg11 : memref<32x128xf32, #tpu.memory_space<vmem>>) target(%dma_start3A_140 : memref<32x128xf32, #tpu.memory_space<hbm>>) target_semaphore(%arg19 : memref<!tpu.dma_semaphore, #tpu.memory_space<semaphore_mem>>)
      %lt3A_141 = arith.constant 49 : i32
      %lt3A_142 = arith.cmpi slt, %scan3A_81, %lt3A_141 : i32
      %convert_element_type3A_143 = arith.extui %lt3A_142 : i1 to i32
      %cond3A_144 = arith.constant 0 : i32
      %cond3A_145 = arith.cmpi ne, %convert_element_type3A_143, %cond3A_144 : i32
      scf.if %cond3A_145 {
        %add3A_374 = arith.constant 4 : i32
        %add3A_375 = arith.addi %add3A_85, %add3A_374 : i32
        %jit3A_376 = arith.constant 4 : i32
        %div3A_377 = arith.divsi %add3A_375, %jit3A_376 : i32
        %sign3A_378 = arith.constant 0 : i32
        %sign3A_379 = arith.cmpi sgt, %add3A_375, %sign3A_378 : i32
        %sign3A_380 = arith.extui %sign3A_379 : i1 to i32
        %sign3A_381 = arith.constant 0 : i32
        %sign3A_382 = arith.cmpi slt, %add3A_375, %sign3A_381 : i32
        %sign3A_383 = arith.extui %sign3A_382 : i1 to i32
        %sign3A_384 = arith.subi %sign3A_380, %sign3A_383 : i32
        %sign3A_385 = arith.constant 0 : i32
        %sign3A_386 = arith.cmpi sgt, %jit3A_376, %sign3A_385 : i32
        %sign3A_387 = arith.extui %sign3A_386 : i1 to i32
        %sign3A_388 = arith.constant 0 : i32
        %sign3A_389 = arith.cmpi slt, %jit3A_376, %sign3A_388 : i32
        %sign3A_390 = arith.extui %sign3A_389 : i1 to i32
        %sign3A_391 = arith.subi %sign3A_387, %sign3A_390 : i32
        %ne3A_392 = arith.cmpi ne, %sign3A_384, %sign3A_391 : i32
        %rem3A_393 = arith.remsi %add3A_375, %jit3A_376 : i32
        %ne3A_394 = arith.constant 0 : i32
        %ne3A_395 = arith.cmpi ne, %rem3A_393, %ne3A_394 : i32
        %and3A_396 = arith.andi %ne3A_392, %ne3A_395 : i1
        %sub3A_397 = arith.constant 1 : i32
        %sub3A_398 = arith.subi %div3A_377, %sub3A_397 : i32
        %select_n3A_399 = arith.select %and3A_396, %sub3A_398, %div3A_377 : i32
        %jit3A_400 = arith.constant 4 : i32
        %eq3A_401 = arith.constant 0 : i32
        %eq3A_402 = arith.cmpi eq, %jit3A_400, %eq3A_401 : i32
        %jit3A_403 = arith.constant 1 : i32
        %select_n3A_404 = arith.select %eq3A_402, %jit3A_403, %jit3A_400 : i32
        %rem3A_405 = arith.remsi %add3A_375, %select_n3A_404 : i32
        %ne3A_406 = arith.constant 0 : i32
        %ne3A_407 = arith.cmpi ne, %rem3A_405, %ne3A_406 : i32
        %lt3A_408 = arith.constant 0 : i32
        %lt3A_409 = arith.cmpi slt, %rem3A_405, %lt3A_408 : i32
        %lt3A_410 = arith.constant 0 : i32
        %lt3A_411 = arith.cmpi slt, %select_n3A_404, %lt3A_410 : i32
        %ne3A_412 = arith.xori %lt3A_409, %lt3A_411 : i1
        %and3A_413 = arith.andi %ne3A_412, %ne3A_407 : i1
        %add3A_414 = arith.addi %rem3A_405, %select_n3A_404 : i32
        %select_n3A_415 = arith.select %and3A_413, %add3A_414, %rem3A_405 : i32
        %mul3A_416 = arith.constant 128 : i32
        %mul3A_417 = arith.muli %select_n3A_415, %mul3A_416 : i32
        %dma_start3A_418 = tpu.memref_slice %arg6[%select_n3A_399, %mul3A_417] : memref<50x512xi32, #tpu.memory_space<vmem>> -> memref<1x128xi32, #tpu.memory_space<vmem>>
        %dma_start3A_419 = tpu.memref_squeeze %dma_start3A_418 : memref<1x128xi32, #tpu.memory_space<vmem>> -> memref<128xi32, #tpu.memory_space<vmem>>
        %dma_start3A_420 = arith.constant 0 : i32
        %dma_start3A_421 = arith.constant 0 : i32
        %dma_start3A_422 = tpu.memref_slice %arg2[%dma_start3A_420, %dma_start3A_421] : memref<1000000x32xf32, #tpu.memory_space<hbm>> -> memref<1000000x32xf32, #tpu.memory_space<hbm>>
        tpu.enqueue_indirect_dma source(%dma_start3A_422 : memref<1000000x32xf32, #tpu.memory_space<hbm>>) target(%arg7 : memref<128x32xf32, #tpu.memory_space<vmem>>) offsets(%dma_start3A_419 : memref<128xi32, #tpu.memory_space<vmem>>) semaphore(%arg15 : memref<!tpu.dma_semaphore, #tpu.memory_space<semaphore_mem>>)
      } else {
      }
      %mul3A_146 = arith.constant 4 : i32
      %mul3A_147 = arith.muli %scan3A_81, %mul3A_146 : i32
      %add3A_148 = arith.constant 1 : i32
      %add3A_149 = arith.addi %mul3A_147, %add3A_148 : i32
      %dma_wait3A_150 = arith.constant 0 : i32
      %dma_wait3A_151 = arith.constant 0 : i32
      %dma_wait3A_152 = tpu.memref_slice %arg2[%dma_wait3A_150, %dma_wait3A_151] : memref<1000000x32xf32, #tpu.memory_space<hbm>> -> memref<128x32xf32, #tpu.memory_space<hbm>>
      %dma_wait3A_153 = arith.constant 0 : i32
      %dma_wait3A_154 = arith.constant 0 : i32
      %dma_wait3A_155 = tpu.memref_slice %arg2[%dma_wait3A_153, %dma_wait3A_154] : memref<1000000x32xf32, #tpu.memory_space<hbm>> -> memref<128x32xf32, #tpu.memory_space<hbm>>
      tpu.wait_dma2 semaphore(%arg16 : memref<!tpu.dma_semaphore, #tpu.memory_space<semaphore_mem>>) src(%dma_wait3A_155 : memref<128x32xf32, #tpu.memory_space<hbm>>) dst(%arg8 : memref<128x32xf32, #tpu.memory_space<vmem>>)
      %ne3A_156 = arith.constant 0 : i32
      %ne3A_157 = arith.cmpi ne, %scan3A_81, %ne3A_156 : i32
      %convert_element_type3A_158 = arith.extui %ne3A_157 : i1 to i32
      %cond3A_159 = arith.constant 0 : i32
      %cond3A_160 = arith.cmpi ne, %convert_element_type3A_158, %cond3A_159 : i32
      scf.if %cond3A_160 {
        %dma_wait3A_374 = arith.constant 0 : i32
        %dma_wait3A_375 = arith.constant 0 : i32
        %dma_wait3A_376 = arith.constant 0 : i32
        %dma_wait3A_377 = tpu.memref_slice %arg4[%dma_wait3A_374, %dma_wait3A_375, %dma_wait3A_376] : memref<50x32x16384xf32, #tpu.memory_space<hbm>> -> memref<1x32x128xf32, #tpu.memory_space<hbm>>
        %dma_wait3A_378 = tpu.memref_squeeze %dma_wait3A_377 : memref<1x32x128xf32, #tpu.memory_space<hbm>> -> memref<32x128xf32, #tpu.memory_space<hbm>>
        %dma_wait3A_379 = arith.constant 0 : i32
        %dma_wait3A_380 = arith.constant 0 : i32
        %dma_wait3A_381 = tpu.memref_slice %arg4[%dma_wait3A_374, %dma_wait3A_379, %dma_wait3A_380] : memref<50x32x16384xf32, #tpu.memory_space<hbm>> -> memref<1x32x128xf32, #tpu.memory_space<hbm>>
        %dma_wait3A_382 = tpu.memref_squeeze %dma_wait3A_381 : memref<1x32x128xf32, #tpu.memory_space<hbm>> -> memref<32x128xf32, #tpu.memory_space<hbm>>
        tpu.wait_dma2 semaphore(%arg20 : memref<!tpu.dma_semaphore, #tpu.memory_space<semaphore_mem>>) src(%arg12 : memref<32x128xf32, #tpu.memory_space<vmem>>) dst(%dma_wait3A_382 : memref<32x128xf32, #tpu.memory_space<hbm>>)
      } else {
      }
      %iota3A_161 = tpu.iota {dimensions = array<i32: 0>} : vector<16xi32>
      %scan3A_162 = arith.constant 0 : i32
      %scan3A_163 = arith.constant 0 : i32
      %scan3A_164 = arith.constant 16 : i32
      %scan3A_165 = arith.addi %scan3A_163, %scan3A_164 : i32
      %scan3A_166 = arith.constant 1 : i32
      scf.for %scan3A_374 = %scan3A_163 to %scan3A_165 step %scan3A_166  : i32 {
        %add3A_375 = vector.broadcast %scan3A_374 : i32 to vector<16xi32>
        %add3A_376 = arith.addi %iota3A_161, %add3A_375 : vector<16xi32>
        %and3A_377 = arith.constant 15 : i32
        %and3A_378 = vector.broadcast %and3A_377 : i32 to vector<16xi32>
        %and3A_379 = arith.andi %add3A_376, %and3A_378 : vector<16xi32>
        %add3A_380 = arith.constant 0 : i32
        %add3A_381 = vector.broadcast %add3A_380 : i32 to vector<16xi32>
        %add3A_382 = arith.addi %iota3A_161, %add3A_381 : vector<16xi32>
        %add3A_383 = arith.constant 0 : i32
        %add3A_384 = vector.broadcast %add3A_383 : i32 to vector<16xi32>
        %add3A_385 = arith.addi %and3A_379, %add3A_384 : vector<16xi32>
        %gather3A = tpu.vector_load_idx %arg8[%add3A_382, %add3A_385] : memref<128x32xf32, #tpu.memory_space<vmem>>[vector<16xi32>, vector<16xi32>], vector<16xf32>,
        tpu.vector_store_idx %arg12[%add3A_385, %add3A_382], %gather3A : memref<32x128xf32, #tpu.memory_space<vmem>>[vector<16xi32>, vector<16xi32>], vector<16xf32>,
        %add3A_386 = arith.constant 16 : i32
        %add3A_387 = vector.broadcast %add3A_386 : i32 to vector<16xi32>
        %add3A_388 = arith.addi %and3A_379, %add3A_387 : vector<16xi32>
        %gather3A_389 = tpu.vector_load_idx %arg8[%add3A_382, %add3A_388] : memref<128x32xf32, #tpu.memory_space<vmem>>[vector<16xi32>, vector<16xi32>], vector<16xf32>,
        tpu.vector_store_idx %arg12[%add3A_388, %add3A_382], %gather3A_389 : memref<32x128xf32, #tpu.memory_space<vmem>>[vector<16xi32>, vector<16xi32>], vector<16xf32>,
        %add3A_390 = arith.constant 16 : i32
        %add3A_391 = vector.broadcast %add3A_390 : i32 to vector<16xi32>
        %add3A_392 = arith.addi %iota3A_161, %add3A_391 : vector<16xi32>
        %add3A_393 = arith.constant 0 : i32
        %add3A_394 = vector.broadcast %add3A_393 : i32 to vector<16xi32>
        %add3A_395 = arith.addi %and3A_379, %add3A_394 : vector<16xi32>
        %gather3A_396 = tpu.vector_load_idx %arg8[%add3A_392, %add3A_395] : memref<128x32xf32, #tpu.memory_space<vmem>>[vector<16xi32>, vector<16xi32>], vector<16xf32>,
        tpu.vector_store_idx %arg12[%add3A_395, %add3A_392], %gather3A_396 : memref<32x128xf32, #tpu.memory_space<vmem>>[vector<16xi32>, vector<16xi32>], vector<16xf32>,
        %add3A_397 = arith.constant 16 : i32
        %add3A_398 = vector.broadcast %add3A_397 : i32 to vector<16xi32>
        %add3A_399 = arith.addi %and3A_379, %add3A_398 : vector<16xi32>
        %gather3A_400 = tpu.vector_load_idx %arg8[%add3A_392, %add3A_399] : memref<128x32xf32, #tpu.memory_space<vmem>>[vector<16xi32>, vector<16xi32>], vector<16xf32>,
        tpu.vector_store_idx %arg12[%add3A_399, %add3A_392], %gather3A_400 : memref<32x128xf32, #tpu.memory_space<vmem>>[vector<16xi32>, vector<16xi32>], vector<16xf32>,
        %add3A_401 = arith.constant 32 : i32
        %add3A_402 = vector.broadcast %add3A_401 : i32 to vector<16xi32>
        %add3A_403 = arith.addi %iota3A_161, %add3A_402 : vector<16xi32>
        %add3A_404 = arith.constant 0 : i32
        %add3A_405 = vector.broadcast %add3A_404 : i32 to vector<16xi32>
        %add3A_406 = arith.addi %and3A_379, %add3A_405 : vector<16xi32>
        %gather3A_407 = tpu.vector_load_idx %arg8[%add3A_403, %add3A_406] : memref<128x32xf32, #tpu.memory_space<vmem>>[vector<16xi32>, vector<16xi32>], vector<16xf32>,
        tpu.vector_store_idx %arg12[%add3A_406, %add3A_403], %gather3A_407 : memref<32x128xf32, #tpu.memory_space<vmem>>[vector<16xi32>, vector<16xi32>], vector<16xf32>,
        %add3A_408 = arith.constant 16 : i32
        %add3A_409 = vector.broadcast %add3A_408 : i32 to vector<16xi32>
        %add3A_410 = arith.addi %and3A_379, %add3A_409 : vector<16xi32>
        %gather3A_411 = tpu.vector_load_idx %arg8[%add3A_403, %add3A_410] : memref<128x32xf32, #tpu.memory_space<vmem>>[vector<16xi32>, vector<16xi32>], vector<16xf32>,
        tpu.vector_store_idx %arg12[%add3A_410, %add3A_403], %gather3A_411 : memref<32x128xf32, #tpu.memory_space<vmem>>[vector<16xi32>, vector<16xi32>], vector<16xf32>,
        %add3A_412 = arith.constant 48 : i32
        %add3A_413 = vector.broadcast %add3A_412 : i32 to vector<16xi32>
        %add3A_414 = arith.addi %iota3A_161, %add3A_413 : vector<16xi32>
        %add3A_415 = arith.constant 0 : i32
        %add3A_416 = vector.broadcast %add3A_415 : i32 to vector<16xi32>
        %add3A_417 = arith.addi %and3A_379, %add3A_416 : vector<16xi32>
        %gather3A_418 = tpu.vector_load_idx %arg8[%add3A_414, %add3A_417] : memref<128x32xf32, #tpu.memory_space<vmem>>[vector<16xi32>, vector<16xi32>], vector<16xf32>,
        tpu.vector_store_idx %arg12[%add3A_417, %add3A_414], %gather3A_418 : memref<32x128xf32, #tpu.memory_space<vmem>>[vector<16xi32>, vector<16xi32>], vector<16xf32>,
        %add3A_419 = arith.constant 16 : i32
        %add3A_420 = vector.broadcast %add3A_419 : i32 to vector<16xi32>
        %add3A_421 = arith.addi %and3A_379, %add3A_420 : vector<16xi32>
        %gather3A_422 = tpu.vector_load_idx %arg8[%add3A_414, %add3A_421] : memref<128x32xf32, #tpu.memory_space<vmem>>[vector<16xi32>, vector<16xi32>], vector<16xf32>,
        tpu.vector_store_idx %arg12[%add3A_421, %add3A_414], %gather3A_422 : memref<32x128xf32, #tpu.memory_space<vmem>>[vector<16xi32>, vector<16xi32>], vector<16xf32>,
        %add3A_423 = arith.constant 64 : i32
        %add3A_424 = vector.broadcast %add3A_423 : i32 to vector<16xi32>
        %add3A_425 = arith.addi %iota3A_161, %add3A_424 : vector<16xi32>
        %add3A_426 = arith.constant 0 : i32
        %add3A_427 = vector.broadcast %add3A_426 : i32 to vector<16xi32>
        %add3A_428 = arith.addi %and3A_379, %add3A_427 : vector<16xi32>
        %gather3A_429 = tpu.vector_load_idx %arg8[%add3A_425, %add3A_428] : memref<128x32xf32, #tpu.memory_space<vmem>>[vector<16xi32>, vector<16xi32>], vector<16xf32>,
        tpu.vector_store_idx %arg12[%add3A_428, %add3A_425], %gather3A_429 : memref<32x128xf32, #tpu.memory_space<vmem>>[vector<16xi32>, vector<16xi32>], vector<16xf32>,
        %add3A_430 = arith.constant 16 : i32
        %add3A_431 = vector.broadcast %add3A_430 : i32 to vector<16xi32>
        %add3A_432 = arith.addi %and3A_379, %add3A_431 : vector<16xi32>
        %gather3A_433 = tpu.vector_load_idx %arg8[%add3A_425, %add3A_432] : memref<128x32xf32, #tpu.memory_space<vmem>>[vector<16xi32>, vector<16xi32>], vector<16xf32>,
        tpu.vector_store_idx %arg12[%add3A_432, %add3A_425], %gather3A_433 : memref<32x128xf32, #tpu.memory_space<vmem>>[vector<16xi32>, vector<16xi32>], vector<16xf32>,
        %add3A_434 = arith.constant 80 : i32
        %add3A_435 = vector.broadcast %add3A_434 : i32 to vector<16xi32>
        %add3A_436 = arith.addi %iota3A_161, %add3A_435 : vector<16xi32>
        %add3A_437 = arith.constant 0 : i32
        %add3A_438 = vector.broadcast %add3A_437 : i32 to vector<16xi32>
        %add3A_439 = arith.addi %and3A_379, %add3A_438 : vector<16xi32>
        %gather3A_440 = tpu.vector_load_idx %arg8[%add3A_436, %add3A_439] : memref<128x32xf32, #tpu.memory_space<vmem>>[vector<16xi32>, vector<16xi32>], vector<16xf32>,
        tpu.vector_store_idx %arg12[%add3A_439, %add3A_436], %gather3A_440 : memref<32x128xf32, #tpu.memory_space<vmem>>[vector<16xi32>, vector<16xi32>], vector<16xf32>,
        %add3A_441 = arith.constant 16 : i32
        %add3A_442 = vector.broadcast %add3A_441 : i32 to vector<16xi32>
        %add3A_443 = arith.addi %and3A_379, %add3A_442 : vector<16xi32>
        %gather3A_444 = tpu.vector_load_idx %arg8[%add3A_436, %add3A_443] : memref<128x32xf32, #tpu.memory_space<vmem>>[vector<16xi32>, vector<16xi32>], vector<16xf32>,
        tpu.vector_store_idx %arg12[%add3A_443, %add3A_436], %gather3A_444 : memref<32x128xf32, #tpu.memory_space<vmem>>[vector<16xi32>, vector<16xi32>], vector<16xf32>,
        %add3A_445 = arith.constant 96 : i32
        %add3A_446 = vector.broadcast %add3A_445 : i32 to vector<16xi32>
        %add3A_447 = arith.addi %iota3A_161, %add3A_446 : vector<16xi32>
        %add3A_448 = arith.constant 0 : i32
        %add3A_449 = vector.broadcast %add3A_448 : i32 to vector<16xi32>
        %add3A_450 = arith.addi %and3A_379, %add3A_449 : vector<16xi32>
        %gather3A_451 = tpu.vector_load_idx %arg8[%add3A_447, %add3A_450] : memref<128x32xf32, #tpu.memory_space<vmem>>[vector<16xi32>, vector<16xi32>], vector<16xf32>,
        tpu.vector_store_idx %arg12[%add3A_450, %add3A_447], %gather3A_451 : memref<32x128xf32, #tpu.memory_space<vmem>>[vector<16xi32>, vector<16xi32>], vector<16xf32>,
        %add3A_452 = arith.constant 16 : i32
        %add3A_453 = vector.broadcast %add3A_452 : i32 to vector<16xi32>
        %add3A_454 = arith.addi %and3A_379, %add3A_453 : vector<16xi32>
        %gather3A_455 = tpu.vector_load_idx %arg8[%add3A_447, %add3A_454] : memref<128x32xf32, #tpu.memory_space<vmem>>[vector<16xi32>, vector<16xi32>], vector<16xf32>,
        tpu.vector_store_idx %arg12[%add3A_454, %add3A_447], %gather3A_455 : memref<32x128xf32, #tpu.memory_space<vmem>>[vector<16xi32>, vector<16xi32>], vector<16xf32>,
        %add3A_456 = arith.constant 112 : i32
        %add3A_457 = vector.broadcast %add3A_456 : i32 to vector<16xi32>
        %add3A_458 = arith.addi %iota3A_161, %add3A_457 : vector<16xi32>
        %add3A_459 = arith.constant 0 : i32
        %add3A_460 = vector.broadcast %add3A_459 : i32 to vector<16xi32>
        %add3A_461 = arith.addi %and3A_379, %add3A_460 : vector<16xi32>
        %gather3A_462 = tpu.vector_load_idx %arg8[%add3A_458, %add3A_461] : memref<128x32xf32, #tpu.memory_space<vmem>>[vector<16xi32>, vector<16xi32>], vector<16xf32>,
        tpu.vector_store_idx %arg12[%add3A_461, %add3A_458], %gather3A_462 : memref<32x128xf32, #tpu.memory_space<vmem>>[vector<16xi32>, vector<16xi32>], vector<16xf32>,
        %add3A_463 = arith.constant 16 : i32
        %add3A_464 = vector.broadcast %add3A_463 : i32 to vector<16xi32>
        %add3A_465 = arith.addi %and3A_379, %add3A_464 : vector<16xi32>
        %gather3A_466 = tpu.vector_load_idx %arg8[%add3A_458, %add3A_465] : memref<128x32xf32, #tpu.memory_space<vmem>>[vector<16xi32>, vector<16xi32>], vector<16xf32>,
        tpu.vector_store_idx %arg12[%add3A_465, %add3A_458], %gather3A_466 : memref<32x128xf32, #tpu.memory_space<vmem>>[vector<16xi32>, vector<16xi32>], vector<16xf32>,
      }
      %scan3A_167 = arith.constant 16 : i32
      %jit3A_168 = arith.constant 4 : i32
      %div3A_169 = arith.divsi %add3A_149, %jit3A_168 : i32
      %sign3A_170 = arith.constant 0 : i32
      %sign3A_171 = arith.cmpi sgt, %add3A_149, %sign3A_170 : i32
      %sign3A_172 = arith.extui %sign3A_171 : i1 to i32
      %sign3A_173 = arith.constant 0 : i32
      %sign3A_174 = arith.cmpi slt, %add3A_149, %sign3A_173 : i32
      %sign3A_175 = arith.extui %sign3A_174 : i1 to i32
      %sign3A_176 = arith.subi %sign3A_172, %sign3A_175 : i32
      %sign3A_177 = arith.constant 0 : i32
      %sign3A_178 = arith.cmpi sgt, %jit3A_168, %sign3A_177 : i32
      %sign3A_179 = arith.extui %sign3A_178 : i1 to i32
      %sign3A_180 = arith.constant 0 : i32
      %sign3A_181 = arith.cmpi slt, %jit3A_168, %sign3A_180 : i32
      %sign3A_182 = arith.extui %sign3A_181 : i1 to i32
      %sign3A_183 = arith.subi %sign3A_179, %sign3A_182 : i32
      %ne3A_184 = arith.cmpi ne, %sign3A_176, %sign3A_183 : i32
      %rem3A_185 = arith.remsi %add3A_149, %jit3A_168 : i32
      %ne3A_186 = arith.constant 0 : i32
      %ne3A_187 = arith.cmpi ne, %rem3A_185, %ne3A_186 : i32
      %and3A_188 = arith.andi %ne3A_184, %ne3A_187 : i1
      %sub3A_189 = arith.constant 1 : i32
      %sub3A_190 = arith.subi %div3A_169, %sub3A_189 : i32
      %select_n3A_191 = arith.select %and3A_188, %sub3A_190, %div3A_169 : i32
      %jit3A_192 = arith.constant 4 : i32
      %eq3A_193 = arith.constant 0 : i32
      %eq3A_194 = arith.cmpi eq, %jit3A_192, %eq3A_193 : i32
      %jit3A_195 = arith.constant 1 : i32
      %select_n3A_196 = arith.select %eq3A_194, %jit3A_195, %jit3A_192 : i32
      %rem3A_197 = arith.remsi %add3A_149, %select_n3A_196 : i32
      %ne3A_198 = arith.constant 0 : i32
      %ne3A_199 = arith.cmpi ne, %rem3A_197, %ne3A_198 : i32
      %lt3A_200 = arith.constant 0 : i32
      %lt3A_201 = arith.cmpi slt, %rem3A_197, %lt3A_200 : i32
      %lt3A_202 = arith.constant 0 : i32
      %lt3A_203 = arith.cmpi slt, %select_n3A_196, %lt3A_202 : i32
      %ne3A_204 = arith.xori %lt3A_201, %lt3A_203 : i1
      %and3A_205 = arith.andi %ne3A_204, %ne3A_199 : i1
      %add3A_206 = arith.addi %rem3A_197, %select_n3A_196 : i32
      %select_n3A_207 = arith.select %and3A_205, %add3A_206, %rem3A_197 : i32
      %mul3A_208 = arith.constant 128 : i32
      %mul3A_209 = arith.muli %select_n3A_207, %mul3A_208 : i32
      %add3A_210 = arith.addi %mul3A_2, %mul3A_209 : i32
      %dma_start3A_211 = arith.constant 0 : i32
      %dma_start3A_212 = tpu.memref_slice %arg4[%select_n3A_191, %dma_start3A_211, %add3A_210] : memref<50x32x16384xf32, #tpu.memory_space<hbm>> -> memref<1x32x128xf32, #tpu.memory_space<hbm>>
      %dma_start3A_213 = tpu.memref_squeeze %dma_start3A_212 : memref<1x32x128xf32, #tpu.memory_space<hbm>> -> memref<32x128xf32, #tpu.memory_space<hbm>>
      %dma_start3A_214 = arith.constant 0 : i32
      %dma_start3A_215 = tpu.memref_slice %arg4[%select_n3A_191, %dma_start3A_214, %add3A_210] : memref<50x32x16384xf32, #tpu.memory_space<hbm>> -> memref<1x32x128xf32, #tpu.memory_space<hbm>>
      %dma_start3A_216 = tpu.memref_squeeze %dma_start3A_215 : memref<1x32x128xf32, #tpu.memory_space<hbm>> -> memref<32x128xf32, #tpu.memory_space<hbm>>
      tpu.enqueue_dma source(%arg12 : memref<32x128xf32, #tpu.memory_space<vmem>>) target(%dma_start3A_216 : memref<32x128xf32, #tpu.memory_space<hbm>>) target_semaphore(%arg20 : memref<!tpu.dma_semaphore, #tpu.memory_space<semaphore_mem>>)
      %lt3A_217 = arith.constant 49 : i32
      %lt3A_218 = arith.cmpi slt, %scan3A_81, %lt3A_217 : i32
      %convert_element_type3A_219 = arith.extui %lt3A_218 : i1 to i32
      %cond3A_220 = arith.constant 0 : i32
      %cond3A_221 = arith.cmpi ne, %convert_element_type3A_219, %cond3A_220 : i32
      scf.if %cond3A_221 {
        %add3A_374 = arith.constant 4 : i32
        %add3A_375 = arith.addi %add3A_149, %add3A_374 : i32
        %jit3A_376 = arith.constant 4 : i32
        %div3A_377 = arith.divsi %add3A_375, %jit3A_376 : i32
        %sign3A_378 = arith.constant 0 : i32
        %sign3A_379 = arith.cmpi sgt, %add3A_375, %sign3A_378 : i32
        %sign3A_380 = arith.extui %sign3A_379 : i1 to i32
        %sign3A_381 = arith.constant 0 : i32
        %sign3A_382 = arith.cmpi slt, %add3A_375, %sign3A_381 : i32
        %sign3A_383 = arith.extui %sign3A_382 : i1 to i32
        %sign3A_384 = arith.subi %sign3A_380, %sign3A_383 : i32
        %sign3A_385 = arith.constant 0 : i32
        %sign3A_386 = arith.cmpi sgt, %jit3A_376, %sign3A_385 : i32
        %sign3A_387 = arith.extui %sign3A_386 : i1 to i32
        %sign3A_388 = arith.constant 0 : i32
        %sign3A_389 = arith.cmpi slt, %jit3A_376, %sign3A_388 : i32
        %sign3A_390 = arith.extui %sign3A_389 : i1 to i32
        %sign3A_391 = arith.subi %sign3A_387, %sign3A_390 : i32
        %ne3A_392 = arith.cmpi ne, %sign3A_384, %sign3A_391 : i32
        %rem3A_393 = arith.remsi %add3A_375, %jit3A_376 : i32
        %ne3A_394 = arith.constant 0 : i32
        %ne3A_395 = arith.cmpi ne, %rem3A_393, %ne3A_394 : i32
        %and3A_396 = arith.andi %ne3A_392, %ne3A_395 : i1
        %sub3A_397 = arith.constant 1 : i32
        %sub3A_398 = arith.subi %div3A_377, %sub3A_397 : i32
        %select_n3A_399 = arith.select %and3A_396, %sub3A_398, %div3A_377 : i32
        %jit3A_400 = arith.constant 4 : i32
        %eq3A_401 = arith.constant 0 : i32
        %eq3A_402 = arith.cmpi eq, %jit3A_400, %eq3A_401 : i32
        %jit3A_403 = arith.constant 1 : i32
        %select_n3A_404 = arith.select %eq3A_402, %jit3A_403, %jit3A_400 : i32
        %rem3A_405 = arith.remsi %add3A_375, %select_n3A_404 : i32
        %ne3A_406 = arith.constant 0 : i32
        %ne3A_407 = arith.cmpi ne, %rem3A_405, %ne3A_406 : i32
        %lt3A_408 = arith.constant 0 : i32
        %lt3A_409 = arith.cmpi slt, %rem3A_405, %lt3A_408 : i32
        %lt3A_410 = arith.constant 0 : i32
        %lt3A_411 = arith.cmpi slt, %select_n3A_404, %lt3A_410 : i32
        %ne3A_412 = arith.xori %lt3A_409, %lt3A_411 : i1
        %and3A_413 = arith.andi %ne3A_412, %ne3A_407 : i1
        %add3A_414 = arith.addi %rem3A_405, %select_n3A_404 : i32
        %select_n3A_415 = arith.select %and3A_413, %add3A_414, %rem3A_405 : i32
        %mul3A_416 = arith.constant 128 : i32
        %mul3A_417 = arith.muli %select_n3A_415, %mul3A_416 : i32
        %dma_start3A_418 = tpu.memref_slice %arg6[%select_n3A_399, %mul3A_417] : memref<50x512xi32, #tpu.memory_space<vmem>> -> memref<1x128xi32, #tpu.memory_space<vmem>>
        %dma_start3A_419 = tpu.memref_squeeze %dma_start3A_418 : memref<1x128xi32, #tpu.memory_space<vmem>> -> memref<128xi32, #tpu.memory_space<vmem>>
        %dma_start3A_420 = arith.constant 0 : i32
        %dma_start3A_421 = arith.constant 0 : i32
        %dma_start3A_422 = tpu.memref_slice %arg2[%dma_start3A_420, %dma_start3A_421] : memref<1000000x32xf32, #tpu.memory_space<hbm>> -> memref<1000000x32xf32, #tpu.memory_space<hbm>>
        tpu.enqueue_indirect_dma source(%dma_start3A_422 : memref<1000000x32xf32, #tpu.memory_space<hbm>>) target(%arg8 : memref<128x32xf32, #tpu.memory_space<vmem>>) offsets(%dma_start3A_419 : memref<128xi32, #tpu.memory_space<vmem>>) semaphore(%arg16 : memref<!tpu.dma_semaphore, #tpu.memory_space<semaphore_mem>>)
      } else {
      }
      %mul3A_222 = arith.constant 4 : i32
      %mul3A_223 = arith.muli %scan3A_81, %mul3A_222 : i32
      %add3A_224 = arith.constant 2 : i32
      %add3A_225 = arith.addi %mul3A_223, %add3A_224 : i32
      %dma_wait3A_226 = arith.constant 0 : i32
      %dma_wait3A_227 = arith.constant 0 : i32
      %dma_wait3A_228 = tpu.memref_slice %arg2[%dma_wait3A_226, %dma_wait3A_227] : memref<1000000x32xf32, #tpu.memory_space<hbm>> -> memref<128x32xf32, #tpu.memory_space<hbm>>
      %dma_wait3A_229 = arith.constant 0 : i32
      %dma_wait3A_230 = arith.constant 0 : i32
      %dma_wait3A_231 = tpu.memref_slice %arg2[%dma_wait3A_229, %dma_wait3A_230] : memref<1000000x32xf32, #tpu.memory_space<hbm>> -> memref<128x32xf32, #tpu.memory_space<hbm>>
      tpu.wait_dma2 semaphore(%arg17 : memref<!tpu.dma_semaphore, #tpu.memory_space<semaphore_mem>>) src(%dma_wait3A_231 : memref<128x32xf32, #tpu.memory_space<hbm>>) dst(%arg9 : memref<128x32xf32, #tpu.memory_space<vmem>>)
      %ne3A_232 = arith.constant 0 : i32
      %ne3A_233 = arith.cmpi ne, %scan3A_81, %ne3A_232 : i32
      %convert_element_type3A_234 = arith.extui %ne3A_233 : i1 to i32
      %cond3A_235 = arith.constant 0 : i32
      %cond3A_236 = arith.cmpi ne, %convert_element_type3A_234, %cond3A_235 : i32
      scf.if %cond3A_236 {
        %dma_wait3A_374 = arith.constant 0 : i32
        %dma_wait3A_375 = arith.constant 0 : i32
        %dma_wait3A_376 = arith.constant 0 : i32
        %dma_wait3A_377 = tpu.memref_slice %arg4[%dma_wait3A_374, %dma_wait3A_375, %dma_wait3A_376] : memref<50x32x16384xf32, #tpu.memory_space<hbm>> -> memref<1x32x128xf32, #tpu.memory_space<hbm>>
        %dma_wait3A_378 = tpu.memref_squeeze %dma_wait3A_377 : memref<1x32x128xf32, #tpu.memory_space<hbm>> -> memref<32x128xf32, #tpu.memory_space<hbm>>
        %dma_wait3A_379 = arith.constant 0 : i32
        %dma_wait3A_380 = arith.constant 0 : i32
        %dma_wait3A_381 = tpu.memref_slice %arg4[%dma_wait3A_374, %dma_wait3A_379, %dma_wait3A_380] : memref<50x32x16384xf32, #tpu.memory_space<hbm>> -> memref<1x32x128xf32, #tpu.memory_space<hbm>>
        %dma_wait3A_382 = tpu.memref_squeeze %dma_wait3A_381 : memref<1x32x128xf32, #tpu.memory_space<hbm>> -> memref<32x128xf32, #tpu.memory_space<hbm>>
        tpu.wait_dma2 semaphore(%arg21 : memref<!tpu.dma_semaphore, #tpu.memory_space<semaphore_mem>>) src(%arg13 : memref<32x128xf32, #tpu.memory_space<vmem>>) dst(%dma_wait3A_382 : memref<32x128xf32, #tpu.memory_space<hbm>>)
      } else {
      }
      %iota3A_237 = tpu.iota {dimensions = array<i32: 0>} : vector<16xi32>
      %scan3A_238 = arith.constant 0 : i32
      %scan3A_239 = arith.constant 0 : i32
      %scan3A_240 = arith.constant 16 : i32
      %scan3A_241 = arith.addi %scan3A_239, %scan3A_240 : i32
      %scan3A_242 = arith.constant 1 : i32
      scf.for %scan3A_374 = %scan3A_239 to %scan3A_241 step %scan3A_242  : i32 {
        %add3A_375 = vector.broadcast %scan3A_374 : i32 to vector<16xi32>
        %add3A_376 = arith.addi %iota3A_237, %add3A_375 : vector<16xi32>
        %and3A_377 = arith.constant 15 : i32
        %and3A_378 = vector.broadcast %and3A_377 : i32 to vector<16xi32>
        %and3A_379 = arith.andi %add3A_376, %and3A_378 : vector<16xi32>
        %add3A_380 = arith.constant 0 : i32
        %add3A_381 = vector.broadcast %add3A_380 : i32 to vector<16xi32>
        %add3A_382 = arith.addi %iota3A_237, %add3A_381 : vector<16xi32>
        %add3A_383 = arith.constant 0 : i32
        %add3A_384 = vector.broadcast %add3A_383 : i32 to vector<16xi32>
        %add3A_385 = arith.addi %and3A_379, %add3A_384 : vector<16xi32>
        %gather3A = tpu.vector_load_idx %arg9[%add3A_382, %add3A_385] : memref<128x32xf32, #tpu.memory_space<vmem>>[vector<16xi32>, vector<16xi32>], vector<16xf32>,
        tpu.vector_store_idx %arg13[%add3A_385, %add3A_382], %gather3A : memref<32x128xf32, #tpu.memory_space<vmem>>[vector<16xi32>, vector<16xi32>], vector<16xf32>,
        %add3A_386 = arith.constant 16 : i32
        %add3A_387 = vector.broadcast %add3A_386 : i32 to vector<16xi32>
        %add3A_388 = arith.addi %and3A_379, %add3A_387 : vector<16xi32>
        %gather3A_389 = tpu.vector_load_idx %arg9[%add3A_382, %add3A_388] : memref<128x32xf32, #tpu.memory_space<vmem>>[vector<16xi32>, vector<16xi32>], vector<16xf32>,
        tpu.vector_store_idx %arg13[%add3A_388, %add3A_382], %gather3A_389 : memref<32x128xf32, #tpu.memory_space<vmem>>[vector<16xi32>, vector<16xi32>], vector<16xf32>,
        %add3A_390 = arith.constant 16 : i32
        %add3A_391 = vector.broadcast %add3A_390 : i32 to vector<16xi32>
        %add3A_392 = arith.addi %iota3A_237, %add3A_391 : vector<16xi32>
        %add3A_393 = arith.constant 0 : i32
        %add3A_394 = vector.broadcast %add3A_393 : i32 to vector<16xi32>
        %add3A_395 = arith.addi %and3A_379, %add3A_394 : vector<16xi32>
        %gather3A_396 = tpu.vector_load_idx %arg9[%add3A_392, %add3A_395] : memref<128x32xf32, #tpu.memory_space<vmem>>[vector<16xi32>, vector<16xi32>], vector<16xf32>,
        tpu.vector_store_idx %arg13[%add3A_395, %add3A_392], %gather3A_396 : memref<32x128xf32, #tpu.memory_space<vmem>>[vector<16xi32>, vector<16xi32>], vector<16xf32>,
        %add3A_397 = arith.constant 16 : i32
        %add3A_398 = vector.broadcast %add3A_397 : i32 to vector<16xi32>
        %add3A_399 = arith.addi %and3A_379, %add3A_398 : vector<16xi32>
        %gather3A_400 = tpu.vector_load_idx %arg9[%add3A_392, %add3A_399] : memref<128x32xf32, #tpu.memory_space<vmem>>[vector<16xi32>, vector<16xi32>], vector<16xf32>,
        tpu.vector_store_idx %arg13[%add3A_399, %add3A_392], %gather3A_400 : memref<32x128xf32, #tpu.memory_space<vmem>>[vector<16xi32>, vector<16xi32>], vector<16xf32>,
        %add3A_401 = arith.constant 32 : i32
        %add3A_402 = vector.broadcast %add3A_401 : i32 to vector<16xi32>
        %add3A_403 = arith.addi %iota3A_237, %add3A_402 : vector<16xi32>
        %add3A_404 = arith.constant 0 : i32
        %add3A_405 = vector.broadcast %add3A_404 : i32 to vector<16xi32>
        %add3A_406 = arith.addi %and3A_379, %add3A_405 : vector<16xi32>
        %gather3A_407 = tpu.vector_load_idx %arg9[%add3A_403, %add3A_406] : memref<128x32xf32, #tpu.memory_space<vmem>>[vector<16xi32>, vector<16xi32>], vector<16xf32>,
        tpu.vector_store_idx %arg13[%add3A_406, %add3A_403], %gather3A_407 : memref<32x128xf32, #tpu.memory_space<vmem>>[vector<16xi32>, vector<16xi32>], vector<16xf32>,
        %add3A_408 = arith.constant 16 : i32
        %add3A_409 = vector.broadcast %add3A_408 : i32 to vector<16xi32>
        %add3A_410 = arith.addi %and3A_379, %add3A_409 : vector<16xi32>
        %gather3A_411 = tpu.vector_load_idx %arg9[%add3A_403, %add3A_410] : memref<128x32xf32, #tpu.memory_space<vmem>>[vector<16xi32>, vector<16xi32>], vector<16xf32>,
        tpu.vector_store_idx %arg13[%add3A_410, %add3A_403], %gather3A_411 : memref<32x128xf32, #tpu.memory_space<vmem>>[vector<16xi32>, vector<16xi32>], vector<16xf32>,
        %add3A_412 = arith.constant 48 : i32
        %add3A_413 = vector.broadcast %add3A_412 : i32 to vector<16xi32>
        %add3A_414 = arith.addi %iota3A_237, %add3A_413 : vector<16xi32>
        %add3A_415 = arith.constant 0 : i32
        %add3A_416 = vector.broadcast %add3A_415 : i32 to vector<16xi32>
        %add3A_417 = arith.addi %and3A_379, %add3A_416 : vector<16xi32>
        %gather3A_418 = tpu.vector_load_idx %arg9[%add3A_414, %add3A_417] : memref<128x32xf32, #tpu.memory_space<vmem>>[vector<16xi32>, vector<16xi32>], vector<16xf32>,
        tpu.vector_store_idx %arg13[%add3A_417, %add3A_414], %gather3A_418 : memref<32x128xf32, #tpu.memory_space<vmem>>[vector<16xi32>, vector<16xi32>], vector<16xf32>,
        %add3A_419 = arith.constant 16 : i32
        %add3A_420 = vector.broadcast %add3A_419 : i32 to vector<16xi32>
        %add3A_421 = arith.addi %and3A_379, %add3A_420 : vector<16xi32>
        %gather3A_422 = tpu.vector_load_idx %arg9[%add3A_414, %add3A_421] : memref<128x32xf32, #tpu.memory_space<vmem>>[vector<16xi32>, vector<16xi32>], vector<16xf32>,
        tpu.vector_store_idx %arg13[%add3A_421, %add3A_414], %gather3A_422 : memref<32x128xf32, #tpu.memory_space<vmem>>[vector<16xi32>, vector<16xi32>], vector<16xf32>,
        %add3A_423 = arith.constant 64 : i32
        %add3A_424 = vector.broadcast %add3A_423 : i32 to vector<16xi32>
        %add3A_425 = arith.addi %iota3A_237, %add3A_424 : vector<16xi32>
        %add3A_426 = arith.constant 0 : i32
        %add3A_427 = vector.broadcast %add3A_426 : i32 to vector<16xi32>
        %add3A_428 = arith.addi %and3A_379, %add3A_427 : vector<16xi32>
        %gather3A_429 = tpu.vector_load_idx %arg9[%add3A_425, %add3A_428] : memref<128x32xf32, #tpu.memory_space<vmem>>[vector<16xi32>, vector<16xi32>], vector<16xf32>,
        tpu.vector_store_idx %arg13[%add3A_428, %add3A_425], %gather3A_429 : memref<32x128xf32, #tpu.memory_space<vmem>>[vector<16xi32>, vector<16xi32>], vector<16xf32>,
        %add3A_430 = arith.constant 16 : i32
        %add3A_431 = vector.broadcast %add3A_430 : i32 to vector<16xi32>
        %add3A_432 = arith.addi %and3A_379, %add3A_431 : vector<16xi32>
        %gather3A_433 = tpu.vector_load_idx %arg9[%add3A_425, %add3A_432] : memref<128x32xf32, #tpu.memory_space<vmem>>[vector<16xi32>, vector<16xi32>], vector<16xf32>,
        tpu.vector_store_idx %arg13[%add3A_432, %add3A_425], %gather3A_433 : memref<32x128xf32, #tpu.memory_space<vmem>>[vector<16xi32>, vector<16xi32>], vector<16xf32>,
        %add3A_434 = arith.constant 80 : i32
        %add3A_435 = vector.broadcast %add3A_434 : i32 to vector<16xi32>
        %add3A_436 = arith.addi %iota3A_237, %add3A_435 : vector<16xi32>
        %add3A_437 = arith.constant 0 : i32
        %add3A_438 = vector.broadcast %add3A_437 : i32 to vector<16xi32>
        %add3A_439 = arith.addi %and3A_379, %add3A_438 : vector<16xi32>
        %gather3A_440 = tpu.vector_load_idx %arg9[%add3A_436, %add3A_439] : memref<128x32xf32, #tpu.memory_space<vmem>>[vector<16xi32>, vector<16xi32>], vector<16xf32>,
        tpu.vector_store_idx %arg13[%add3A_439, %add3A_436], %gather3A_440 : memref<32x128xf32, #tpu.memory_space<vmem>>[vector<16xi32>, vector<16xi32>], vector<16xf32>,
        %add3A_441 = arith.constant 16 : i32
        %add3A_442 = vector.broadcast %add3A_441 : i32 to vector<16xi32>
        %add3A_443 = arith.addi %and3A_379, %add3A_442 : vector<16xi32>
        %gather3A_444 = tpu.vector_load_idx %arg9[%add3A_436, %add3A_443] : memref<128x32xf32, #tpu.memory_space<vmem>>[vector<16xi32>, vector<16xi32>], vector<16xf32>,
        tpu.vector_store_idx %arg13[%add3A_443, %add3A_436], %gather3A_444 : memref<32x128xf32, #tpu.memory_space<vmem>>[vector<16xi32>, vector<16xi32>], vector<16xf32>,
        %add3A_445 = arith.constant 96 : i32
        %add3A_446 = vector.broadcast %add3A_445 : i32 to vector<16xi32>
        %add3A_447 = arith.addi %iota3A_237, %add3A_446 : vector<16xi32>
        %add3A_448 = arith.constant 0 : i32
        %add3A_449 = vector.broadcast %add3A_448 : i32 to vector<16xi32>
        %add3A_450 = arith.addi %and3A_379, %add3A_449 : vector<16xi32>
        %gather3A_451 = tpu.vector_load_idx %arg9[%add3A_447, %add3A_450] : memref<128x32xf32, #tpu.memory_space<vmem>>[vector<16xi32>, vector<16xi32>], vector<16xf32>,
        tpu.vector_store_idx %arg13[%add3A_450, %add3A_447], %gather3A_451 : memref<32x128xf32, #tpu.memory_space<vmem>>[vector<16xi32>, vector<16xi32>], vector<16xf32>,
        %add3A_452 = arith.constant 16 : i32
        %add3A_453 = vector.broadcast %add3A_452 : i32 to vector<16xi32>
        %add3A_454 = arith.addi %and3A_379, %add3A_453 : vector<16xi32>
        %gather3A_455 = tpu.vector_load_idx %arg9[%add3A_447, %add3A_454] : memref<128x32xf32, #tpu.memory_space<vmem>>[vector<16xi32>, vector<16xi32>], vector<16xf32>,
        tpu.vector_store_idx %arg13[%add3A_454, %add3A_447], %gather3A_455 : memref<32x128xf32, #tpu.memory_space<vmem>>[vector<16xi32>, vector<16xi32>], vector<16xf32>,
        %add3A_456 = arith.constant 112 : i32
        %add3A_457 = vector.broadcast %add3A_456 : i32 to vector<16xi32>
        %add3A_458 = arith.addi %iota3A_237, %add3A_457 : vector<16xi32>
        %add3A_459 = arith.constant 0 : i32
        %add3A_460 = vector.broadcast %add3A_459 : i32 to vector<16xi32>
        %add3A_461 = arith.addi %and3A_379, %add3A_460 : vector<16xi32>
        %gather3A_462 = tpu.vector_load_idx %arg9[%add3A_458, %add3A_461] : memref<128x32xf32, #tpu.memory_space<vmem>>[vector<16xi32>, vector<16xi32>], vector<16xf32>,
        tpu.vector_store_idx %arg13[%add3A_461, %add3A_458], %gather3A_462 : memref<32x128xf32, #tpu.memory_space<vmem>>[vector<16xi32>, vector<16xi32>], vector<16xf32>,
        %add3A_463 = arith.constant 16 : i32
        %add3A_464 = vector.broadcast %add3A_463 : i32 to vector<16xi32>
        %add3A_465 = arith.addi %and3A_379, %add3A_464 : vector<16xi32>
        %gather3A_466 = tpu.vector_load_idx %arg9[%add3A_458, %add3A_465] : memref<128x32xf32, #tpu.memory_space<vmem>>[vector<16xi32>, vector<16xi32>], vector<16xf32>,
        tpu.vector_store_idx %arg13[%add3A_465, %add3A_458], %gather3A_466 : memref<32x128xf32, #tpu.memory_space<vmem>>[vector<16xi32>, vector<16xi32>], vector<16xf32>,
      }
      %scan3A_243 = arith.constant 16 : i32
      %jit3A_244 = arith.constant 4 : i32
      %div3A_245 = arith.divsi %add3A_225, %jit3A_244 : i32
      %sign3A_246 = arith.constant 0 : i32
      %sign3A_247 = arith.cmpi sgt, %add3A_225, %sign3A_246 : i32
      %sign3A_248 = arith.extui %sign3A_247 : i1 to i32
      %sign3A_249 = arith.constant 0 : i32
      %sign3A_250 = arith.cmpi slt, %add3A_225, %sign3A_249 : i32
      %sign3A_251 = arith.extui %sign3A_250 : i1 to i32
      %sign3A_252 = arith.subi %sign3A_248, %sign3A_251 : i32
      %sign3A_253 = arith.constant 0 : i32
      %sign3A_254 = arith.cmpi sgt, %jit3A_244, %sign3A_253 : i32
      %sign3A_255 = arith.extui %sign3A_254 : i1 to i32
      %sign3A_256 = arith.constant 0 : i32
      %sign3A_257 = arith.cmpi slt, %jit3A_244, %sign3A_256 : i32
      %sign3A_258 = arith.extui %sign3A_257 : i1 to i32
      %sign3A_259 = arith.subi %sign3A_255, %sign3A_258 : i32
      %ne3A_260 = arith.cmpi ne, %sign3A_252, %sign3A_259 : i32
      %rem3A_261 = arith.remsi %add3A_225, %jit3A_244 : i32
      %ne3A_262 = arith.constant 0 : i32
      %ne3A_263 = arith.cmpi ne, %rem3A_261, %ne3A_262 : i32
      %and3A_264 = arith.andi %ne3A_260, %ne3A_263 : i1
      %sub3A_265 = arith.constant 1 : i32
      %sub3A_266 = arith.subi %div3A_245, %sub3A_265 : i32
      %select_n3A_267 = arith.select %and3A_264, %sub3A_266, %div3A_245 : i32
      %jit3A_268 = arith.constant 4 : i32
      %eq3A_269 = arith.constant 0 : i32
      %eq3A_270 = arith.cmpi eq, %jit3A_268, %eq3A_269 : i32
      %jit3A_271 = arith.constant 1 : i32
      %select_n3A_272 = arith.select %eq3A_270, %jit3A_271, %jit3A_268 : i32
      %rem3A_273 = arith.remsi %add3A_225, %select_n3A_272 : i32
      %ne3A_274 = arith.constant 0 : i32
      %ne3A_275 = arith.cmpi ne, %rem3A_273, %ne3A_274 : i32
      %lt3A_276 = arith.constant 0 : i32
      %lt3A_277 = arith.cmpi slt, %rem3A_273, %lt3A_276 : i32
      %lt3A_278 = arith.constant 0 : i32
      %lt3A_279 = arith.cmpi slt, %select_n3A_272, %lt3A_278 : i32
      %ne3A_280 = arith.xori %lt3A_277, %lt3A_279 : i1
      %and3A_281 = arith.andi %ne3A_280, %ne3A_275 : i1
      %add3A_282 = arith.addi %rem3A_273, %select_n3A_272 : i32
      %select_n3A_283 = arith.select %and3A_281, %add3A_282, %rem3A_273 : i32
      %mul3A_284 = arith.constant 128 : i32
      %mul3A_285 = arith.muli %select_n3A_283, %mul3A_284 : i32
      %add3A_286 = arith.addi %mul3A_2, %mul3A_285 : i32
      %dma_start3A_287 = arith.constant 0 : i32
      %dma_start3A_288 = tpu.memref_slice %arg4[%select_n3A_267, %dma_start3A_287, %add3A_286] : memref<50x32x16384xf32, #tpu.memory_space<hbm>> -> memref<1x32x128xf32, #tpu.memory_space<hbm>>
      %dma_start3A_289 = tpu.memref_squeeze %dma_start3A_288 : memref<1x32x128xf32, #tpu.memory_space<hbm>> -> memref<32x128xf32, #tpu.memory_space<hbm>>
      %dma_start3A_290 = arith.constant 0 : i32
      %dma_start3A_291 = tpu.memref_slice %arg4[%select_n3A_267, %dma_start3A_290, %add3A_286] : memref<50x32x16384xf32, #tpu.memory_space<hbm>> -> memref<1x32x128xf32, #tpu.memory_space<hbm>>
      %dma_start3A_292 = tpu.memref_squeeze %dma_start3A_291 : memref<1x32x128xf32, #tpu.memory_space<hbm>> -> memref<32x128xf32, #tpu.memory_space<hbm>>
      tpu.enqueue_dma source(%arg13 : memref<32x128xf32, #tpu.memory_space<vmem>>) target(%dma_start3A_292 : memref<32x128xf32, #tpu.memory_space<hbm>>) target_semaphore(%arg21 : memref<!tpu.dma_semaphore, #tpu.memory_space<semaphore_mem>>)
      %lt3A_293 = arith.constant 49 : i32
      %lt3A_294 = arith.cmpi slt, %scan3A_81, %lt3A_293 : i32
      %convert_element_type3A_295 = arith.extui %lt3A_294 : i1 to i32
      %cond3A_296 = arith.constant 0 : i32
      %cond3A_297 = arith.cmpi ne, %convert_element_type3A_295, %cond3A_296 : i32
      scf.if %cond3A_297 {
        %add3A_374 = arith.constant 4 : i32
        %add3A_375 = arith.addi %add3A_225, %add3A_374 : i32
        %jit3A_376 = arith.constant 4 : i32
        %div3A_377 = arith.divsi %add3A_375, %jit3A_376 : i32
        %sign3A_378 = arith.constant 0 : i32
        %sign3A_379 = arith.cmpi sgt, %add3A_375, %sign3A_378 : i32
        %sign3A_380 = arith.extui %sign3A_379 : i1 to i32
        %sign3A_381 = arith.constant 0 : i32
        %sign3A_382 = arith.cmpi slt, %add3A_375, %sign3A_381 : i32
        %sign3A_383 = arith.extui %sign3A_382 : i1 to i32
        %sign3A_384 = arith.subi %sign3A_380, %sign3A_383 : i32
        %sign3A_385 = arith.constant 0 : i32
        %sign3A_386 = arith.cmpi sgt, %jit3A_376, %sign3A_385 : i32
        %sign3A_387 = arith.extui %sign3A_386 : i1 to i32
        %sign3A_388 = arith.constant 0 : i32
        %sign3A_389 = arith.cmpi slt, %jit3A_376, %sign3A_388 : i32
        %sign3A_390 = arith.extui %sign3A_389 : i1 to i32
        %sign3A_391 = arith.subi %sign3A_387, %sign3A_390 : i32
        %ne3A_392 = arith.cmpi ne, %sign3A_384, %sign3A_391 : i32
        %rem3A_393 = arith.remsi %add3A_375, %jit3A_376 : i32
        %ne3A_394 = arith.constant 0 : i32
        %ne3A_395 = arith.cmpi ne, %rem3A_393, %ne3A_394 : i32
        %and3A_396 = arith.andi %ne3A_392, %ne3A_395 : i1
        %sub3A_397 = arith.constant 1 : i32
        %sub3A_398 = arith.subi %div3A_377, %sub3A_397 : i32
        %select_n3A_399 = arith.select %and3A_396, %sub3A_398, %div3A_377 : i32
        %jit3A_400 = arith.constant 4 : i32
        %eq3A_401 = arith.constant 0 : i32
        %eq3A_402 = arith.cmpi eq, %jit3A_400, %eq3A_401 : i32
        %jit3A_403 = arith.constant 1 : i32
        %select_n3A_404 = arith.select %eq3A_402, %jit3A_403, %jit3A_400 : i32
        %rem3A_405 = arith.remsi %add3A_375, %select_n3A_404 : i32
        %ne3A_406 = arith.constant 0 : i32
        %ne3A_407 = arith.cmpi ne, %rem3A_405, %ne3A_406 : i32
        %lt3A_408 = arith.constant 0 : i32
        %lt3A_409 = arith.cmpi slt, %rem3A_405, %lt3A_408 : i32
        %lt3A_410 = arith.constant 0 : i32
        %lt3A_411 = arith.cmpi slt, %select_n3A_404, %lt3A_410 : i32
        %ne3A_412 = arith.xori %lt3A_409, %lt3A_411 : i1
        %and3A_413 = arith.andi %ne3A_412, %ne3A_407 : i1
        %add3A_414 = arith.addi %rem3A_405, %select_n3A_404 : i32
        %select_n3A_415 = arith.select %and3A_413, %add3A_414, %rem3A_405 : i32
        %mul3A_416 = arith.constant 128 : i32
        %mul3A_417 = arith.muli %select_n3A_415, %mul3A_416 : i32
        %dma_start3A_418 = tpu.memref_slice %arg6[%select_n3A_399, %mul3A_417] : memref<50x512xi32, #tpu.memory_space<vmem>> -> memref<1x128xi32, #tpu.memory_space<vmem>>
        %dma_start3A_419 = tpu.memref_squeeze %dma_start3A_418 : memref<1x128xi32, #tpu.memory_space<vmem>> -> memref<128xi32, #tpu.memory_space<vmem>>
        %dma_start3A_420 = arith.constant 0 : i32
        %dma_start3A_421 = arith.constant 0 : i32
        %dma_start3A_422 = tpu.memref_slice %arg2[%dma_start3A_420, %dma_start3A_421] : memref<1000000x32xf32, #tpu.memory_space<hbm>> -> memref<1000000x32xf32, #tpu.memory_space<hbm>>
        tpu.enqueue_indirect_dma source(%dma_start3A_422 : memref<1000000x32xf32, #tpu.memory_space<hbm>>) target(%arg9 : memref<128x32xf32, #tpu.memory_space<vmem>>) offsets(%dma_start3A_419 : memref<128xi32, #tpu.memory_space<vmem>>) semaphore(%arg17 : memref<!tpu.dma_semaphore, #tpu.memory_space<semaphore_mem>>)
      } else {
      }
      %mul3A_298 = arith.constant 4 : i32
      %mul3A_299 = arith.muli %scan3A_81, %mul3A_298 : i32
      %add3A_300 = arith.constant 3 : i32
      %add3A_301 = arith.addi %mul3A_299, %add3A_300 : i32
      %dma_wait3A_302 = arith.constant 0 : i32
      %dma_wait3A_303 = arith.constant 0 : i32
      %dma_wait3A_304 = tpu.memref_slice %arg2[%dma_wait3A_302, %dma_wait3A_303] : memref<1000000x32xf32, #tpu.memory_space<hbm>> -> memref<128x32xf32, #tpu.memory_space<hbm>>
      %dma_wait3A_305 = arith.constant 0 : i32
      %dma_wait3A_306 = arith.constant 0 : i32
      %dma_wait3A_307 = tpu.memref_slice %arg2[%dma_wait3A_305, %dma_wait3A_306] : memref<1000000x32xf32, #tpu.memory_space<hbm>> -> memref<128x32xf32, #tpu.memory_space<hbm>>
      tpu.wait_dma2 semaphore(%arg18 : memref<!tpu.dma_semaphore, #tpu.memory_space<semaphore_mem>>) src(%dma_wait3A_307 : memref<128x32xf32, #tpu.memory_space<hbm>>) dst(%arg10 : memref<128x32xf32, #tpu.memory_space<vmem>>)
      %ne3A_308 = arith.constant 0 : i32
      %ne3A_309 = arith.cmpi ne, %scan3A_81, %ne3A_308 : i32
      %convert_element_type3A_310 = arith.extui %ne3A_309 : i1 to i32
      %cond3A_311 = arith.constant 0 : i32
      %cond3A_312 = arith.cmpi ne, %convert_element_type3A_310, %cond3A_311 : i32
      scf.if %cond3A_312 {
        %dma_wait3A_374 = arith.constant 0 : i32
        %dma_wait3A_375 = arith.constant 0 : i32
        %dma_wait3A_376 = arith.constant 0 : i32
        %dma_wait3A_377 = tpu.memref_slice %arg4[%dma_wait3A_374, %dma_wait3A_375, %dma_wait3A_376] : memref<50x32x16384xf32, #tpu.memory_space<hbm>> -> memref<1x32x128xf32, #tpu.memory_space<hbm>>
        %dma_wait3A_378 = tpu.memref_squeeze %dma_wait3A_377 : memref<1x32x128xf32, #tpu.memory_space<hbm>> -> memref<32x128xf32, #tpu.memory_space<hbm>>
        %dma_wait3A_379 = arith.constant 0 : i32
        %dma_wait3A_380 = arith.constant 0 : i32
        %dma_wait3A_381 = tpu.memref_slice %arg4[%dma_wait3A_374, %dma_wait3A_379, %dma_wait3A_380] : memref<50x32x16384xf32, #tpu.memory_space<hbm>> -> memref<1x32x128xf32, #tpu.memory_space<hbm>>
        %dma_wait3A_382 = tpu.memref_squeeze %dma_wait3A_381 : memref<1x32x128xf32, #tpu.memory_space<hbm>> -> memref<32x128xf32, #tpu.memory_space<hbm>>
        tpu.wait_dma2 semaphore(%arg22 : memref<!tpu.dma_semaphore, #tpu.memory_space<semaphore_mem>>) src(%arg14 : memref<32x128xf32, #tpu.memory_space<vmem>>) dst(%dma_wait3A_382 : memref<32x128xf32, #tpu.memory_space<hbm>>)
      } else {
      }
      %iota3A_313 = tpu.iota {dimensions = array<i32: 0>} : vector<16xi32>
      %scan3A_314 = arith.constant 0 : i32
      %scan3A_315 = arith.constant 0 : i32
      %scan3A_316 = arith.constant 16 : i32
      %scan3A_317 = arith.addi %scan3A_315, %scan3A_316 : i32
      %scan3A_318 = arith.constant 1 : i32
      scf.for %scan3A_374 = %scan3A_315 to %scan3A_317 step %scan3A_318  : i32 {
        %add3A_375 = vector.broadcast %scan3A_374 : i32 to vector<16xi32>
        %add3A_376 = arith.addi %iota3A_313, %add3A_375 : vector<16xi32>
        %and3A_377 = arith.constant 15 : i32
        %and3A_378 = vector.broadcast %and3A_377 : i32 to vector<16xi32>
        %and3A_379 = arith.andi %add3A_376, %and3A_378 : vector<16xi32>
        %add3A_380 = arith.constant 0 : i32
        %add3A_381 = vector.broadcast %add3A_380 : i32 to vector<16xi32>
        %add3A_382 = arith.addi %iota3A_313, %add3A_381 : vector<16xi32>
        %add3A_383 = arith.constant 0 : i32
        %add3A_384 = vector.broadcast %add3A_383 : i32 to vector<16xi32>
        %add3A_385 = arith.addi %and3A_379, %add3A_384 : vector<16xi32>
        %gather3A = tpu.vector_load_idx %arg10[%add3A_382, %add3A_385] : memref<128x32xf32, #tpu.memory_space<vmem>>[vector<16xi32>, vector<16xi32>], vector<16xf32>,
        tpu.vector_store_idx %arg14[%add3A_385, %add3A_382], %gather3A : memref<32x128xf32, #tpu.memory_space<vmem>>[vector<16xi32>, vector<16xi32>], vector<16xf32>,
        %add3A_386 = arith.constant 16 : i32
        %add3A_387 = vector.broadcast %add3A_386 : i32 to vector<16xi32>
        %add3A_388 = arith.addi %and3A_379, %add3A_387 : vector<16xi32>
        %gather3A_389 = tpu.vector_load_idx %arg10[%add3A_382, %add3A_388] : memref<128x32xf32, #tpu.memory_space<vmem>>[vector<16xi32>, vector<16xi32>], vector<16xf32>,
        tpu.vector_store_idx %arg14[%add3A_388, %add3A_382], %gather3A_389 : memref<32x128xf32, #tpu.memory_space<vmem>>[vector<16xi32>, vector<16xi32>], vector<16xf32>,
        %add3A_390 = arith.constant 16 : i32
        %add3A_391 = vector.broadcast %add3A_390 : i32 to vector<16xi32>
        %add3A_392 = arith.addi %iota3A_313, %add3A_391 : vector<16xi32>
        %add3A_393 = arith.constant 0 : i32
        %add3A_394 = vector.broadcast %add3A_393 : i32 to vector<16xi32>
        %add3A_395 = arith.addi %and3A_379, %add3A_394 : vector<16xi32>
        %gather3A_396 = tpu.vector_load_idx %arg10[%add3A_392, %add3A_395] : memref<128x32xf32, #tpu.memory_space<vmem>>[vector<16xi32>, vector<16xi32>], vector<16xf32>,
        tpu.vector_store_idx %arg14[%add3A_395, %add3A_392], %gather3A_396 : memref<32x128xf32, #tpu.memory_space<vmem>>[vector<16xi32>, vector<16xi32>], vector<16xf32>,
        %add3A_397 = arith.constant 16 : i32
        %add3A_398 = vector.broadcast %add3A_397 : i32 to vector<16xi32>
        %add3A_399 = arith.addi %and3A_379, %add3A_398 : vector<16xi32>
        %gather3A_400 = tpu.vector_load_idx %arg10[%add3A_392, %add3A_399] : memref<128x32xf32, #tpu.memory_space<vmem>>[vector<16xi32>, vector<16xi32>], vector<16xf32>,
        tpu.vector_store_idx %arg14[%add3A_399, %add3A_392], %gather3A_400 : memref<32x128xf32, #tpu.memory_space<vmem>>[vector<16xi32>, vector<16xi32>], vector<16xf32>,
        %add3A_401 = arith.constant 32 : i32
        %add3A_402 = vector.broadcast %add3A_401 : i32 to vector<16xi32>
        %add3A_403 = arith.addi %iota3A_313, %add3A_402 : vector<16xi32>
        %add3A_404 = arith.constant 0 : i32
        %add3A_405 = vector.broadcast %add3A_404 : i32 to vector<16xi32>
        %add3A_406 = arith.addi %and3A_379, %add3A_405 : vector<16xi32>
        %gather3A_407 = tpu.vector_load_idx %arg10[%add3A_403, %add3A_406] : memref<128x32xf32, #tpu.memory_space<vmem>>[vector<16xi32>, vector<16xi32>], vector<16xf32>,
        tpu.vector_store_idx %arg14[%add3A_406, %add3A_403], %gather3A_407 : memref<32x128xf32, #tpu.memory_space<vmem>>[vector<16xi32>, vector<16xi32>], vector<16xf32>,
        %add3A_408 = arith.constant 16 : i32
        %add3A_409 = vector.broadcast %add3A_408 : i32 to vector<16xi32>
        %add3A_410 = arith.addi %and3A_379, %add3A_409 : vector<16xi32>
        %gather3A_411 = tpu.vector_load_idx %arg10[%add3A_403, %add3A_410] : memref<128x32xf32, #tpu.memory_space<vmem>>[vector<16xi32>, vector<16xi32>], vector<16xf32>,
        tpu.vector_store_idx %arg14[%add3A_410, %add3A_403], %gather3A_411 : memref<32x128xf32, #tpu.memory_space<vmem>>[vector<16xi32>, vector<16xi32>], vector<16xf32>,
        %add3A_412 = arith.constant 48 : i32
        %add3A_413 = vector.broadcast %add3A_412 : i32 to vector<16xi32>
        %add3A_414 = arith.addi %iota3A_313, %add3A_413 : vector<16xi32>
        %add3A_415 = arith.constant 0 : i32
        %add3A_416 = vector.broadcast %add3A_415 : i32 to vector<16xi32>
        %add3A_417 = arith.addi %and3A_379, %add3A_416 : vector<16xi32>
        %gather3A_418 = tpu.vector_load_idx %arg10[%add3A_414, %add3A_417] : memref<128x32xf32, #tpu.memory_space<vmem>>[vector<16xi32>, vector<16xi32>], vector<16xf32>,
        tpu.vector_store_idx %arg14[%add3A_417, %add3A_414], %gather3A_418 : memref<32x128xf32, #tpu.memory_space<vmem>>[vector<16xi32>, vector<16xi32>], vector<16xf32>,
        %add3A_419 = arith.constant 16 : i32
        %add3A_420 = vector.broadcast %add3A_419 : i32 to vector<16xi32>
        %add3A_421 = arith.addi %and3A_379, %add3A_420 : vector<16xi32>
        %gather3A_422 = tpu.vector_load_idx %arg10[%add3A_414, %add3A_421] : memref<128x32xf32, #tpu.memory_space<vmem>>[vector<16xi32>, vector<16xi32>], vector<16xf32>,
        tpu.vector_store_idx %arg14[%add3A_421, %add3A_414], %gather3A_422 : memref<32x128xf32, #tpu.memory_space<vmem>>[vector<16xi32>, vector<16xi32>], vector<16xf32>,
        %add3A_423 = arith.constant 64 : i32
        %add3A_424 = vector.broadcast %add3A_423 : i32 to vector<16xi32>
        %add3A_425 = arith.addi %iota3A_313, %add3A_424 : vector<16xi32>
        %add3A_426 = arith.constant 0 : i32
        %add3A_427 = vector.broadcast %add3A_426 : i32 to vector<16xi32>
        %add3A_428 = arith.addi %and3A_379, %add3A_427 : vector<16xi32>
        %gather3A_429 = tpu.vector_load_idx %arg10[%add3A_425, %add3A_428] : memref<128x32xf32, #tpu.memory_space<vmem>>[vector<16xi32>, vector<16xi32>], vector<16xf32>,
        tpu.vector_store_idx %arg14[%add3A_428, %add3A_425], %gather3A_429 : memref<32x128xf32, #tpu.memory_space<vmem>>[vector<16xi32>, vector<16xi32>], vector<16xf32>,
        %add3A_430 = arith.constant 16 : i32
        %add3A_431 = vector.broadcast %add3A_430 : i32 to vector<16xi32>
        %add3A_432 = arith.addi %and3A_379, %add3A_431 : vector<16xi32>
        %gather3A_433 = tpu.vector_load_idx %arg10[%add3A_425, %add3A_432] : memref<128x32xf32, #tpu.memory_space<vmem>>[vector<16xi32>, vector<16xi32>], vector<16xf32>,
        tpu.vector_store_idx %arg14[%add3A_432, %add3A_425], %gather3A_433 : memref<32x128xf32, #tpu.memory_space<vmem>>[vector<16xi32>, vector<16xi32>], vector<16xf32>,
        %add3A_434 = arith.constant 80 : i32
        %add3A_435 = vector.broadcast %add3A_434 : i32 to vector<16xi32>
        %add3A_436 = arith.addi %iota3A_313, %add3A_435 : vector<16xi32>
        %add3A_437 = arith.constant 0 : i32
        %add3A_438 = vector.broadcast %add3A_437 : i32 to vector<16xi32>
        %add3A_439 = arith.addi %and3A_379, %add3A_438 : vector<16xi32>
        %gather3A_440 = tpu.vector_load_idx %arg10[%add3A_436, %add3A_439] : memref<128x32xf32, #tpu.memory_space<vmem>>[vector<16xi32>, vector<16xi32>], vector<16xf32>,
        tpu.vector_store_idx %arg14[%add3A_439, %add3A_436], %gather3A_440 : memref<32x128xf32, #tpu.memory_space<vmem>>[vector<16xi32>, vector<16xi32>], vector<16xf32>,
        %add3A_441 = arith.constant 16 : i32
        %add3A_442 = vector.broadcast %add3A_441 : i32 to vector<16xi32>
        %add3A_443 = arith.addi %and3A_379, %add3A_442 : vector<16xi32>
        %gather3A_444 = tpu.vector_load_idx %arg10[%add3A_436, %add3A_443] : memref<128x32xf32, #tpu.memory_space<vmem>>[vector<16xi32>, vector<16xi32>], vector<16xf32>,
        tpu.vector_store_idx %arg14[%add3A_443, %add3A_436], %gather3A_444 : memref<32x128xf32, #tpu.memory_space<vmem>>[vector<16xi32>, vector<16xi32>], vector<16xf32>,
        %add3A_445 = arith.constant 96 : i32
        %add3A_446 = vector.broadcast %add3A_445 : i32 to vector<16xi32>
        %add3A_447 = arith.addi %iota3A_313, %add3A_446 : vector<16xi32>
        %add3A_448 = arith.constant 0 : i32
        %add3A_449 = vector.broadcast %add3A_448 : i32 to vector<16xi32>
        %add3A_450 = arith.addi %and3A_379, %add3A_449 : vector<16xi32>
        %gather3A_451 = tpu.vector_load_idx %arg10[%add3A_447, %add3A_450] : memref<128x32xf32, #tpu.memory_space<vmem>>[vector<16xi32>, vector<16xi32>], vector<16xf32>,
        tpu.vector_store_idx %arg14[%add3A_450, %add3A_447], %gather3A_451 : memref<32x128xf32, #tpu.memory_space<vmem>>[vector<16xi32>, vector<16xi32>], vector<16xf32>,
        %add3A_452 = arith.constant 16 : i32
        %add3A_453 = vector.broadcast %add3A_452 : i32 to vector<16xi32>
        %add3A_454 = arith.addi %and3A_379, %add3A_453 : vector<16xi32>
        %gather3A_455 = tpu.vector_load_idx %arg10[%add3A_447, %add3A_454] : memref<128x32xf32, #tpu.memory_space<vmem>>[vector<16xi32>, vector<16xi32>], vector<16xf32>,
        tpu.vector_store_idx %arg14[%add3A_454, %add3A_447], %gather3A_455 : memref<32x128xf32, #tpu.memory_space<vmem>>[vector<16xi32>, vector<16xi32>], vector<16xf32>,
        %add3A_456 = arith.constant 112 : i32
        %add3A_457 = vector.broadcast %add3A_456 : i32 to vector<16xi32>
        %add3A_458 = arith.addi %iota3A_313, %add3A_457 : vector<16xi32>
        %add3A_459 = arith.constant 0 : i32
        %add3A_460 = vector.broadcast %add3A_459 : i32 to vector<16xi32>
        %add3A_461 = arith.addi %and3A_379, %add3A_460 : vector<16xi32>
        %gather3A_462 = tpu.vector_load_idx %arg10[%add3A_458, %add3A_461] : memref<128x32xf32, #tpu.memory_space<vmem>>[vector<16xi32>, vector<16xi32>], vector<16xf32>,
        tpu.vector_store_idx %arg14[%add3A_461, %add3A_458], %gather3A_462 : memref<32x128xf32, #tpu.memory_space<vmem>>[vector<16xi32>, vector<16xi32>], vector<16xf32>,
        %add3A_463 = arith.constant 16 : i32
        %add3A_464 = vector.broadcast %add3A_463 : i32 to vector<16xi32>
        %add3A_465 = arith.addi %and3A_379, %add3A_464 : vector<16xi32>
        %gather3A_466 = tpu.vector_load_idx %arg10[%add3A_458, %add3A_465] : memref<128x32xf32, #tpu.memory_space<vmem>>[vector<16xi32>, vector<16xi32>], vector<16xf32>,
        tpu.vector_store_idx %arg14[%add3A_465, %add3A_458], %gather3A_466 : memref<32x128xf32, #tpu.memory_space<vmem>>[vector<16xi32>, vector<16xi32>], vector<16xf32>,
      }
      %scan3A_319 = arith.constant 16 : i32
      %jit3A_320 = arith.constant 4 : i32
      %div3A_321 = arith.divsi %add3A_301, %jit3A_320 : i32
      %sign3A_322 = arith.constant 0 : i32
      %sign3A_323 = arith.cmpi sgt, %add3A_301, %sign3A_322 : i32
      %sign3A_324 = arith.extui %sign3A_323 : i1 to i32
      %sign3A_325 = arith.constant 0 : i32
      %sign3A_326 = arith.cmpi slt, %add3A_301, %sign3A_325 : i32
      %sign3A_327 = arith.extui %sign3A_326 : i1 to i32
      %sign3A_328 = arith.subi %sign3A_324, %sign3A_327 : i32
      %sign3A_329 = arith.constant 0 : i32
      %sign3A_330 = arith.cmpi sgt, %jit3A_320, %sign3A_329 : i32
      %sign3A_331 = arith.extui %sign3A_330 : i1 to i32
      %sign3A_332 = arith.constant 0 : i32
      %sign3A_333 = arith.cmpi slt, %jit3A_320, %sign3A_332 : i32
      %sign3A_334 = arith.extui %sign3A_333 : i1 to i32
      %sign3A_335 = arith.subi %sign3A_331, %sign3A_334 : i32
      %ne3A_336 = arith.cmpi ne, %sign3A_328, %sign3A_335 : i32
      %rem3A_337 = arith.remsi %add3A_301, %jit3A_320 : i32
      %ne3A_338 = arith.constant 0 : i32
      %ne3A_339 = arith.cmpi ne, %rem3A_337, %ne3A_338 : i32
      %and3A_340 = arith.andi %ne3A_336, %ne3A_339 : i1
      %sub3A_341 = arith.constant 1 : i32
      %sub3A_342 = arith.subi %div3A_321, %sub3A_341 : i32
      %select_n3A_343 = arith.select %and3A_340, %sub3A_342, %div3A_321 : i32
      %jit3A_344 = arith.constant 4 : i32
      %eq3A_345 = arith.constant 0 : i32
      %eq3A_346 = arith.cmpi eq, %jit3A_344, %eq3A_345 : i32
      %jit3A_347 = arith.constant 1 : i32
      %select_n3A_348 = arith.select %eq3A_346, %jit3A_347, %jit3A_344 : i32
      %rem3A_349 = arith.remsi %add3A_301, %select_n3A_348 : i32
      %ne3A_350 = arith.constant 0 : i32
      %ne3A_351 = arith.cmpi ne, %rem3A_349, %ne3A_350 : i32
      %lt3A_352 = arith.constant 0 : i32
      %lt3A_353 = arith.cmpi slt, %rem3A_349, %lt3A_352 : i32
      %lt3A_354 = arith.constant 0 : i32
      %lt3A_355 = arith.cmpi slt, %select_n3A_348, %lt3A_354 : i32
      %ne3A_356 = arith.xori %lt3A_353, %lt3A_355 : i1
      %and3A_357 = arith.andi %ne3A_356, %ne3A_351 : i1
      %add3A_358 = arith.addi %rem3A_349, %select_n3A_348 : i32
      %select_n3A_359 = arith.select %and3A_357, %add3A_358, %rem3A_349 : i32
      %mul3A_360 = arith.constant 128 : i32
      %mul3A_361 = arith.muli %select_n3A_359, %mul3A_360 : i32
      %add3A_362 = arith.addi %mul3A_2, %mul3A_361 : i32
      %dma_start3A_363 = arith.constant 0 : i32
      %dma_start3A_364 = tpu.memref_slice %arg4[%select_n3A_343, %dma_start3A_363, %add3A_362] : memref<50x32x16384xf32, #tpu.memory_space<hbm>> -> memref<1x32x128xf32, #tpu.memory_space<hbm>>
      %dma_start3A_365 = tpu.memref_squeeze %dma_start3A_364 : memref<1x32x128xf32, #tpu.memory_space<hbm>> -> memref<32x128xf32, #tpu.memory_space<hbm>>
      %dma_start3A_366 = arith.constant 0 : i32
      %dma_start3A_367 = tpu.memref_slice %arg4[%select_n3A_343, %dma_start3A_366, %add3A_362] : memref<50x32x16384xf32, #tpu.memory_space<hbm>> -> memref<1x32x128xf32, #tpu.memory_space<hbm>>
      %dma_start3A_368 = tpu.memref_squeeze %dma_start3A_367 : memref<1x32x128xf32, #tpu.memory_space<hbm>> -> memref<32x128xf32, #tpu.memory_space<hbm>>
      tpu.enqueue_dma source(%arg14 : memref<32x128xf32, #tpu.memory_space<vmem>>) target(%dma_start3A_368 : memref<32x128xf32, #tpu.memory_space<hbm>>) target_semaphore(%arg22 : memref<!tpu.dma_semaphore, #tpu.memory_space<semaphore_mem>>)
      %lt3A_369 = arith.constant 49 : i32
      %lt3A_370 = arith.cmpi slt, %scan3A_81, %lt3A_369 : i32
      %convert_element_type3A_371 = arith.extui %lt3A_370 : i1 to i32
      %cond3A_372 = arith.constant 0 : i32
      %cond3A_373 = arith.cmpi ne, %convert_element_type3A_371, %cond3A_372 : i32
      scf.if %cond3A_373 {
        %add3A_374 = arith.constant 4 : i32
        %add3A_375 = arith.addi %add3A_301, %add3A_374 : i32
        %jit3A_376 = arith.constant 4 : i32
        %div3A_377 = arith.divsi %add3A_375, %jit3A_376 : i32
        %sign3A_378 = arith.constant 0 : i32
        %sign3A_379 = arith.cmpi sgt, %add3A_375, %sign3A_378 : i32
        %sign3A_380 = arith.extui %sign3A_379 : i1 to i32
        %sign3A_381 = arith.constant 0 : i32
        %sign3A_382 = arith.cmpi slt, %add3A_375, %sign3A_381 : i32
        %sign3A_383 = arith.extui %sign3A_382 : i1 to i32
        %sign3A_384 = arith.subi %sign3A_380, %sign3A_383 : i32
        %sign3A_385 = arith.constant 0 : i32
        %sign3A_386 = arith.cmpi sgt, %jit3A_376, %sign3A_385 : i32
        %sign3A_387 = arith.extui %sign3A_386 : i1 to i32
        %sign3A_388 = arith.constant 0 : i32
        %sign3A_389 = arith.cmpi slt, %jit3A_376, %sign3A_388 : i32
        %sign3A_390 = arith.extui %sign3A_389 : i1 to i32
        %sign3A_391 = arith.subi %sign3A_387, %sign3A_390 : i32
        %ne3A_392 = arith.cmpi ne, %sign3A_384, %sign3A_391 : i32
        %rem3A_393 = arith.remsi %add3A_375, %jit3A_376 : i32
        %ne3A_394 = arith.constant 0 : i32
        %ne3A_395 = arith.cmpi ne, %rem3A_393, %ne3A_394 : i32
        %and3A_396 = arith.andi %ne3A_392, %ne3A_395 : i1
        %sub3A_397 = arith.constant 1 : i32
        %sub3A_398 = arith.subi %div3A_377, %sub3A_397 : i32
        %select_n3A_399 = arith.select %and3A_396, %sub3A_398, %div3A_377 : i32
        %jit3A_400 = arith.constant 4 : i32
        %eq3A_401 = arith.constant 0 : i32
        %eq3A_402 = arith.cmpi eq, %jit3A_400, %eq3A_401 : i32
        %jit3A_403 = arith.constant 1 : i32
        %select_n3A_404 = arith.select %eq3A_402, %jit3A_403, %jit3A_400 : i32
        %rem3A_405 = arith.remsi %add3A_375, %select_n3A_404 : i32
        %ne3A_406 = arith.constant 0 : i32
        %ne3A_407 = arith.cmpi ne, %rem3A_405, %ne3A_406 : i32
        %lt3A_408 = arith.constant 0 : i32
        %lt3A_409 = arith.cmpi slt, %rem3A_405, %lt3A_408 : i32
        %lt3A_410 = arith.constant 0 : i32
        %lt3A_411 = arith.cmpi slt, %select_n3A_404, %lt3A_410 : i32
        %ne3A_412 = arith.xori %lt3A_409, %lt3A_411 : i1
        %and3A_413 = arith.andi %ne3A_412, %ne3A_407 : i1
        %add3A_414 = arith.addi %rem3A_405, %select_n3A_404 : i32
        %select_n3A_415 = arith.select %and3A_413, %add3A_414, %rem3A_405 : i32
        %mul3A_416 = arith.constant 128 : i32
        %mul3A_417 = arith.muli %select_n3A_415, %mul3A_416 : i32
        %dma_start3A_418 = tpu.memref_slice %arg6[%select_n3A_399, %mul3A_417] : memref<50x512xi32, #tpu.memory_space<vmem>> -> memref<1x128xi32, #tpu.memory_space<vmem>>
        %dma_start3A_419 = tpu.memref_squeeze %dma_start3A_418 : memref<1x128xi32, #tpu.memory_space<vmem>> -> memref<128xi32, #tpu.memory_space<vmem>>
        %dma_start3A_420 = arith.constant 0 : i32
        %dma_start3A_421 = arith.constant 0 : i32
        %dma_start3A_422 = tpu.memref_slice %arg2[%dma_start3A_420, %dma_start3A_421] : memref<1000000x32xf32, #tpu.memory_space<hbm>> -> memref<1000000x32xf32, #tpu.memory_space<hbm>>
        tpu.enqueue_indirect_dma source(%dma_start3A_422 : memref<1000000x32xf32, #tpu.memory_space<hbm>>) target(%arg10 : memref<128x32xf32, #tpu.memory_space<vmem>>) offsets(%dma_start3A_419 : memref<128xi32, #tpu.memory_space<vmem>>) semaphore(%arg18 : memref<!tpu.dma_semaphore, #tpu.memory_space<semaphore_mem>>)
      } else {
      }
    }
    %scan3A_45 = arith.constant 50 : i32
    %dma_wait3A = arith.constant 0 : i32
    %dma_wait3A_46 = arith.constant 0 : i32
    %dma_wait3A_47 = arith.constant 0 : i32
    %dma_wait3A_48 = tpu.memref_slice %arg4[%dma_wait3A, %dma_wait3A_46, %dma_wait3A_47] : memref<50x32x16384xf32, #tpu.memory_space<hbm>> -> memref<1x32x128xf32, #tpu.memory_space<hbm>>
    %dma_wait3A_49 = tpu.memref_squeeze %dma_wait3A_48 : memref<1x32x128xf32, #tpu.memory_space<hbm>> -> memref<32x128xf32, #tpu.memory_space<hbm>>
    %dma_wait3A_50 = arith.constant 0 : i32
    %dma_wait3A_51 = arith.constant 0 : i32
    %dma_wait3A_52 = tpu.memref_slice %arg4[%dma_wait3A, %dma_wait3A_50, %dma_wait3A_51] : memref<50x32x16384xf32, #tpu.memory_space<hbm>> -> memref<1x32x128xf32, #tpu.memory_space<hbm>>
    %dma_wait3A_53 = tpu.memref_squeeze %dma_wait3A_52 : memref<1x32x128xf32, #tpu.memory_space<hbm>> -> memref<32x128xf32, #tpu.memory_space<hbm>>
    tpu.wait_dma2 semaphore(%arg19 : memref<!tpu.dma_semaphore, #tpu.memory_space<semaphore_mem>>) src(%arg11 : memref<32x128xf32, #tpu.memory_space<vmem>>) dst(%dma_wait3A_53 : memref<32x128xf32, #tpu.memory_space<hbm>>)
    %dma_wait3A_54 = arith.constant 0 : i32
    %dma_wait3A_55 = arith.constant 0 : i32
    %dma_wait3A_56 = arith.constant 0 : i32
    %dma_wait3A_57 = tpu.memref_slice %arg4[%dma_wait3A_54, %dma_wait3A_55, %dma_wait3A_56] : memref<50x32x16384xf32, #tpu.memory_space<hbm>> -> memref<1x32x128xf32, #tpu.memory_space<hbm>>
    %dma_wait3A_58 = tpu.memref_squeeze %dma_wait3A_57 : memref<1x32x128xf32, #tpu.memory_space<hbm>> -> memref<32x128xf32, #tpu.memory_space<hbm>>
    %dma_wait3A_59 = arith.constant 0 : i32
    %dma_wait3A_60 = arith.constant 0 : i32
    %dma_wait3A_61 = tpu.memref_slice %arg4[%dma_wait3A_54, %dma_wait3A_59, %dma_wait3A_60] : memref<50x32x16384xf32, #tpu.memory_space<hbm>> -> memref<1x32x128xf32, #tpu.memory_space<hbm>>
    %dma_wait3A_62 = tpu.memref_squeeze %dma_wait3A_61 : memref<1x32x128xf32, #tpu.memory_space<hbm>> -> memref<32x128xf32, #tpu.memory_space<hbm>>
    tpu.wait_dma2 semaphore(%arg20 : memref<!tpu.dma_semaphore, #tpu.memory_space<semaphore_mem>>) src(%arg12 : memref<32x128xf32, #tpu.memory_space<vmem>>) dst(%dma_wait3A_62 : memref<32x128xf32, #tpu.memory_space<hbm>>)
    %dma_wait3A_63 = arith.constant 0 : i32
    %dma_wait3A_64 = arith.constant 0 : i32
    %dma_wait3A_65 = arith.constant 0 : i32
    %dma_wait3A_66 = tpu.memref_slice %arg4[%dma_wait3A_63, %dma_wait3A_64, %dma_wait3A_65] : memref<50x32x16384xf32, #tpu.memory_space<hbm>> -> memref<1x32x128xf32, #tpu.memory_space<hbm>>
    %dma_wait3A_67 = tpu.memref_squeeze %dma_wait3A_66 : memref<1x32x128xf32, #tpu.memory_space<hbm>> -> memref<32x128xf32, #tpu.memory_space<hbm>>
    %dma_wait3A_68 = arith.constant 0 : i32
    %dma_wait3A_69 = arith.constant 0 : i32
    %dma_wait3A_70 = tpu.memref_slice %arg4[%dma_wait3A_63, %dma_wait3A_68, %dma_wait3A_69] : memref<50x32x16384xf32, #tpu.memory_space<hbm>> -> memref<1x32x128xf32, #tpu.memory_space<hbm>>
    %dma_wait3A_71 = tpu.memref_squeeze %dma_wait3A_70 : memref<1x32x128xf32, #tpu.memory_space<hbm>> -> memref<32x128xf32, #tpu.memory_space<hbm>>
    tpu.wait_dma2 semaphore(%arg21 : memref<!tpu.dma_semaphore, #tpu.memory_space<semaphore_mem>>) src(%arg13 : memref<32x128xf32, #tpu.memory_space<vmem>>) dst(%dma_wait3A_71 : memref<32x128xf32, #tpu.memory_space<hbm>>)
    %dma_wait3A_72 = arith.constant 0 : i32
    %dma_wait3A_73 = arith.constant 0 : i32
    %dma_wait3A_74 = arith.constant 0 : i32
    %dma_wait3A_75 = tpu.memref_slice %arg4[%dma_wait3A_72, %dma_wait3A_73, %dma_wait3A_74] : memref<50x32x16384xf32, #tpu.memory_space<hbm>> -> memref<1x32x128xf32, #tpu.memory_space<hbm>>
    %dma_wait3A_76 = tpu.memref_squeeze %dma_wait3A_75 : memref<1x32x128xf32, #tpu.memory_space<hbm>> -> memref<32x128xf32, #tpu.memory_space<hbm>>
    %dma_wait3A_77 = arith.constant 0 : i32
    %dma_wait3A_78 = arith.constant 0 : i32
    %dma_wait3A_79 = tpu.memref_slice %arg4[%dma_wait3A_72, %dma_wait3A_77, %dma_wait3A_78] : memref<50x32x16384xf32, #tpu.memory_space<hbm>> -> memref<1x32x128xf32, #tpu.memory_space<hbm>>
    %dma_wait3A_80 = tpu.memref_squeeze %dma_wait3A_79 : memref<1x32x128xf32, #tpu.memory_space<hbm>> -> memref<32x128xf32, #tpu.memory_space<hbm>>
    tpu.wait_dma2 semaphore(%arg22 : memref<!tpu.dma_semaphore, #tpu.memory_space<semaphore_mem>>) src(%arg14 : memref<32x128xf32, #tpu.memory_space<vmem>>) dst(%dma_wait3A_80 : memref<32x128xf32, #tpu.memory_space<hbm>>)
    return
  }
}

</mosaic_0001>

<sc_bundles>
// kernel: kernel.3.cloned.1.call-start
scs
__scs_entry_jumppad:
0x0: {  	(pc) =	sbr.rel $0x88, $3  }
0x1: {  	(tag) =	ssettag $0x0;
	lr =	simm.s32 $0x1  }
0x2: {  	[smem:$0x3F9F] =	sst lr;
	_ =	strace $0xD0000000  }
0x3: {  	_ = 	snop  }
0x4: {  	_ = 	snop  }
0x5: {  	_ = 	snop  }
0x6: {  	_ = 	snop  }
0x7: {  	_ = 	snop  }
__scs_overlays_trampoline_lowered:
0x8: {  	[smem:$0x3FAE] =	sst s0  }
0x9: {  	[smem:$0x3FAF] =	sst s1  }
0xa: {  	[smem:$0x3FB0] =	sst s2  }
0xb: {  	[smem:$0x3FB1] =	sst s3  }
0xc: {  	[smem:$0x3FB2] =	sst s4  }
0xd: {  	[smem:$0x3FB3] =	sst s5  }
0xe: {  	[smem:$0x3FB4] =	sst s6  }
0xf: {  	[smem:$0x3FB5] =	sst s7  }
0x10: {  	[smem:$0x3FB6] =	sst s8  }
0x11: {  	[smem:$0x3FB7] =	sst s9;
	s0 =	simm.s32 @!p0 $0x0  }
0x12: {  	s1 =	sld [smem:$0x3F9D];
	s0 =	simm.s32 @p0 $0x1  }
0x13: {  	[smem:$0x3FB8] =	sst s0;
	s0 =	simm.s32 @!p1 $0x0  }
0x14: {  	s2 =	sld [smem:$0x3F9C];
	s0 =	simm.s32 @p1 $0x1  }
0x15: {  	[smem:$0x3FB9] =	sst s0;
	s0 =	simm.s32 @!p2 $0x0  }
0x16: {  	s3 =	sld [smem:$0x3FDB];
	s0 =	simm.s32 @p2 $0x1  }
0x17: {  	s4 =	simm.s32 $0x1BF5;
	[smem:$0x3FBB] =	sst s0  }
0x18: {  	s0 =	sld [smem:$0x3F9E];
	_ =	swait.ge [sflag:s4], $0x0  }
0x19: {  	s7 =	sld [smem:$0x3F9F]  }
0x1a: {  	s8 =	sadd.s32 $0xFFFFE003, lr  }
0x1b: {  	s9 =	sadd.s32 $0xFFFFFEF7, lr;
	s5 =	simm.s32 $0xFFFFFFFF;
	p2 =	slt.u32 s8, $0xFFFFF086  }
0x1c: {  	p1 =	slt.u32 s9, $0xF7A;
	s5 =	simm.s32 @!p2 $0x0  }
0x1d: {  	s5 =	simm.s32 @p1 $0x1;
	p0 =	seq.s32 s7, s2  }
0x1e: {  	s7 =	smul.u32 @!p0 $0xF7A, s2;
	p2 =	seq.s32 @!p0 s5, $0x0  }
0x1f: {  	s9 =	smul.u32 $0xF7A, s1;
	s8 =	simm.s32 @!p0 $0x1BF5;
	p2 =	por !p2, p0  }
0x20: {  	[sflag:s8] =	ssyncset.s32 @!p0 $0xFFFFF086;
	s6 =	sadd.s32 @!p0 s3, s7;
	s7 =	simm.s32 @!p0 $0x108  }
0x21: {  	s3 =	sadd.s32 s3, s9;
	s6 =	sadd.s32 @!p0 $0x88, s6;
	s7 =	simm.s32 @p2 $0x1082  }
0x22: {  	[simem:s7], [sflag:s8] =	dma.local @!p0 [hbm:s6], $0xF7A  }
0x23: {  	s9 =	sor.u32 $0xD0000000, s2;
	s6 =	simm.s32 $0x108;
	_ =	swait.ge @!p0 [sflag:s8], $0x0  }
0x24: {  	s3 =	sadd.s32 $0x88, s3;
	s6 =	simm.s32 @!p1 $0x1082;
	[sflag:s4] =	ssyncset.s32 $0xFFFFF086  }
0x25: {  	[simem:s6], [sflag:s4] =	dma.local [hbm:s3], $0xF7A  }
0x26: {  	[smem:$0x3F9F] =	sst s1;
	(tag) =	ssettag s2;
	_ =	strace s9  }
0x27: {  	s1 =	sld [smem:$0x3FAF]  }
0x28: {  	s2 =	sld [smem:$0x3FB0]  }
0x29: {  	s4 =	sld [smem:$0x3FB2]  }
0x2a: {  	p0 =	seq.s32 s5, $0x0;
	s5 =	sld [smem:$0x3FB3]  }
0x2b: {  	s6 =	sld [smem:$0x3FB4]  }
0x2c: {  	s7 =	sld [smem:$0x3FB5]  }
0x2d: {  	s3 =	simm.s32 $0x108;
	s8 =	sld [smem:$0x3FB6]  }
0x2e: {  	s3 =	simm.s32 @!p0 $0x1082;
	s9 =	sld [smem:$0x3FB7]  }
0x2f: {  	lr =	sadd.s32 s0, s3;
	s0 =	sld [smem:$0x3FAE]  }
0x30: {  	s3 =	sld [smem:$0x3FB1]  }
0x31: {  	[smem:$0x3FBA] =	sst s10  }
0x32: {  	s10 =	sld [smem:$0x3FB8];
	_ =	sdelay $0x3  }
0x33: {  	p0 =	seq.s32 s10, $0x1;
	s10 =	sld [smem:$0x3FBA];
	_ =	sdelay $0x3  }
0x34: {  	[smem:$0x3FBA] =	sst s10  }
0x35: {  	s10 =	sld [smem:$0x3FB9];
	_ =	sdelay $0x3  }
0x36: {  	p1 =	seq.s32 s10, $0x1;
	s10 =	sld [smem:$0x3FBA];
	_ =	sdelay $0x3  }
0x37: {  	[smem:$0x3FBA] =	sst s10  }
0x38: {  	s10 =	sld [smem:$0x3FBB]  }
0x39: {  	_ = 	snop;
	(pc) =	sbr.ind lr, $3  }
0x3a: {  	_ = 	snop  }
0x3b: {  	_ = 	snop  }
0x3c: {  	p2 =	seq.s32 s10, $0x1;
	s10 =	sld [smem:$0x3FBA]  }
0x3d: {  	_ =	shalt  }
0x3e: {  	_ =	shalt  }
0x3f: {  	_ =	shalt  }
0x40: {  	_ =	shalt  }
0x41: {  	_ =	shalt  }
0x42: {  	_ =	shalt  }
0x43: {  	_ =	shalt  }
0x44: {  	_ =	shalt  }
0x45: {  	_ =	shalt  }
0x46: {  	_ =	shalt  }
0x47: {  	_ =	shalt  }
0x48: {  	_ =	shalt  }
0x49: {  	_ =	shalt  }
0x4a: {  	_ =	shalt  }
0x4b: {  	_ =	shalt  }
0x4c: {  	_ =	shalt  }
0x4d: {  	_ =	shalt  }
0x4e: {  	_ =	shalt  }
0x4f: {  	_ =	shalt  }
0x50: {  	_ =	shalt  }
0x51: {  	_ =	shalt  }
0x52: {  	_ =	shalt  }
0x53: {  	_ =	shalt  }
0x54: {  	_ =	shalt  }
0x55: {  	_ =	shalt  }
0x56: {  	_ =	shalt  }
0x57: {  	_ =	shalt  }
0x58: {  	_ =	shalt  }
0x59: {  	_ =	shalt  }
0x5a: {  	_ =	shalt  }
0x5b: {  	_ =	shalt  }
0x5c: {  	_ =	shalt  }
0x5d: {  	_ =	shalt  }
0x5e: {  	_ =	shalt  }
0x5f: {  	_ =	shalt  }
0x60: {  	_ =	shalt  }
0x61: {  	_ =	shalt  }
0x62: {  	_ =	shalt  }
0x63: {  	_ =	shalt  }
0x64: {  	_ =	shalt  }
0x65: {  	_ =	shalt  }
0x66: {  	_ =	shalt  }
0x67: {  	_ =	shalt  }
0x68: {  	_ =	shalt  }
0x69: {  	_ =	shalt  }
0x6a: {  	_ =	shalt  }
0x6b: {  	_ =	shalt  }
0x6c: {  	_ =	shalt  }
0x6d: {  	_ =	shalt  }
0x6e: {  	_ =	shalt  }
0x6f: {  	_ =	shalt  }
0x70: {  	_ =	shalt  }
0x71: {  	_ =	shalt  }
0x72: {  	_ =	shalt  }
0x73: {  	_ =	shalt  }
0x74: {  	_ =	shalt  }
0x75: {  	_ =	shalt  }
0x76: {  	_ =	shalt  }
0x77: {  	_ =	shalt  }
0x78: {  	_ =	shalt  }
0x79: {  	_ =	shalt  }
0x7a: {  	_ =	shalt  }
0x7b: {  	_ =	shalt  }
0x7c: {  	_ =	shalt  }
0x7d: {  	_ =	shalt  }
0x7e: {  	_ =	shalt  }
0x7f: {  	_ =	shalt  }
0x80: {  	_ =	shalt  }
0x81: {  	_ =	shalt  }
0x82: {  	_ =	shalt  }
0x83: {  	_ =	shalt  }
0x84: {  	_ =	shalt  }
0x85: {  	_ =	shalt  }
0x86: {  	_ =	shalt  }
0x87: {  	_ =	shalt  }
.Lfunc_end0:
.L_simem_size_0:
called_computation_lowered:
.L_overlay_start_0:
0x88: {  	s2 =	sld [smem:$0x3FD9]  }
0x89: {  	s3 =	sld [smem:$0x3FFE];
	_ =	sdelay $0x1  }
0x8a: {  	s1 =	srdreg.scid  }
0x8b: {  	s0 =	sand.u32 $0x1, s1  }
0x8c: {  	s17 =	sshll.u32 s0, $0xA;
	s2 =	sadd.s32 s3, s2  }
0x8d: {  	s2 =	sadd.s32 s2, s17  }
0x8e: {  	[smem:$0x3FC6] =	sst s2  }
0x8f: {  	_ = 	snop  }
0x90: {  	s2 =	sld [smem:$0x3FD0];
	(tm) =	ssettm $0x1  }
0x91: {  	s18 =	sld [smem:$0x3FFB];
	_ =	sdelay $0x3  }
0x92: {  	_ =	strace s18  }
0x93: {  	s3 =	sld [smem:$0x3FFC];
	_ =	sdelay $0x3  }
0x94: {  	_ =	strace s3  }
0x95: {  	s3 =	sld [smem:$0x3FFD];
	_ =	sdelay $0x3  }
0x96: {  	_ =	strace s3  }
0x97: {  	_ =	strace $0x8FFFFFFF  }
0x98: {  	s19 =	sld [smem:$0x3FDB];
	_ =	sdelay $0x1  }
0x99: {  	s4 =	simm.s32 $_scs_section_size  }
0x9a: {  	s5 =	simm.s32 $_size__tile_overlayer_lowered;
	s6 =	simm.s32 $_tile_overlayer_lowered  }
0x9b: {  	s22 =	simm.s32 $0x1BFF;
	s21 =	sshll.u32 s6, $0x1;
	s3 =	sadd.s32 s4, s19  }
0x9c: {  	s7 =	simm.s32 $0x0;
	s20 =	sshll.u32 s5, $0x1;
	s5 =	sadd.s32 s21, s3  }
0x9d: {  	[timem:s7], [sflag:s22] =	dma.local [hbm:s5], s20  }
0x9e: {  	_ =	swait.ge [sflag:s22], s20  }
0x9f: {  	s4 =	ssub.s32 $0x0, s20;
	[sflag:s22] =	ssyncset.done $0x0  }
0xa0: {  	[sflag:s22] =	ssyncadd.s32 s4;
	_ =	sdelay $0x1  }
0xa1: {  	s23 =	simm.s32 $0x1B8B  }
0xa2: {  	_ =	swait.ge [sflag:s23], $0x1  }
0xa3: {  	[sflag:s23] =	ssyncset.done $0x0  }
0xa4: {  	s25 =	simm.s32 $0x1B8E;
	s24 =	sld [smem:$0x3FFE];
	[sflag:s23] =	ssyncadd.s32 $0xFFFFFFFF  }
0xa5: {  	s26 =	simm.s32 $execute0_lowered;
	[smem:$0x3FD2] =	sst s25  }
0xa6: {  	s5 =	sshll.u32 s26, $0x1;
	_ =	strace $0x80000046;
	[dreg:$0x1] =	wrdreg $0xFFFFFFFF  }
0xa7: {  	s28 =	simm.s32 $_size_execute0_lowered;
	s3 =	sadd.s32 s3, s5;
	[dreg:$0x0] =	wrdreg $0x0  }
0xa8: {  	s5 =	sshll.u32 s28, $0x1;
	[dreg:$0x2] =	wrdreg s3  }
0xa9: {  	[dreg:$0x3] =	wrdreg s5  }
0xaa: {  	[dreg:$0x4] =	wrdreg $0xC0  }
0xab: {  	_ =	task [dreg:s7], $0x5FFFF  }
0xac: {  	[dreg:$0x1] =	wrdreg $0xFFFFFFFF  }
0xad: {  	[dreg:$0x0] =	wrdreg $0x60  }
0xae: {  	[dreg:$0x2] =	wrdreg s24  }
0xaf: {  	[dreg:$0x3] =	wrdreg s2  }
0xb0: {  	[dreg:$0x4] =	wrdreg $0x9  }
0xb1: {  	_ =	task.clear_ibuf [dreg:s7], $0x5FFFF;
	_ =	strace $0x90000046  }
0xb2: {  	s29 =	simm.s32 $0x9;
	_ =	strace $0x80000048  }
0xb3: {  	_ =	swait.ge [sflag:s29], $0x1  }
0xb4: {  	[sflag:s29] =	ssyncadd.s32 $0xFFFFFFFF  }
0xb5: {  	_ =	strace $0x90000048  }
0xb6: {  	_ =	sfence  }
0xb7: {  	s30 =	sld [smem:$0x0];
	_ =	sdelay $0x2  }
0xb8: {  	s31 =	sshll.u32 s1, $0xD;
	s1 =	sshrl.u32 s1, $0x2  }
0xb9: {  	s3 =	sand.u32 $0x4000, s31;
	s1 =	sadd.s32 s1, s30  }
0xba: {  	s0 =	sor.u32 s3, s0;
	s1 =	sshll.u32 s1, $0x11  }
0xbb: {  	s0 =	sor.u32 s1, s0  }
0xbc: {  	s0 =	sadd.s32 $0x8F2B, s0  }
0xbd: {  	[sflag:s0] =	ssyncadd.remote.s32 $0x1  }
0xbe: {  	_ =	sfence.sel $0xFFFF  }
0xbf: {  	[dreg:$0x0] =	wrdreg $0xFFFFFFFF;
	(pc) =	sbr.abs _section_cstart, $3  }
0xc0: {  	[dreg:$0x1] =	wrdreg $0xFFFFFFFF  }
0xc1: {  	_ =	task.clear_ibuf [dreg:s7], $0x2FFFF;
	_ =	strace $0x9FFFFFFF  }
0xc2: {  	(tm) =	ssettm $0x7FFFFFFF  }
0xc3: {  	_ =	shalt  }
tec
execute0_lowered:
.L_overlay_start_1:
0x0: {  	(tag) =	ssettag $0x1  }
0x1: {  	s0 =	rddreg [dreg:$0x0]  }
0x2: {  	s1 =	rddreg [dreg:$0x1]  }
0x3: {  	s3 =	srdreg.scid;
	s4 =	stileid.u32;
	s2 =	simm.s32 $0x0  }
0x4: {  	s9 =	simm.s32 $0x80;
	s11 =	simm.s32 $0xC800;
	s13 =	simm.s32 $0xD800  }
0x5: {  	s14 =	simm.s32 $0x6500;
	s15 =	simm.s32 $0xE800;
	s17 =	simm.s32 $0xF800  }
0x6: {  	s18 =	simm.s32 $0x1;
	s19 =	simm.s32 $0x10800;
	s20 =	simm.s32 $0x4000  }
0x7: {  	s21 =	simm.s32 $0x2;
	s22 =	simm.s32 $0x6;
	s23 =	simm.s32 $0x11800  }
0x8: {  	s24 =	simm.s32 $0x3;
	s25 =	simm.s32 $0x7;
	s28 =	simm.s32 $0x4  }
0x9: {  	v0 =	vlaneseq.u32;
	s29 =	simm.s32 $0x8;
	s30 =	simm.s32 $0x13800;
	s31 =	simm.s32 $0x5  }
0xa: {  	s3 =	sand.u32 $0x1, s3;
	s4 =	sshll.u32 s4, $0x1;
	[smem:$0x7FF] =	sst s2;
	v1 =	vmul.u32 $0x20, v0  }
.Ltmp0:
0xb: {  	v2 =	vmul.u32 $0x32, v0;
	v4 =	vor.u32 $0x10, v0;
	v6 =	vor.u32 $0x20, v0;
	s6 =	sor.u32 s3, s4;
	_ =	strace $0x80000047;
	(pc) =	sbr.rel .LBB2_1-.Ltmp0, $4  }
0xc: {  	v8 =	vor.u32 $0x30, v0;
	v10 =	vor.u32 $0x40, v0;
	v12 =	vor.u32 $0x50, v0;
	s5 =	ssub.s32 $0x2, s3;
	s3 =	sadd.s32 $0xF42A00, s0;
	s8 =	smul.u32 $0xC80, s6  }
0xd: {  	v14 =	vor.u32 $0x60, v0;
	v16 =	vor.u32 $0x70, v0;
	s4 =	sadd.s32 $0x600, s0;
	s0 =	simm.s32 $0x0;
	s7 =	sshrl.u32 s5, $0x1;
	v3 =	vor.u32 $0x200, v1  }
0xe: {  	v5 =	vor.u32 $0x400, v1;
	v7 =	vor.u32 $0x600, v1;
	v9 =	vor.u32 $0x800, v1;
	s26 =	ssub.s32 s5, s7;
	s5 =	sshll.u32 s6, $0x9;
	s6 =	sadd.s32 s1, s8  }
0xf: {  	v11 =	vor.u32 $0xA00, v1;
	v13 =	vor.u32 $0xC00, v1;
	v15 =	vor.u32 $0xE00, v1;
	s7 =	smax.u32 s26, $0x1;
	s8 =	simm.s32 $0x9;
	s26 =	simm.s32 $0x12800  }
.LBB2_26:
0x10: {  	_ =	swait.ge [sflag:s31], $0x1000  }
0x11: {  	[sflag:s31] =	ssyncset.done $0x0  }
0x12: {  	[sflag:s31] =	ssyncadd.s32 $0xFFFFF000  }
0x13: {  	_ =	swait.ge [sflag:s22], $0x1000  }
0x14: {  	[sflag:s22] =	ssyncset.done $0x0  }
0x15: {  	s0 =	sadd.s32 $0x1, s0;
	[sflag:s22] =	ssyncadd.s32 $0xFFFFF000  }
0x16: {  	p0 =	sne.s32 s0, s7;
	_ =	swait.ge [sflag:s25], $0x1000  }
.Ltmp1:
0x17: {  	[sflag:s25] =	ssyncset.done $0x0;
	(pc) =	sbr.rel @!p0 .LBB2_27-.Ltmp1, $4  }
0x18: {  	[sflag:s25] =	ssyncadd.s32 $0xFFFFF000  }
0x19: {  	_ =	swait.ge [sflag:s29], $0x1000  }
0x1a: {  	[sflag:s29] =	ssyncset.done $0x0  }
0x1b: {  	[sflag:s29] =	ssyncadd.s32 $0xFFFFF000  }
.LBB2_1:
0x1c: {  	v17 =	vadd.s32 s2, v2  }
0x1d: {  	[tilespmem:s2], [sflag:$0x9] =	stream.linear.gather [hbm4b:s6+s2], $0x6400, $0x38;
	[tilespmem:$0x14800] =	vst v63  }
0x1e: {  	_ =	swait.ge [sflag:s8], $0x6400  }
0x1f: {  	[sflag:s8] =	ssyncset.done $0x0  }
0x20: {  	[sflag:s8] =	ssyncadd.s32 $0xFFFF9C00  }
0x21: {  	s1 =	simm.s32 $0x320;
	v17 =	vld.idx.msk [tilespmem:v17+s2+$0x0], $0xffff  }
0x22: {  	v18 =	vadd.s32 s1, v2;
	_ =	sdelay $0x3  }
0x23: {  	[tilespmem:s14+$0xFFFFFF00] =	vst v17  }
0x24: {  	s10 =	simm.s32 $0x640;
	v17 =	vld.idx.msk [tilespmem:v18+s2+$0x0], $0xffff  }
0x25: {  	v18 =	vadd.s32 s10, v2;
	_ =	sdelay $0x3  }
0x26: {  	[tilespmem:s14+$0xFFFFFF10] =	vst v17  }
0x27: {  	s12 =	simm.s32 $0x960;
	v17 =	vld.idx.msk [tilespmem:v18+s2+$0x0], $0xffff  }
0x28: {  	v18 =	vadd.s32 s12, v2;
	_ =	sdelay $0x3  }
0x29: {  	[tilespmem:s14+$0xFFFFFF20] =	vst v17  }
0x2a: {  	s16 =	simm.s32 $0xC80;
	v17 =	vld.idx.msk [tilespmem:v18+s2+$0x0], $0xffff  }
0x2b: {  	v18 =	vadd.s32 s16, v2;
	_ =	sdelay $0x3  }
0x2c: {  	[tilespmem:s14+$0xFFFFFF30] =	vst v17  }
0x2d: {  	s10 =	simm.s32 $0xFA0;
	v17 =	vld.idx.msk [tilespmem:v18+s2+$0x0], $0xffff  }
0x2e: {  	v18 =	vadd.s32 s10, v2;
	_ =	sdelay $0x3  }
0x2f: {  	[tilespmem:s14+$0xFFFFFF40] =	vst v17  }
0x30: {  	s12 =	simm.s32 $0x12C0;
	v17 =	vld.idx.msk [tilespmem:v18+s2+$0x0], $0xffff  }
0x31: {  	v18 =	vadd.s32 s12, v2;
	_ =	sdelay $0x3  }
0x32: {  	[tilespmem:s14+$0xFFFFFF50] =	vst v17  }
0x33: {  	s16 =	simm.s32 $0x15E0;
	v17 =	vld.idx.msk [tilespmem:v18+s2+$0x0], $0xffff  }
0x34: {  	v18 =	vadd.s32 s16, v2;
	_ =	sdelay $0x3  }
0x35: {  	[tilespmem:s14+$0xFFFFFF60] =	vst v17  }
0x36: {  	s10 =	simm.s32 $0x1900;
	v17 =	vld.idx.msk [tilespmem:v18+s2+$0x0], $0xffff  }
0x37: {  	v18 =	vadd.s32 s10, v2;
	_ =	sdelay $0x3  }
0x38: {  	[tilespmem:s14+$0xFFFFFF70] =	vst v17  }
0x39: {  	s12 =	simm.s32 $0x1C20;
	v17 =	vld.idx.msk [tilespmem:v18+s2+$0x0], $0xffff  }
0x3a: {  	v18 =	vadd.s32 s12, v2;
	_ =	sdelay $0x3  }
0x3b: {  	[tilespmem:s14+$0xFFFFFF80] =	vst v17  }
0x3c: {  	s16 =	simm.s32 $0x1F40;
	v17 =	vld.idx.msk [tilespmem:v18+s2+$0x0], $0xffff  }
0x3d: {  	v18 =	vadd.s32 s16, v2;
	_ =	sdelay $0x3  }
0x3e: {  	[tilespmem:s14+$0xFFFFFF90] =	vst v17  }
0x3f: {  	s10 =	simm.s32 $0x2260;
	v17 =	vld.idx.msk [tilespmem:v18+s2+$0x0], $0xffff  }
0x40: {  	v18 =	vadd.s32 s10, v2;
	_ =	sdelay $0x3  }
0x41: {  	[tilespmem:s14+$0xFFFFFFA0] =	vst v17  }
0x42: {  	s12 =	simm.s32 $0x2580;
	v17 =	vld.idx.msk [tilespmem:v18+s2+$0x0], $0xffff  }
0x43: {  	v18 =	vadd.s32 s12, v2;
	_ =	sdelay $0x3  }
0x44: {  	[tilespmem:s14+$0xFFFFFFB0] =	vst v17  }
0x45: {  	s16 =	simm.s32 $0x28A0;
	v17 =	vld.idx.msk [tilespmem:v18+s2+$0x0], $0xffff  }
0x46: {  	v18 =	vadd.s32 s16, v2;
	_ =	sdelay $0x3  }
0x47: {  	[tilespmem:s14+$0xFFFFFFC0] =	vst v17  }
0x48: {  	s10 =	simm.s32 $0x2BC0;
	v17 =	vld.idx.msk [tilespmem:v18+s2+$0x0], $0xffff  }
0x49: {  	v18 =	vadd.s32 s10, v2;
	_ =	sdelay $0x3  }
0x4a: {  	[tilespmem:s14+$0xFFFFFFD0] =	vst v17  }
0x4b: {  	s12 =	simm.s32 $0x2EE0;
	v17 =	vld.idx.msk [tilespmem:v18+s2+$0x0], $0xffff  }
0x4c: {  	v18 =	vadd.s32 s12, v2;
	_ =	sdelay $0x3  }
0x4d: {  	[tilespmem:s14+$0xFFFFFFE0] =	vst v17  }
0x4e: {  	s16 =	simm.s32 $0x3200;
	v17 =	vld.idx.msk [tilespmem:v18+s2+$0x0], $0xffff  }
0x4f: {  	v18 =	vadd.s32 s16, v2;
	_ =	sdelay $0x3  }
0x50: {  	[tilespmem:s14+$0xFFFFFFF0] =	vst v17  }
0x51: {  	s10 =	simm.s32 $0x3520;
	v17 =	vld.idx.msk [tilespmem:v18+s2+$0x0], $0xffff  }
0x52: {  	v18 =	vadd.s32 s10, v2;
	_ =	sdelay $0x3  }
0x53: {  	[tilespmem:s14+$0x0] =	vst v17  }
0x54: {  	s12 =	simm.s32 $0x3840;
	v17 =	vld.idx.msk [tilespmem:v18+s2+$0x0], $0xffff  }
0x55: {  	v18 =	vadd.s32 s12, v2;
	_ =	sdelay $0x3  }
0x56: {  	[tilespmem:s14+$0x10] =	vst v17  }
0x57: {  	s16 =	simm.s32 $0x3B60;
	v17 =	vld.idx.msk [tilespmem:v18+s2+$0x0], $0xffff  }
0x58: {  	v18 =	vadd.s32 s16, v2;
	_ =	sdelay $0x3  }
0x59: {  	[tilespmem:s14+$0x20] =	vst v17  }
0x5a: {  	s10 =	simm.s32 $0x3E80;
	v17 =	vld.idx.msk [tilespmem:v18+s2+$0x0], $0xffff  }
0x5b: {  	v18 =	vadd.s32 s10, v2;
	_ =	sdelay $0x3  }
0x5c: {  	[tilespmem:s14+$0x30] =	vst v17  }
0x5d: {  	s12 =	simm.s32 $0x41A0;
	v17 =	vld.idx.msk [tilespmem:v18+s2+$0x0], $0xffff  }
0x5e: {  	v18 =	vadd.s32 s12, v2;
	_ =	sdelay $0x3  }
0x5f: {  	[tilespmem:s14+$0x40] =	vst v17  }
0x60: {  	s16 =	simm.s32 $0x44C0;
	v17 =	vld.idx.msk [tilespmem:v18+s2+$0x0], $0xffff  }
0x61: {  	v18 =	vadd.s32 s16, v2;
	_ =	sdelay $0x3  }
0x62: {  	[tilespmem:s14+$0x50] =	vst v17  }
0x63: {  	s10 =	simm.s32 $0x47E0;
	v17 =	vld.idx.msk [tilespmem:v18+s2+$0x0], $0xffff  }
0x64: {  	v18 =	vadd.s32 s10, v2;
	_ =	sdelay $0x3  }
0x65: {  	[tilespmem:s14+$0x60] =	vst v17  }
0x66: {  	s12 =	simm.s32 $0x4B00;
	v17 =	vld.idx.msk [tilespmem:v18+s2+$0x0], $0xffff  }
0x67: {  	v18 =	vadd.s32 s12, v2;
	_ =	sdelay $0x3  }
0x68: {  	[tilespmem:s14+$0x70] =	vst v17  }
0x69: {  	s16 =	simm.s32 $0x4E20;
	v17 =	vld.idx.msk [tilespmem:v18+s2+$0x0], $0xffff  }
0x6a: {  	v18 =	vadd.s32 s16, v2;
	_ =	sdelay $0x3  }
0x6b: {  	[tilespmem:s14+$0x80] =	vst v17  }
0x6c: {  	s10 =	simm.s32 $0x5140;
	v17 =	vld.idx.msk [tilespmem:v18+s2+$0x0], $0xffff  }
0x6d: {  	v18 =	vadd.s32 s10, v2;
	_ =	sdelay $0x3  }
0x6e: {  	[tilespmem:s14+$0x90] =	vst v17  }
0x6f: {  	s12 =	simm.s32 $0x5460;
	v17 =	vld.idx.msk [tilespmem:v18+s2+$0x0], $0xffff  }
0x70: {  	v18 =	vadd.s32 s12, v2;
	_ =	sdelay $0x3  }
0x71: {  	[tilespmem:s14+$0xA0] =	vst v17  }
0x72: {  	s16 =	simm.s32 $0x5780;
	v17 =	vld.idx.msk [tilespmem:v18+s2+$0x0], $0xffff  }
0x73: {  	v18 =	vadd.s32 s16, v2;
	_ =	sdelay $0x3  }
0x74: {  	[tilespmem:s14+$0xB0] =	vst v17  }
0x75: {  	s10 =	simm.s32 $0x5AA0;
	v17 =	vld.idx.msk [tilespmem:v18+s2+$0x0], $0xffff  }
0x76: {  	v18 =	vadd.s32 s10, v2;
	_ =	sdelay $0x3  }
0x77: {  	[tilespmem:s14+$0xC0] =	vst v17  }
0x78: {  	s12 =	simm.s32 $0x5DC0;
	v17 =	vld.idx.msk [tilespmem:v18+s2+$0x0], $0xffff  }
0x79: {  	v18 =	vadd.s32 s12, v2;
	_ =	sdelay $0x3  }
0x7a: {  	[tilespmem:s14+$0xD0] =	vst v17  }
0x7b: {  	s16 =	simm.s32 $0x60E0;
	v17 =	vld.idx.msk [tilespmem:v18+s2+$0x0], $0xffff  }
0x7c: {  	v18 =	vadd.s32 s16, v2;
	_ =	sdelay $0x3  }
0x7d: {  	[tilespmem:s14+$0xE0] =	vst v17  }
0x7e: {  	s1 =	simm.s32 $0x1;
	v17 =	vld.idx.msk [tilespmem:v18+s2+$0x0], $0xffff  }
0x7f: {  	s10 =	simm.s32 $0x6500;
	s12 =	simm.s32 $0x2;
	v18 =	vadd.s32 s1, v2  }
.LBB2_2:
0x80: {  	p0 =	sne.s32 s12, $0x31;
	_ =	sdelay $0x2  }
0x81: {  	[tilespmem:s10+$0xF0] =	vst v17  }
0x82: {  	v17 =	vld.idx.msk [tilespmem:v18+s2+$0x0], $0xffff  }
0x83: {  	s16 =	sadd.s32 $0x320, s1  }
0x84: {  	v18 =	vadd.s32 s16, v2;
	_ =	sdelay $0x2  }
0x85: {  	s10 =	sadd.s32 $0x200, s10  }
0x86: {  	[tilespmem:s10+$0xFFFFFF00] =	vst v17  }
0x87: {  	v17 =	vld.idx.msk [tilespmem:v18+s2+$0x0], $0xffff  }
0x88: {  	s16 =	sadd.s32 $0x640, s1  }
0x89: {  	v18 =	vadd.s32 s16, v2;
	_ =	sdelay $0x3  }
0x8a: {  	[tilespmem:s10+$0xFFFFFF10] =	vst v17  }
0x8b: {  	v17 =	vld.idx.msk [tilespmem:v18+s2+$0x0], $0xffff  }
0x8c: {  	s16 =	sadd.s32 $0x960, s1  }
0x8d: {  	v18 =	vadd.s32 s16, v2;
	_ =	sdelay $0x3  }
0x8e: {  	[tilespmem:s10+$0xFFFFFF20] =	vst v17  }
0x8f: {  	v17 =	vld.idx.msk [tilespmem:v18+s2+$0x0], $0xffff  }
0x90: {  	s16 =	sadd.s32 $0xC80, s1  }
0x91: {  	v18 =	vadd.s32 s16, v2;
	_ =	sdelay $0x3  }
0x92: {  	[tilespmem:s10+$0xFFFFFF30] =	vst v17  }
0x93: {  	v17 =	vld.idx.msk [tilespmem:v18+s2+$0x0], $0xffff  }
0x94: {  	s16 =	sadd.s32 $0xFA0, s1  }
0x95: {  	v18 =	vadd.s32 s16, v2;
	_ =	sdelay $0x3  }
0x96: {  	[tilespmem:s10+$0xFFFFFF40] =	vst v17  }
0x97: {  	v17 =	vld.idx.msk [tilespmem:v18+s2+$0x0], $0xffff  }
0x98: {  	s16 =	sadd.s32 $0x12C0, s1  }
0x99: {  	v18 =	vadd.s32 s16, v2;
	_ =	sdelay $0x3  }
0x9a: {  	[tilespmem:s10+$0xFFFFFF50] =	vst v17  }
0x9b: {  	v17 =	vld.idx.msk [tilespmem:v18+s2+$0x0], $0xffff  }
0x9c: {  	s16 =	sadd.s32 $0x15E0, s1  }
0x9d: {  	v18 =	vadd.s32 s16, v2;
	_ =	sdelay $0x3  }
0x9e: {  	[tilespmem:s10+$0xFFFFFF60] =	vst v17  }
0x9f: {  	v17 =	vld.idx.msk [tilespmem:v18+s2+$0x0], $0xffff  }
0xa0: {  	s16 =	sadd.s32 $0x1900, s1  }
0xa1: {  	v18 =	vadd.s32 s16, v2;
	_ =	sdelay $0x3  }
0xa2: {  	[tilespmem:s10+$0xFFFFFF70] =	vst v17  }
0xa3: {  	v17 =	vld.idx.msk [tilespmem:v18+s2+$0x0], $0xffff  }
0xa4: {  	s16 =	sadd.s32 $0x1C20, s1  }
0xa5: {  	v18 =	vadd.s32 s16, v2;
	_ =	sdelay $0x3  }
0xa6: {  	[tilespmem:s10+$0xFFFFFF80] =	vst v17  }
0xa7: {  	v17 =	vld.idx.msk [tilespmem:v18+s2+$0x0], $0xffff  }
0xa8: {  	s16 =	sadd.s32 $0x1F40, s1  }
0xa9: {  	v18 =	vadd.s32 s16, v2;
	_ =	sdelay $0x3  }
0xaa: {  	[tilespmem:s10+$0xFFFFFF90] =	vst v17  }
0xab: {  	v17 =	vld.idx.msk [tilespmem:v18+s2+$0x0], $0xffff  }
0xac: {  	s16 =	sadd.s32 $0x2260, s1  }
0xad: {  	v18 =	vadd.s32 s16, v2;
	_ =	sdelay $0x3  }
0xae: {  	[tilespmem:s10+$0xFFFFFFA0] =	vst v17  }
0xaf: {  	v17 =	vld.idx.msk [tilespmem:v18+s2+$0x0], $0xffff  }
0xb0: {  	s16 =	sadd.s32 $0x2580, s1  }
0xb1: {  	v18 =	vadd.s32 s16, v2;
	_ =	sdelay $0x3  }
0xb2: {  	[tilespmem:s10+$0xFFFFFFB0] =	vst v17  }
0xb3: {  	v17 =	vld.idx.msk [tilespmem:v18+s2+$0x0], $0xffff  }
0xb4: {  	s16 =	sadd.s32 $0x28A0, s1  }
0xb5: {  	v18 =	vadd.s32 s16, v2;
	_ =	sdelay $0x3  }
0xb6: {  	[tilespmem:s10+$0xFFFFFFC0] =	vst v17  }
0xb7: {  	v17 =	vld.idx.msk [tilespmem:v18+s2+$0x0], $0xffff  }
0xb8: {  	s16 =	sadd.s32 $0x2BC0, s1  }
0xb9: {  	v18 =	vadd.s32 s16, v2;
	_ =	sdelay $0x3  }
0xba: {  	[tilespmem:s10+$0xFFFFFFD0] =	vst v17  }
0xbb: {  	v17 =	vld.idx.msk [tilespmem:v18+s2+$0x0], $0xffff  }
0xbc: {  	s16 =	sadd.s32 $0x2EE0, s1  }
0xbd: {  	v18 =	vadd.s32 s16, v2;
	_ =	sdelay $0x3  }
0xbe: {  	[tilespmem:s10+$0xFFFFFFE0] =	vst v17  }
0xbf: {  	v17 =	vld.idx.msk [tilespmem:v18+s2+$0x0], $0xffff  }
0xc0: {  	s16 =	sadd.s32 $0x3200, s1  }
0xc1: {  	v18 =	vadd.s32 s16, v2;
	_ =	sdelay $0x3  }
0xc2: {  	[tilespmem:s10+$0xFFFFFFF0] =	vst v17  }
0xc3: {  	v17 =	vld.idx.msk [tilespmem:v18+s2+$0x0], $0xffff  }
0xc4: {  	s16 =	sadd.s32 $0x3520, s1  }
0xc5: {  	v18 =	vadd.s32 s16, v2;
	_ =	sdelay $0x3  }
0xc6: {  	[tilespmem:s10+$0x0] =	vst v17  }
0xc7: {  	v17 =	vld.idx.msk [tilespmem:v18+s2+$0x0], $0xffff  }
0xc8: {  	s16 =	sadd.s32 $0x3840, s1  }
0xc9: {  	v18 =	vadd.s32 s16, v2;
	_ =	sdelay $0x3  }
0xca: {  	[tilespmem:s10+$0x10] =	vst v17  }
0xcb: {  	v17 =	vld.idx.msk [tilespmem:v18+s2+$0x0], $0xffff  }
0xcc: {  	s16 =	sadd.s32 $0x3B60, s1  }
0xcd: {  	v18 =	vadd.s32 s16, v2;
	_ =	sdelay $0x3  }
0xce: {  	[tilespmem:s10+$0x20] =	vst v17  }
0xcf: {  	v17 =	vld.idx.msk [tilespmem:v18+s2+$0x0], $0xffff  }
0xd0: {  	s16 =	sadd.s32 $0x3E80, s1  }
0xd1: {  	v18 =	vadd.s32 s16, v2;
	_ =	sdelay $0x3  }
0xd2: {  	[tilespmem:s10+$0x30] =	vst v17  }
0xd3: {  	v17 =	vld.idx.msk [tilespmem:v18+s2+$0x0], $0xffff  }
0xd4: {  	s16 =	sadd.s32 $0x41A0, s1  }
0xd5: {  	v18 =	vadd.s32 s16, v2;
	_ =	sdelay $0x3  }
0xd6: {  	[tilespmem:s10+$0x40] =	vst v17  }
0xd7: {  	v17 =	vld.idx.msk [tilespmem:v18+s2+$0x0], $0xffff  }
0xd8: {  	s16 =	sadd.s32 $0x44C0, s1  }
0xd9: {  	v18 =	vadd.s32 s16, v2;
	_ =	sdelay $0x3  }
0xda: {  	[tilespmem:s10+$0x50] =	vst v17  }
0xdb: {  	v17 =	vld.idx.msk [tilespmem:v18+s2+$0x0], $0xffff  }
0xdc: {  	s16 =	sadd.s32 $0x47E0, s1  }
0xdd: {  	v18 =	vadd.s32 s16, v2;
	_ =	sdelay $0x3  }
0xde: {  	[tilespmem:s10+$0x60] =	vst v17  }
0xdf: {  	v17 =	vld.idx.msk [tilespmem:v18+s2+$0x0], $0xffff  }
0xe0: {  	s16 =	sadd.s32 $0x4B00, s1  }
0xe1: {  	v18 =	vadd.s32 s16, v2;
	_ =	sdelay $0x3  }
0xe2: {  	[tilespmem:s10+$0x70] =	vst v17  }
0xe3: {  	v17 =	vld.idx.msk [tilespmem:v18+s2+$0x0], $0xffff  }
0xe4: {  	s16 =	sadd.s32 $0x4E20, s1  }
0xe5: {  	v18 =	vadd.s32 s16, v2;
	_ =	sdelay $0x3  }
0xe6: {  	[tilespmem:s10+$0x80] =	vst v17  }
0xe7: {  	v17 =	vld.idx.msk [tilespmem:v18+s2+$0x0], $0xffff  }
0xe8: {  	s16 =	sadd.s32 $0x5140, s1  }
0xe9: {  	v18 =	vadd.s32 s16, v2;
	_ =	sdelay $0x3  }
0xea: {  	[tilespmem:s10+$0x90] =	vst v17  }
0xeb: {  	v17 =	vld.idx.msk [tilespmem:v18+s2+$0x0], $0xffff  }
0xec: {  	s16 =	sadd.s32 $0x5460, s1  }
0xed: {  	v18 =	vadd.s32 s16, v2;
	_ =	sdelay $0x3  }
0xee: {  	[tilespmem:s10+$0xA0] =	vst v17  }
0xef: {  	v17 =	vld.idx.msk [tilespmem:v18+s2+$0x0], $0xffff  }
0xf0: {  	s16 =	sadd.s32 $0x5780, s1  }
0xf1: {  	v18 =	vadd.s32 s16, v2;
	_ =	sdelay $0x3  }
0xf2: {  	[tilespmem:s10+$0xB0] =	vst v17  }
0xf3: {  	v17 =	vld.idx.msk [tilespmem:v18+s2+$0x0], $0xffff  }
0xf4: {  	s16 =	sadd.s32 $0x5AA0, s1  }
0xf5: {  	v18 =	vadd.s32 s16, v2;
	_ =	sdelay $0x3  }
0xf6: {  	[tilespmem:s10+$0xC0] =	vst v17  }
0xf7: {  	v17 =	vld.idx.msk [tilespmem:v18+s2+$0x0], $0xffff  }
0xf8: {  	s16 =	sadd.s32 $0x5DC0, s1  }
0xf9: {  	v18 =	vadd.s32 s16, v2;
	_ =	sdelay $0x3  }
0xfa: {  	[tilespmem:s10+$0xD0] =	vst v17  }
0xfb: {  	v17 =	vld.idx.msk [tilespmem:v18+s2+$0x0], $0xffff  }
0xfc: {  	s16 =	sadd.s32 $0x60E0, s1;
	s1 =	smov.u32 s12  }
0xfd: {  	v18 =	vadd.s32 s16, v2;
	_ =	sdelay $0x2  }
.Ltmp2:
0xfe: {  	(pc) =	sbr.rel @p0 .LBB2_2-.Ltmp2, $3  }
0xff: {  	[tilespmem:s10+$0xE0] =	vst v17  }
0x100: {  	v17 =	vld.idx.msk [tilespmem:v18+s2+$0x0], $0xffff;
	_ =	sdelay $0x1  }
0x101: {  	s12 =	sadd.s32 $0x1, s12;
	v18 =	vadd.s32 s1, v2  }
0x102: {  	_ =	sdelay $0x2  }
0x103: {  	[tilespmem:s10+$0xF0] =	vst v17  }
0x104: {  	s12 =	sadd.s32 $0x320, s1;
	v17 =	vld.idx.msk [tilespmem:v18+s2+$0x0], $0xffff  }
0x105: {  	v18 =	vadd.s32 s12, v2;
	_ =	sdelay $0x2  }
0x106: {  	s10 =	sadd.s32 $0x200, s10  }
0x107: {  	[tilespmem:s10+$0xFFFFFF00] =	vst v17  }
0x108: {  	s16 =	sadd.s32 $0x640, s1;
	v17 =	vld.idx.msk [tilespmem:v18+s2+$0x0], $0xffff  }
0x109: {  	v18 =	vadd.s32 s16, v2;
	_ =	sdelay $0x3  }
0x10a: {  	[tilespmem:s10+$0xFFFFFF10] =	vst v17  }
0x10b: {  	s16 =	sadd.s32 $0x960, s1;
	v17 =	vld.idx.msk [tilespmem:v18+s2+$0x0], $0xffff  }
0x10c: {  	v18 =	vadd.s32 s16, v2;
	_ =	sdelay $0x3  }
0x10d: {  	[tilespmem:s10+$0xFFFFFF20] =	vst v17  }
0x10e: {  	s16 =	sadd.s32 $0xC80, s1;
	v17 =	vld.idx.msk [tilespmem:v18+s2+$0x0], $0xffff  }
0x10f: {  	v18 =	vadd.s32 s16, v2;
	_ =	sdelay $0x3  }
0x110: {  	[tilespmem:s10+$0xFFFFFF30] =	vst v17  }
0x111: {  	s16 =	sadd.s32 $0xFA0, s1;
	v17 =	vld.idx.msk [tilespmem:v18+s2+$0x0], $0xffff  }
0x112: {  	v18 =	vadd.s32 s16, v2;
	_ =	sdelay $0x3  }
0x113: {  	[tilespmem:s10+$0xFFFFFF40] =	vst v17  }
0x114: {  	s16 =	sadd.s32 $0x12C0, s1;
	v17 =	vld.idx.msk [tilespmem:v18+s2+$0x0], $0xffff  }
0x115: {  	v18 =	vadd.s32 s16, v2;
	_ =	sdelay $0x3  }
0x116: {  	[tilespmem:s10+$0xFFFFFF50] =	vst v17  }
0x117: {  	s16 =	sadd.s32 $0x15E0, s1;
	v17 =	vld.idx.msk [tilespmem:v18+s2+$0x0], $0xffff  }
0x118: {  	v18 =	vadd.s32 s16, v2;
	_ =	sdelay $0x3  }
0x119: {  	[tilespmem:s10+$0xFFFFFF60] =	vst v17  }
0x11a: {  	s16 =	sadd.s32 $0x1900, s1;
	v17 =	vld.idx.msk [tilespmem:v18+s2+$0x0], $0xffff  }
0x11b: {  	v18 =	vadd.s32 s16, v2;
	_ =	sdelay $0x3  }
0x11c: {  	[tilespmem:s10+$0xFFFFFF70] =	vst v17  }
0x11d: {  	s16 =	sadd.s32 $0x1C20, s1;
	v17 =	vld.idx.msk [tilespmem:v18+s2+$0x0], $0xffff  }
0x11e: {  	v18 =	vadd.s32 s16, v2;
	_ =	sdelay $0x3  }
0x11f: {  	[tilespmem:s10+$0xFFFFFF80] =	vst v17  }
0x120: {  	s16 =	sadd.s32 $0x1F40, s1;
	v17 =	vld.idx.msk [tilespmem:v18+s2+$0x0], $0xffff  }
0x121: {  	v18 =	vadd.s32 s16, v2;
	_ =	sdelay $0x3  }
0x122: {  	[tilespmem:s10+$0xFFFFFF90] =	vst v17  }
0x123: {  	s16 =	sadd.s32 $0x2260, s1;
	v17 =	vld.idx.msk [tilespmem:v18+s2+$0x0], $0xffff  }
0x124: {  	v18 =	vadd.s32 s16, v2;
	_ =	sdelay $0x3  }
0x125: {  	[tilespmem:s10+$0xFFFFFFA0] =	vst v17  }
0x126: {  	s16 =	sadd.s32 $0x2580, s1;
	v17 =	vld.idx.msk [tilespmem:v18+s2+$0x0], $0xffff  }
0x127: {  	v18 =	vadd.s32 s16, v2;
	_ =	sdelay $0x3  }
0x128: {  	[tilespmem:s10+$0xFFFFFFB0] =	vst v17  }
0x129: {  	s16 =	sadd.s32 $0x28A0, s1;
	v17 =	vld.idx.msk [tilespmem:v18+s2+$0x0], $0xffff  }
0x12a: {  	v18 =	vadd.s32 s16, v2;
	_ =	sdelay $0x3  }
0x12b: {  	[tilespmem:s10+$0xFFFFFFC0] =	vst v17  }
0x12c: {  	s16 =	sadd.s32 $0x2BC0, s1;
	v17 =	vld.idx.msk [tilespmem:v18+s2+$0x0], $0xffff  }
0x12d: {  	v18 =	vadd.s32 s16, v2;
	_ =	sdelay $0x3  }
0x12e: {  	[tilespmem:s10+$0xFFFFFFD0] =	vst v17  }
0x12f: {  	s16 =	sadd.s32 $0x2EE0, s1;
	v17 =	vld.idx.msk [tilespmem:v18+s2+$0x0], $0xffff  }
0x130: {  	v18 =	vadd.s32 s16, v2;
	_ =	sdelay $0x3  }
0x131: {  	[tilespmem:s10+$0xFFFFFFE0] =	vst v17  }
0x132: {  	s16 =	sadd.s32 $0x3200, s1;
	v17 =	vld.idx.msk [tilespmem:v18+s2+$0x0], $0xffff  }
0x133: {  	v18 =	vadd.s32 s16, v2;
	_ =	sdelay $0x3  }
0x134: {  	[tilespmem:s10+$0xFFFFFFF0] =	vst v17  }
0x135: {  	s16 =	sadd.s32 $0x3520, s1;
	v17 =	vld.idx.msk [tilespmem:v18+s2+$0x0], $0xffff  }
0x136: {  	v18 =	vadd.s32 s16, v2;
	_ =	sdelay $0x3  }
0x137: {  	[tilespmem:s10+$0x0] =	vst v17  }
0x138: {  	s16 =	sadd.s32 $0x3840, s1;
	v17 =	vld.idx.msk [tilespmem:v18+s2+$0x0], $0xffff  }
0x139: {  	v18 =	vadd.s32 s16, v2;
	_ =	sdelay $0x3  }
0x13a: {  	[tilespmem:s10+$0x10] =	vst v17  }
0x13b: {  	s16 =	sadd.s32 $0x3B60, s1;
	v17 =	vld.idx.msk [tilespmem:v18+s2+$0x0], $0xffff  }
0x13c: {  	v18 =	vadd.s32 s16, v2;
	_ =	sdelay $0x3  }
0x13d: {  	[tilespmem:s10+$0x20] =	vst v17  }
0x13e: {  	s16 =	sadd.s32 $0x3E80, s1;
	v17 =	vld.idx.msk [tilespmem:v18+s2+$0x0], $0xffff  }
0x13f: {  	v18 =	vadd.s32 s16, v2;
	_ =	sdelay $0x3  }
0x140: {  	[tilespmem:s10+$0x30] =	vst v17  }
0x141: {  	s16 =	sadd.s32 $0x41A0, s1;
	v17 =	vld.idx.msk [tilespmem:v18+s2+$0x0], $0xffff  }
0x142: {  	v18 =	vadd.s32 s16, v2;
	_ =	sdelay $0x3  }
0x143: {  	[tilespmem:s10+$0x40] =	vst v17  }
0x144: {  	s16 =	sadd.s32 $0x44C0, s1;
	v17 =	vld.idx.msk [tilespmem:v18+s2+$0x0], $0xffff  }
0x145: {  	v18 =	vadd.s32 s16, v2;
	_ =	sdelay $0x3  }
0x146: {  	[tilespmem:s10+$0x50] =	vst v17  }
0x147: {  	s16 =	sadd.s32 $0x47E0, s1;
	v17 =	vld.idx.msk [tilespmem:v18+s2+$0x0], $0xffff  }
0x148: {  	v18 =	vadd.s32 s16, v2;
	_ =	sdelay $0x3  }
0x149: {  	[tilespmem:s10+$0x60] =	vst v17  }
0x14a: {  	s16 =	sadd.s32 $0x4B00, s1;
	v17 =	vld.idx.msk [tilespmem:v18+s2+$0x0], $0xffff  }
0x14b: {  	v18 =	vadd.s32 s16, v2;
	_ =	sdelay $0x3  }
0x14c: {  	[tilespmem:s10+$0x70] =	vst v17  }
0x14d: {  	s16 =	sadd.s32 $0x4E20, s1;
	v17 =	vld.idx.msk [tilespmem:v18+s2+$0x0], $0xffff  }
0x14e: {  	v18 =	vadd.s32 s16, v2;
	_ =	sdelay $0x3  }
0x14f: {  	[tilespmem:s10+$0x80] =	vst v17  }
0x150: {  	s16 =	sadd.s32 $0x5140, s1;
	v17 =	vld.idx.msk [tilespmem:v18+s2+$0x0], $0xffff  }
0x151: {  	v18 =	vadd.s32 s16, v2;
	_ =	sdelay $0x3  }
0x152: {  	[tilespmem:s10+$0x90] =	vst v17  }
0x153: {  	s16 =	sadd.s32 $0x5460, s1;
	v17 =	vld.idx.msk [tilespmem:v18+s2+$0x0], $0xffff  }
0x154: {  	v18 =	vadd.s32 s16, v2;
	_ =	sdelay $0x3  }
0x155: {  	[tilespmem:s10+$0xA0] =	vst v17  }
0x156: {  	s16 =	sadd.s32 $0x5780, s1;
	v17 =	vld.idx.msk [tilespmem:v18+s2+$0x0], $0xffff  }
0x157: {  	v18 =	vadd.s32 s16, v2;
	_ =	sdelay $0x3  }
0x158: {  	[tilespmem:s10+$0xB0] =	vst v17  }
0x159: {  	s16 =	sadd.s32 $0x5AA0, s1;
	v17 =	vld.idx.msk [tilespmem:v18+s2+$0x0], $0xffff  }
0x15a: {  	v18 =	vadd.s32 s16, v2;
	_ =	sdelay $0x3  }
0x15b: {  	[tilespmem:s10+$0xC0] =	vst v17  }
0x15c: {  	s16 =	sadd.s32 $0x5DC0, s1;
	v17 =	vld.idx.msk [tilespmem:v18+s2+$0x0], $0xffff  }
0x15d: {  	v18 =	vadd.s32 s16, v2;
	_ =	sdelay $0x3  }
0x15e: {  	[tilespmem:s10+$0xD0] =	vst v17  }
0x15f: {  	s16 =	sadd.s32 $0x60E0, s1;
	v17 =	vld.idx.msk [tilespmem:v18+s2+$0x0], $0xffff  }
0x160: {  	v18 =	vadd.s32 s16, v2;
	_ =	sdelay $0x3  }
0x161: {  	[tilespmem:s10+$0xE0] =	vst v17  }
0x162: {  	v17 =	vld.idx.msk [tilespmem:v18+s2+$0x0], $0xffff;
	_ =	sdelay $0x4  }
0x163: {  	[tilespmem:s10+$0xF0] =	vst v17;
	s10 =	simm.s32 $0x6400  }
0x164: {  	[tilespmem:s11], [sflag:$0x1] =	stream.indirect.gather [hbm4b:s3+s9], $0x20, s10, s9, $0xb8;
	[tilespmem:$0x14800] =	vst v63  }
0x165: {  	s12 =	simm.s32 $0x6480  }
0x166: {  	[tilespmem:s13], [sflag:$0x2] =	stream.indirect.gather [hbm4b:s3+s9], $0x20, s12, s9, $0xb8;
	[tilespmem:$0x14800] =	vst v63  }
0x167: {  	_ = 	snop  }
0x168: {  	[tilespmem:s15], [sflag:$0x3] =	stream.indirect.gather [hbm4b:s3+s9], $0x20, s14, s9, $0xb8;
	[tilespmem:$0x14800] =	vst v63  }
0x169: {  	s1 =	simm.s32 $0x0;
	s16 =	simm.s32 $0x6580;
	s10 =	simm.s32 $0x0  }
0x16a: {  	[tilespmem:s17], [sflag:$0x4] =	stream.indirect.gather [hbm4b:s3+s9], $0x20, s16, s9, $0xb8;
	[tilespmem:$0x14800] =	vst v63  }
.LBB2_4:
0x16b: {  	v17 =	vadd.s32 s1, v0  }
0x16c: {  	_ =	swait.ge [sflag:s18], $0x1000;
	v18 =	vand.u32 $0xF, v17  }
0x16d: {  	p0 =	seq.s32 s10, $0x0;
	[sflag:s18] =	ssyncset.done $0x0;
	v19 =	vor.u32 v1, v18  }
0x16e: {  	s12 =	simm.s32 @!p0 $0x5;
	[sflag:s18] =	ssyncadd.s32 $0xFFFFF000  }
0x16f: {  	_ =	swait.ge @!p0 [sflag:s12], $0x1000  }
0x170: {  	v20 =	vshll.u32 v17, $0x7;
	[sflag:s12] =	ssyncset.done @!p0 $0x0  }
0x171: {  	v17 =	vor.u32 $0x10, v17;
	v20 =	vand.u32 $0x780, v20;
	[sflag:s12] =	ssyncadd.s32 @!p0 $0xFFFFF000  }
0x172: {  	v22 =	vand.u32 $0x1F, v17;
	v21 =	vor.u32 v0, v20;
	v19 =	vld.idx.msk [tilespmem:v19+s11+$0x0], $0xffff  }
0x173: {  	v23 =	vor.u32 v1, v22;
	_ =	sdelay $0x3  }
0x174: {  	v17 =	vshll.u32 v17, $0x7;
	[tilespmem:v21+s19+$0x0] =	vst.idx.msk $0xffff, v19  }
0x175: {  	v21 =	vor.u32 v0, v17;
	v19 =	vld.idx.msk [tilespmem:v23+s11+$0x0], $0xffff  }
0x176: {  	v23 =	vor.u32 v3, v18;
	_ =	sdelay $0x3  }
0x177: {  	[tilespmem:v21+s19+$0x0] =	vst.idx.msk $0xffff, v19  }
0x178: {  	v21 =	vor.u32 v4, v20;
	v19 =	vld.idx.msk [tilespmem:v23+s11+$0x0], $0xffff  }
0x179: {  	v23 =	vor.u32 v3, v22;
	_ =	sdelay $0x3  }
0x17a: {  	[tilespmem:v21+s19+$0x0] =	vst.idx.msk $0xffff, v19  }
0x17b: {  	v21 =	vor.u32 v4, v17;
	v19 =	vld.idx.msk [tilespmem:v23+s11+$0x0], $0xffff  }
0x17c: {  	v23 =	vor.u32 v5, v18;
	_ =	sdelay $0x3  }
0x17d: {  	[tilespmem:v21+s19+$0x0] =	vst.idx.msk $0xffff, v19  }
0x17e: {  	v21 =	vor.u32 v6, v20;
	v19 =	vld.idx.msk [tilespmem:v23+s11+$0x0], $0xffff  }
0x17f: {  	v23 =	vor.u32 v5, v22;
	_ =	sdelay $0x3  }
0x180: {  	[tilespmem:v21+s19+$0x0] =	vst.idx.msk $0xffff, v19  }
0x181: {  	v21 =	vor.u32 v6, v17;
	v19 =	vld.idx.msk [tilespmem:v23+s11+$0x0], $0xffff  }
0x182: {  	v23 =	vor.u32 v7, v18;
	_ =	sdelay $0x3  }
0x183: {  	[tilespmem:v21+s19+$0x0] =	vst.idx.msk $0xffff, v19  }
0x184: {  	v21 =	vor.u32 v8, v20;
	v19 =	vld.idx.msk [tilespmem:v23+s11+$0x0], $0xffff  }
0x185: {  	v23 =	vor.u32 v7, v22;
	_ =	sdelay $0x3  }
0x186: {  	[tilespmem:v21+s19+$0x0] =	vst.idx.msk $0xffff, v19  }
0x187: {  	v21 =	vor.u32 v8, v17;
	v19 =	vld.idx.msk [tilespmem:v23+s11+$0x0], $0xffff  }
0x188: {  	v23 =	vor.u32 v9, v18;
	_ =	sdelay $0x3  }
0x189: {  	[tilespmem:v21+s19+$0x0] =	vst.idx.msk $0xffff, v19  }
0x18a: {  	v21 =	vor.u32 v10, v20;
	v19 =	vld.idx.msk [tilespmem:v23+s11+$0x0], $0xffff  }
0x18b: {  	v23 =	vor.u32 v9, v22;
	_ =	sdelay $0x3  }
0x18c: {  	[tilespmem:v21+s19+$0x0] =	vst.idx.msk $0xffff, v19  }
0x18d: {  	v21 =	vor.u32 v10, v17;
	v19 =	vld.idx.msk [tilespmem:v23+s11+$0x0], $0xffff  }
0x18e: {  	v23 =	vor.u32 v11, v18;
	_ =	sdelay $0x3  }
0x18f: {  	[tilespmem:v21+s19+$0x0] =	vst.idx.msk $0xffff, v19  }
0x190: {  	v21 =	vor.u32 v12, v20;
	v19 =	vld.idx.msk [tilespmem:v23+s11+$0x0], $0xffff  }
0x191: {  	v23 =	vor.u32 v11, v22;
	_ =	sdelay $0x3  }
0x192: {  	[tilespmem:v21+s19+$0x0] =	vst.idx.msk $0xffff, v19  }
0x193: {  	v21 =	vor.u32 v12, v17;
	v19 =	vld.idx.msk [tilespmem:v23+s11+$0x0], $0xffff  }
0x194: {  	v23 =	vor.u32 v13, v18;
	_ =	sdelay $0x3  }
0x195: {  	[tilespmem:v21+s19+$0x0] =	vst.idx.msk $0xffff, v19  }
0x196: {  	v21 =	vor.u32 v14, v20;
	v19 =	vld.idx.msk [tilespmem:v23+s11+$0x0], $0xffff  }
0x197: {  	v23 =	vor.u32 v13, v22;
	_ =	sdelay $0x3  }
0x198: {  	[tilespmem:v21+s19+$0x0] =	vst.idx.msk $0xffff, v19  }
0x199: {  	v21 =	vor.u32 v14, v17;
	v19 =	vld.idx.msk [tilespmem:v23+s11+$0x0], $0xffff  }
0x19a: {  	v18 =	vor.u32 v15, v18;
	_ =	sdelay $0x3  }
0x19b: {  	[tilespmem:v21+s19+$0x0] =	vst.idx.msk $0xffff, v19  }
0x19c: {  	v19 =	vor.u32 v16, v20;
	v18 =	vld.idx.msk [tilespmem:v18+s11+$0x0], $0xffff  }
0x19d: {  	v21 =	vor.u32 v15, v22;
	_ =	sdelay $0x3  }
0x19e: {  	s16 =	simm.s32 $0x1;
	[tilespmem:v19+s19+$0x0] =	vst.idx.msk $0xffff, v18  }
0x19f: {  	s12 =	simm.s32 $0x2;
	v20 =	vadd.s32 s16, v0;
	v19 =	vld.idx.msk [tilespmem:v21+s11+$0x0], $0xffff  }
.LBB2_5:
0x1a0: {  	p1 =	sne.s32 s12, $0xF;
	v18 =	vand.u32 $0xF, v20;
	v17 =	vor.u32 v16, v17  }
0x1a1: {  	v21 =	vor.u32 v1, v18;
	_ =	sdelay $0x3  }
0x1a2: {  	v22 =	vshll.u32 v20, $0x7;
	[tilespmem:v17+s19+$0x0] =	vst.idx.msk $0xffff, v19  }
0x1a3: {  	v19 =	vand.u32 $0x780, v22;
	v17 =	vld.idx.msk [tilespmem:v21+s11+$0x0], $0xffff;
	v21 =	vor.u32 $0x10, v20  }
0x1a4: {  	v22 =	vor.u32 v0, v19;
	v20 =	vand.u32 $0x1F, v21  }
0x1a5: {  	v23 =	vor.u32 v1, v20;
	_ =	sdelay $0x3  }
0x1a6: {  	[tilespmem:v22+s19+$0x0] =	vst.idx.msk $0xffff, v17  }
0x1a7: {  	v17 =	vshll.u32 v21, $0x7;
	v22 =	vld.idx.msk [tilespmem:v23+s11+$0x0], $0xffff  }
0x1a8: {  	v21 =	vor.u32 v0, v17  }
0x1a9: {  	v23 =	vor.u32 v3, v18;
	_ =	sdelay $0x3  }
0x1aa: {  	[tilespmem:v21+s19+$0x0] =	vst.idx.msk $0xffff, v22  }
0x1ab: {  	v21 =	vld.idx.msk [tilespmem:v23+s11+$0x0], $0xffff  }
0x1ac: {  	v22 =	vor.u32 v4, v19  }
0x1ad: {  	v23 =	vor.u32 v3, v20;
	_ =	sdelay $0x3  }
0x1ae: {  	[tilespmem:v22+s19+$0x0] =	vst.idx.msk $0xffff, v21  }
0x1af: {  	v21 =	vld.idx.msk [tilespmem:v23+s11+$0x0], $0xffff  }
0x1b0: {  	v22 =	vor.u32 v4, v17  }
0x1b1: {  	v23 =	vor.u32 v5, v18;
	_ =	sdelay $0x3  }
0x1b2: {  	[tilespmem:v22+s19+$0x0] =	vst.idx.msk $0xffff, v21  }
0x1b3: {  	v21 =	vld.idx.msk [tilespmem:v23+s11+$0x0], $0xffff  }
0x1b4: {  	v22 =	vor.u32 v6, v19  }
0x1b5: {  	v23 =	vor.u32 v5, v20;
	_ =	sdelay $0x3  }
0x1b6: {  	[tilespmem:v22+s19+$0x0] =	vst.idx.msk $0xffff, v21  }
0x1b7: {  	v21 =	vld.idx.msk [tilespmem:v23+s11+$0x0], $0xffff  }
0x1b8: {  	v22 =	vor.u32 v6, v17  }
0x1b9: {  	v23 =	vor.u32 v7, v18;
	_ =	sdelay $0x3  }
0x1ba: {  	[tilespmem:v22+s19+$0x0] =	vst.idx.msk $0xffff, v21  }
0x1bb: {  	v21 =	vld.idx.msk [tilespmem:v23+s11+$0x0], $0xffff  }
0x1bc: {  	v22 =	vor.u32 v8, v19  }
0x1bd: {  	v23 =	vor.u32 v7, v20;
	_ =	sdelay $0x3  }
0x1be: {  	[tilespmem:v22+s19+$0x0] =	vst.idx.msk $0xffff, v21  }
0x1bf: {  	v21 =	vld.idx.msk [tilespmem:v23+s11+$0x0], $0xffff  }
0x1c0: {  	v22 =	vor.u32 v8, v17  }
0x1c1: {  	v23 =	vor.u32 v9, v18;
	_ =	sdelay $0x3  }
0x1c2: {  	[tilespmem:v22+s19+$0x0] =	vst.idx.msk $0xffff, v21  }
0x1c3: {  	v21 =	vld.idx.msk [tilespmem:v23+s11+$0x0], $0xffff  }
0x1c4: {  	v22 =	vor.u32 v10, v19  }
0x1c5: {  	v23 =	vor.u32 v9, v20;
	_ =	sdelay $0x3  }
0x1c6: {  	[tilespmem:v22+s19+$0x0] =	vst.idx.msk $0xffff, v21  }
0x1c7: {  	v21 =	vld.idx.msk [tilespmem:v23+s11+$0x0], $0xffff  }
0x1c8: {  	v22 =	vor.u32 v10, v17  }
0x1c9: {  	v23 =	vor.u32 v11, v18;
	_ =	sdelay $0x3  }
0x1ca: {  	[tilespmem:v22+s19+$0x0] =	vst.idx.msk $0xffff, v21  }
0x1cb: {  	v21 =	vld.idx.msk [tilespmem:v23+s11+$0x0], $0xffff  }
0x1cc: {  	v22 =	vor.u32 v12, v19  }
0x1cd: {  	v23 =	vor.u32 v11, v20;
	_ =	sdelay $0x3  }
0x1ce: {  	[tilespmem:v22+s19+$0x0] =	vst.idx.msk $0xffff, v21  }
0x1cf: {  	v21 =	vld.idx.msk [tilespmem:v23+s11+$0x0], $0xffff  }
0x1d0: {  	v22 =	vor.u32 v12, v17  }
0x1d1: {  	v23 =	vor.u32 v13, v18;
	_ =	sdelay $0x3  }
0x1d2: {  	[tilespmem:v22+s19+$0x0] =	vst.idx.msk $0xffff, v21  }
0x1d3: {  	v21 =	vld.idx.msk [tilespmem:v23+s11+$0x0], $0xffff  }
0x1d4: {  	v22 =	vor.u32 v14, v19  }
0x1d5: {  	v23 =	vor.u32 v13, v20;
	_ =	sdelay $0x3  }
0x1d6: {  	[tilespmem:v22+s19+$0x0] =	vst.idx.msk $0xffff, v21  }
0x1d7: {  	v21 =	vld.idx.msk [tilespmem:v23+s11+$0x0], $0xffff  }
0x1d8: {  	v22 =	vor.u32 v14, v17  }
0x1d9: {  	v18 =	vor.u32 v15, v18;
	_ =	sdelay $0x3  }
0x1da: {  	[tilespmem:v22+s19+$0x0] =	vst.idx.msk $0xffff, v21  }
0x1db: {  	v18 =	vld.idx.msk [tilespmem:v18+s11+$0x0], $0xffff  }
0x1dc: {  	v19 =	vor.u32 v16, v19  }
0x1dd: {  	v21 =	vor.u32 v15, v20  }
.Ltmp3:
0x1de: {  	(pc) =	sbr.rel @p1 .LBB2_5-.Ltmp3, $3  }
0x1df: {  	_ =	sdelay $0x1  }
0x1e0: {  	[tilespmem:v19+s19+$0x0] =	vst.idx.msk $0xffff, v18  }
0x1e1: {  	v20 =	vadd.s32 s12, v0;
	s12 =	sadd.s32 $0x1, s12;
	v19 =	vld.idx.msk [tilespmem:v21+s11+$0x0], $0xffff  }
0x1e2: {  	v18 =	vand.u32 $0xF, v20;
	v17 =	vor.u32 v16, v17  }
0x1e3: {  	v21 =	vor.u32 v1, v18;
	_ =	sdelay $0x2  }
0x1e4: {  	v22 =	vshll.u32 v20, $0x7  }
0x1e5: {  	[tilespmem:v17+s19+$0x0] =	vst.idx.msk $0xffff, v19;
	v17 =	vand.u32 $0x780, v22;
	v19 =	vor.u32 $0x10, v20  }
0x1e6: {  	v35 =	vld.idx.msk [tilespmem:v21+s11+$0x0], $0xffff;
	v36 =	vor.u32 v0, v17;
	v37 =	vand.u32 $0x1F, v19  }
0x1e7: {  	v23 =	vor.u32 v1, v37;
	_ =	sdelay $0x3  }
0x1e8: {  	v19 =	vshll.u32 v19, $0x7;
	[tilespmem:v36+s19+$0x0] =	vst.idx.msk $0xffff, v35  }
0x1e9: {  	v38 =	vor.u32 v0, v19;
	v20 =	vld.idx.msk [tilespmem:v23+s11+$0x0], $0xffff  }
0x1ea: {  	v39 =	vor.u32 v3, v18;
	_ =	sdelay $0x3  }
0x1eb: {  	[tilespmem:v38+s19+$0x0] =	vst.idx.msk $0xffff, v20  }
0x1ec: {  	v40 =	vor.u32 v4, v17;
	v20 =	vld.idx.msk [tilespmem:v39+s11+$0x0], $0xffff  }
0x1ed: {  	v41 =	vor.u32 v3, v37;
	_ =	sdelay $0x3  }
0x1ee: {  	[tilespmem:v40+s19+$0x0] =	vst.idx.msk $0xffff, v20  }
0x1ef: {  	v42 =	vor.u32 v4, v19;
	v20 =	vld.idx.msk [tilespmem:v41+s11+$0x0], $0xffff  }
0x1f0: {  	v43 =	vor.u32 v5, v18;
	_ =	sdelay $0x3  }
0x1f1: {  	[tilespmem:v42+s19+$0x0] =	vst.idx.msk $0xffff, v20  }
0x1f2: {  	v44 =	vor.u32 v6, v17;
	v20 =	vld.idx.msk [tilespmem:v43+s11+$0x0], $0xffff  }
0x1f3: {  	v45 =	vor.u32 v5, v37;
	_ =	sdelay $0x3  }
0x1f4: {  	[tilespmem:v44+s19+$0x0] =	vst.idx.msk $0xffff, v20  }
0x1f5: {  	v46 =	vor.u32 v6, v19;
	v20 =	vld.idx.msk [tilespmem:v45+s11+$0x0], $0xffff  }
0x1f6: {  	v47 =	vor.u32 v7, v18;
	_ =	sdelay $0x3  }
0x1f7: {  	[tilespmem:v46+s19+$0x0] =	vst.idx.msk $0xffff, v20  }
0x1f8: {  	v48 =	vor.u32 v8, v17;
	v20 =	vld.idx.msk [tilespmem:v47+s11+$0x0], $0xffff  }
0x1f9: {  	v49 =	vor.u32 v7, v37;
	_ =	sdelay $0x3  }
0x1fa: {  	[tilespmem:v48+s19+$0x0] =	vst.idx.msk $0xffff, v20  }
0x1fb: {  	v50 =	vor.u32 v8, v19;
	v20 =	vld.idx.msk [tilespmem:v49+s11+$0x0], $0xffff  }
0x1fc: {  	v51 =	vor.u32 v9, v18;
	_ =	sdelay $0x3  }
0x1fd: {  	[tilespmem:v50+s19+$0x0] =	vst.idx.msk $0xffff, v20  }
0x1fe: {  	v52 =	vor.u32 v10, v17;
	v20 =	vld.idx.msk [tilespmem:v51+s11+$0x0], $0xffff  }
0x1ff: {  	v53 =	vor.u32 v9, v37;
	_ =	sdelay $0x3  }
0x200: {  	[tilespmem:v52+s19+$0x0] =	vst.idx.msk $0xffff, v20  }
0x201: {  	v54 =	vor.u32 v10, v19;
	v20 =	vld.idx.msk [tilespmem:v53+s11+$0x0], $0xffff  }
0x202: {  	v55 =	vor.u32 v11, v18;
	_ =	sdelay $0x3  }
0x203: {  	[tilespmem:v54+s19+$0x0] =	vst.idx.msk $0xffff, v20  }
0x204: {  	v56 =	vor.u32 v12, v17;
	v20 =	vld.idx.msk [tilespmem:v55+s11+$0x0], $0xffff  }
0x205: {  	v57 =	vor.u32 v11, v37;
	_ =	sdelay $0x3  }
0x206: {  	[tilespmem:v56+s19+$0x0] =	vst.idx.msk $0xffff, v20  }
0x207: {  	v58 =	vor.u32 v12, v19;
	v20 =	vld.idx.msk [tilespmem:v57+s11+$0x0], $0xffff  }
0x208: {  	v59 =	vor.u32 v13, v18;
	_ =	sdelay $0x3  }
0x209: {  	[tilespmem:v58+s19+$0x0] =	vst.idx.msk $0xffff, v20  }
0x20a: {  	v60 =	vor.u32 v14, v17;
	v20 =	vld.idx.msk [tilespmem:v59+s11+$0x0], $0xffff  }
0x20b: {  	v61 =	vor.u32 v13, v37;
	_ =	sdelay $0x3  }
0x20c: {  	[tilespmem:v60+s19+$0x0] =	vst.idx.msk $0xffff, v20  }
0x20d: {  	v62 =	vor.u32 v14, v19;
	v20 =	vld.idx.msk [tilespmem:v61+s11+$0x0], $0xffff  }
0x20e: {  	v18 =	vor.u32 v15, v18;
	_ =	sdelay $0x3  }
0x20f: {  	[tilespmem:v62+s19+$0x0] =	vst.idx.msk $0xffff, v20  }
0x210: {  	v17 =	vor.u32 v16, v17;
	v18 =	vld.idx.msk [tilespmem:v18+s11+$0x0], $0xffff  }
0x211: {  	v63 =	vor.u32 v15, v37;
	_ =	sdelay $0x3  }
0x212: {  	[tilespmem:v17+s19+$0x0] =	vst.idx.msk $0xffff, v18  }
0x213: {  	v18 =	vor.u32 v16, v19;
	v17 =	vld.idx.msk [tilespmem:v63+s11+$0x0], $0xffff  }
0x214: {  	p1 =	sne.s32 s10, $0x31  }
.Ltmp4:
0x215: {  	s12 =	sshll.u32 s10, $0x13;
	(pc) =	sbr.rel @p1 .LBB2_8-.Ltmp4, $4  }
0x216: {  	s12 =	sor.u32 s5, s12  }
0x217: {  	s12 =	sshrl.u32 s12, $0x3  }
0x218: {  	s16 =	sadd.s32 s4, s12;
	[tilespmem:v18+s19+$0x0] =	vst.idx.msk $0xffff, v17  }
0x219: {  	[hbm4b:s16+s9] =	stream.strided.scatter [tilespmem:s19], [sflag:$0x5], $0x1000, s20, s9, $0x38;
	[tilespmem:$0x14800] =	vst v63  }
.Ltmp5:
0x21a: {  	(pc) =	sbr.rel .LBB2_9-.Ltmp5, $4  }
0x21b: {  	_ = 	snop  }
0x21c: {  	_ =	swait.ge [sflag:s21], $0x1000  }
0x21d: {  	[sflag:s21] =	ssyncset.done $0x0  }
0x21e: {  	[sflag:s21] =	ssyncadd.s32 $0xFFFFF000  }
.LBB2_8:
0x21f: {  	s16 =	sshll.u32 s10, $0x9  }
0x220: {  	s16 =	sand.u32 $0x3FFFFE00, s16  }
.Ltmp6:
0x221: {  	s16 =	sadd.s32 $0x6600, s16;
	(pc) =	sbr.rel @p0 .LBB2_10-.Ltmp6, $4  }
0x222: {  	[tilespmem:s11], [sflag:$0x1] =	stream.indirect.gather [hbm4b:s3+s9], $0x20, s16, s9, $0xb8;
	[tilespmem:$0x14800] =	vst v63  }
0x223: {  	_ =	swait.ge [sflag:s21], $0x1000  }
0x224: {  	[sflag:s21] =	ssyncset.done $0x0  }
0x225: {  	[sflag:s21] =	ssyncadd.s32 $0xFFFFF000  }
.LBB2_9:
0x226: {  	_ =	swait.ge [sflag:s22], $0x1000  }
0x227: {  	[sflag:s22] =	ssyncset.done $0x0  }
0x228: {  	[sflag:s22] =	ssyncadd.s32 $0xFFFFF000  }
.LBB2_10:
0x229: {  	s16 =	simm.s32 $0x0  }
0x22a: {  	v17 =	vadd.s32 s16, v0  }
0x22b: {  	v18 =	vand.u32 $0xF, v17  }
0x22c: {  	v19 =	vor.u32 v1, v18;
	_ =	sdelay $0x2  }
0x22d: {  	v20 =	vshll.u32 v17, $0x7  }
0x22e: {  	v17 =	vor.u32 $0x10, v17;
	v20 =	vand.u32 $0x780, v20  }
0x22f: {  	v22 =	vand.u32 $0x1F, v17;
	v21 =	vor.u32 v0, v20;
	v19 =	vld.idx.msk [tilespmem:v19+s13+$0x0], $0xffff  }
0x230: {  	v23 =	vor.u32 v1, v22;
	_ =	sdelay $0x3  }
0x231: {  	v17 =	vshll.u32 v17, $0x7;
	[tilespmem:v21+s23+$0x0] =	vst.idx.msk $0xffff, v19  }
0x232: {  	v21 =	vor.u32 v0, v17;
	v19 =	vld.idx.msk [tilespmem:v23+s13+$0x0], $0xffff  }
0x233: {  	v23 =	vor.u32 v3, v18;
	_ =	sdelay $0x3  }
0x234: {  	[tilespmem:v21+s23+$0x0] =	vst.idx.msk $0xffff, v19  }
0x235: {  	v21 =	vor.u32 v4, v20;
	v19 =	vld.idx.msk [tilespmem:v23+s13+$0x0], $0xffff  }
0x236: {  	v23 =	vor.u32 v3, v22;
	_ =	sdelay $0x3  }
0x237: {  	[tilespmem:v21+s23+$0x0] =	vst.idx.msk $0xffff, v19  }
0x238: {  	v21 =	vor.u32 v4, v17;
	v19 =	vld.idx.msk [tilespmem:v23+s13+$0x0], $0xffff  }
0x239: {  	v23 =	vor.u32 v5, v18;
	_ =	sdelay $0x3  }
0x23a: {  	[tilespmem:v21+s23+$0x0] =	vst.idx.msk $0xffff, v19  }
0x23b: {  	v21 =	vor.u32 v6, v20;
	v19 =	vld.idx.msk [tilespmem:v23+s13+$0x0], $0xffff  }
0x23c: {  	v23 =	vor.u32 v5, v22;
	_ =	sdelay $0x3  }
0x23d: {  	[tilespmem:v21+s23+$0x0] =	vst.idx.msk $0xffff, v19  }
0x23e: {  	v21 =	vor.u32 v6, v17;
	v19 =	vld.idx.msk [tilespmem:v23+s13+$0x0], $0xffff  }
0x23f: {  	v23 =	vor.u32 v7, v18;
	_ =	sdelay $0x3  }
0x240: {  	[tilespmem:v21+s23+$0x0] =	vst.idx.msk $0xffff, v19  }
0x241: {  	v21 =	vor.u32 v8, v20;
	v19 =	vld.idx.msk [tilespmem:v23+s13+$0x0], $0xffff  }
0x242: {  	v23 =	vor.u32 v7, v22;
	_ =	sdelay $0x3  }
0x243: {  	[tilespmem:v21+s23+$0x0] =	vst.idx.msk $0xffff, v19  }
0x244: {  	v21 =	vor.u32 v8, v17;
	v19 =	vld.idx.msk [tilespmem:v23+s13+$0x0], $0xffff  }
0x245: {  	v23 =	vor.u32 v9, v18;
	_ =	sdelay $0x3  }
0x246: {  	[tilespmem:v21+s23+$0x0] =	vst.idx.msk $0xffff, v19  }
0x247: {  	v21 =	vor.u32 v10, v20;
	v19 =	vld.idx.msk [tilespmem:v23+s13+$0x0], $0xffff  }
0x248: {  	v23 =	vor.u32 v9, v22;
	_ =	sdelay $0x3  }
0x249: {  	[tilespmem:v21+s23+$0x0] =	vst.idx.msk $0xffff, v19  }
0x24a: {  	v21 =	vor.u32 v10, v17;
	v19 =	vld.idx.msk [tilespmem:v23+s13+$0x0], $0xffff  }
0x24b: {  	v23 =	vor.u32 v11, v18;
	_ =	sdelay $0x3  }
0x24c: {  	[tilespmem:v21+s23+$0x0] =	vst.idx.msk $0xffff, v19  }
0x24d: {  	v21 =	vor.u32 v12, v20;
	v19 =	vld.idx.msk [tilespmem:v23+s13+$0x0], $0xffff  }
0x24e: {  	v23 =	vor.u32 v11, v22;
	_ =	sdelay $0x3  }
0x24f: {  	[tilespmem:v21+s23+$0x0] =	vst.idx.msk $0xffff, v19  }
0x250: {  	v21 =	vor.u32 v12, v17;
	v19 =	vld.idx.msk [tilespmem:v23+s13+$0x0], $0xffff  }
0x251: {  	v23 =	vor.u32 v13, v18;
	_ =	sdelay $0x3  }
0x252: {  	[tilespmem:v21+s23+$0x0] =	vst.idx.msk $0xffff, v19  }
0x253: {  	v21 =	vor.u32 v14, v20;
	v19 =	vld.idx.msk [tilespmem:v23+s13+$0x0], $0xffff  }
0x254: {  	v23 =	vor.u32 v13, v22;
	_ =	sdelay $0x3  }
0x255: {  	[tilespmem:v21+s23+$0x0] =	vst.idx.msk $0xffff, v19  }
0x256: {  	v21 =	vor.u32 v14, v17;
	v19 =	vld.idx.msk [tilespmem:v23+s13+$0x0], $0xffff  }
0x257: {  	v18 =	vor.u32 v15, v18;
	_ =	sdelay $0x3  }
0x258: {  	[tilespmem:v21+s23+$0x0] =	vst.idx.msk $0xffff, v19  }
0x259: {  	v19 =	vor.u32 v16, v20;
	v18 =	vld.idx.msk [tilespmem:v18+s13+$0x0], $0xffff  }
0x25a: {  	v21 =	vor.u32 v15, v22;
	_ =	sdelay $0x3  }
0x25b: {  	s16 =	simm.s32 $0x1;
	[tilespmem:v19+s23+$0x0] =	vst.idx.msk $0xffff, v18  }
0x25c: {  	v20 =	vadd.s32 s16, v0;
	s16 =	simm.s32 $0x2;
	v19 =	vld.idx.msk [tilespmem:v21+s13+$0x0], $0xffff  }
.LBB2_11:
0x25d: {  	p2 =	sne.s32 s16, $0xF;
	v18 =	vand.u32 $0xF, v20;
	v17 =	vor.u32 v16, v17  }
0x25e: {  	v21 =	vor.u32 v1, v18;
	_ =	sdelay $0x3  }
0x25f: {  	v22 =	vshll.u32 v20, $0x7;
	[tilespmem:v17+s23+$0x0] =	vst.idx.msk $0xffff, v19  }
0x260: {  	v19 =	vand.u32 $0x780, v22;
	v17 =	vld.idx.msk [tilespmem:v21+s13+$0x0], $0xffff;
	v21 =	vor.u32 $0x10, v20  }
0x261: {  	v22 =	vor.u32 v0, v19;
	v20 =	vand.u32 $0x1F, v21  }
0x262: {  	v23 =	vor.u32 v1, v20;
	_ =	sdelay $0x3  }
0x263: {  	[tilespmem:v22+s23+$0x0] =	vst.idx.msk $0xffff, v17  }
0x264: {  	v17 =	vshll.u32 v21, $0x7;
	v22 =	vld.idx.msk [tilespmem:v23+s13+$0x0], $0xffff  }
0x265: {  	v21 =	vor.u32 v0, v17  }
0x266: {  	v23 =	vor.u32 v3, v18;
	_ =	sdelay $0x3  }
0x267: {  	[tilespmem:v21+s23+$0x0] =	vst.idx.msk $0xffff, v22  }
0x268: {  	v21 =	vld.idx.msk [tilespmem:v23+s13+$0x0], $0xffff  }
0x269: {  	v22 =	vor.u32 v4, v19  }
0x26a: {  	v23 =	vor.u32 v3, v20;
	_ =	sdelay $0x3  }
0x26b: {  	[tilespmem:v22+s23+$0x0] =	vst.idx.msk $0xffff, v21  }
0x26c: {  	v21 =	vld.idx.msk [tilespmem:v23+s13+$0x0], $0xffff  }
0x26d: {  	v22 =	vor.u32 v4, v17  }
0x26e: {  	v23 =	vor.u32 v5, v18;
	_ =	sdelay $0x3  }
0x26f: {  	[tilespmem:v22+s23+$0x0] =	vst.idx.msk $0xffff, v21  }
0x270: {  	v21 =	vld.idx.msk [tilespmem:v23+s13+$0x0], $0xffff  }
0x271: {  	v22 =	vor.u32 v6, v19  }
0x272: {  	v23 =	vor.u32 v5, v20;
	_ =	sdelay $0x3  }
0x273: {  	[tilespmem:v22+s23+$0x0] =	vst.idx.msk $0xffff, v21  }
0x274: {  	v21 =	vld.idx.msk [tilespmem:v23+s13+$0x0], $0xffff  }
0x275: {  	v22 =	vor.u32 v6, v17  }
0x276: {  	v23 =	vor.u32 v7, v18;
	_ =	sdelay $0x3  }
0x277: {  	[tilespmem:v22+s23+$0x0] =	vst.idx.msk $0xffff, v21  }
0x278: {  	v21 =	vld.idx.msk [tilespmem:v23+s13+$0x0], $0xffff  }
0x279: {  	v22 =	vor.u32 v8, v19  }
0x27a: {  	v23 =	vor.u32 v7, v20;
	_ =	sdelay $0x3  }
0x27b: {  	[tilespmem:v22+s23+$0x0] =	vst.idx.msk $0xffff, v21  }
0x27c: {  	v21 =	vld.idx.msk [tilespmem:v23+s13+$0x0], $0xffff  }
0x27d: {  	v22 =	vor.u32 v8, v17  }
0x27e: {  	v23 =	vor.u32 v9, v18;
	_ =	sdelay $0x3  }
0x27f: {  	[tilespmem:v22+s23+$0x0] =	vst.idx.msk $0xffff, v21  }
0x280: {  	v21 =	vld.idx.msk [tilespmem:v23+s13+$0x0], $0xffff  }
0x281: {  	v22 =	vor.u32 v10, v19  }
0x282: {  	v23 =	vor.u32 v9, v20;
	_ =	sdelay $0x3  }
0x283: {  	[tilespmem:v22+s23+$0x0] =	vst.idx.msk $0xffff, v21  }
0x284: {  	v21 =	vld.idx.msk [tilespmem:v23+s13+$0x0], $0xffff  }
0x285: {  	v22 =	vor.u32 v10, v17  }
0x286: {  	v23 =	vor.u32 v11, v18;
	_ =	sdelay $0x3  }
0x287: {  	[tilespmem:v22+s23+$0x0] =	vst.idx.msk $0xffff, v21  }
0x288: {  	v21 =	vld.idx.msk [tilespmem:v23+s13+$0x0], $0xffff  }
0x289: {  	v22 =	vor.u32 v12, v19  }
0x28a: {  	v23 =	vor.u32 v11, v20;
	_ =	sdelay $0x3  }
0x28b: {  	[tilespmem:v22+s23+$0x0] =	vst.idx.msk $0xffff, v21  }
0x28c: {  	v21 =	vld.idx.msk [tilespmem:v23+s13+$0x0], $0xffff  }
0x28d: {  	v22 =	vor.u32 v12, v17  }
0x28e: {  	v23 =	vor.u32 v13, v18;
	_ =	sdelay $0x3  }
0x28f: {  	[tilespmem:v22+s23+$0x0] =	vst.idx.msk $0xffff, v21  }
0x290: {  	v21 =	vld.idx.msk [tilespmem:v23+s13+$0x0], $0xffff  }
0x291: {  	v22 =	vor.u32 v14, v19  }
0x292: {  	v23 =	vor.u32 v13, v20;
	_ =	sdelay $0x3  }
0x293: {  	[tilespmem:v22+s23+$0x0] =	vst.idx.msk $0xffff, v21  }
0x294: {  	v21 =	vld.idx.msk [tilespmem:v23+s13+$0x0], $0xffff  }
0x295: {  	v22 =	vor.u32 v14, v17  }
0x296: {  	v18 =	vor.u32 v15, v18;
	_ =	sdelay $0x3  }
0x297: {  	[tilespmem:v22+s23+$0x0] =	vst.idx.msk $0xffff, v21  }
0x298: {  	v18 =	vld.idx.msk [tilespmem:v18+s13+$0x0], $0xffff  }
0x299: {  	v19 =	vor.u32 v16, v19  }
0x29a: {  	v21 =	vor.u32 v15, v20  }
.Ltmp7:
0x29b: {  	(pc) =	sbr.rel @p2 .LBB2_11-.Ltmp7, $3  }
0x29c: {  	_ =	sdelay $0x1  }
0x29d: {  	[tilespmem:v19+s23+$0x0] =	vst.idx.msk $0xffff, v18  }
0x29e: {  	v20 =	vadd.s32 s16, v0;
	s16 =	sadd.s32 $0x1, s16;
	v19 =	vld.idx.msk [tilespmem:v21+s13+$0x0], $0xffff  }
0x29f: {  	v18 =	vand.u32 $0xF, v20;
	v17 =	vor.u32 v16, v17  }
0x2a0: {  	v21 =	vor.u32 v1, v18;
	_ =	sdelay $0x2  }
0x2a1: {  	v22 =	vshll.u32 v20, $0x7  }
0x2a2: {  	[tilespmem:v17+s23+$0x0] =	vst.idx.msk $0xffff, v19;
	v17 =	vand.u32 $0x780, v22;
	v19 =	vor.u32 $0x10, v20  }
0x2a3: {  	v35 =	vld.idx.msk [tilespmem:v21+s13+$0x0], $0xffff;
	v36 =	vor.u32 v0, v17;
	v37 =	vand.u32 $0x1F, v19  }
0x2a4: {  	v23 =	vor.u32 v1, v37;
	_ =	sdelay $0x3  }
0x2a5: {  	v19 =	vshll.u32 v19, $0x7;
	[tilespmem:v36+s23+$0x0] =	vst.idx.msk $0xffff, v35  }
0x2a6: {  	v38 =	vor.u32 v0, v19;
	v20 =	vld.idx.msk [tilespmem:v23+s13+$0x0], $0xffff  }
0x2a7: {  	v39 =	vor.u32 v3, v18;
	_ =	sdelay $0x3  }
0x2a8: {  	[tilespmem:v38+s23+$0x0] =	vst.idx.msk $0xffff, v20  }
0x2a9: {  	v40 =	vor.u32 v4, v17;
	v20 =	vld.idx.msk [tilespmem:v39+s13+$0x0], $0xffff  }
0x2aa: {  	v41 =	vor.u32 v3, v37;
	_ =	sdelay $0x3  }
0x2ab: {  	[tilespmem:v40+s23+$0x0] =	vst.idx.msk $0xffff, v20  }
0x2ac: {  	v42 =	vor.u32 v4, v19;
	v20 =	vld.idx.msk [tilespmem:v41+s13+$0x0], $0xffff  }
0x2ad: {  	v43 =	vor.u32 v5, v18;
	_ =	sdelay $0x3  }
0x2ae: {  	[tilespmem:v42+s23+$0x0] =	vst.idx.msk $0xffff, v20  }
0x2af: {  	v44 =	vor.u32 v6, v17;
	v20 =	vld.idx.msk [tilespmem:v43+s13+$0x0], $0xffff  }
0x2b0: {  	v45 =	vor.u32 v5, v37;
	_ =	sdelay $0x3  }
0x2b1: {  	[tilespmem:v44+s23+$0x0] =	vst.idx.msk $0xffff, v20  }
0x2b2: {  	v46 =	vor.u32 v6, v19;
	v20 =	vld.idx.msk [tilespmem:v45+s13+$0x0], $0xffff  }
0x2b3: {  	v47 =	vor.u32 v7, v18;
	_ =	sdelay $0x3  }
0x2b4: {  	[tilespmem:v46+s23+$0x0] =	vst.idx.msk $0xffff, v20  }
0x2b5: {  	v48 =	vor.u32 v8, v17;
	v20 =	vld.idx.msk [tilespmem:v47+s13+$0x0], $0xffff  }
0x2b6: {  	v49 =	vor.u32 v7, v37;
	_ =	sdelay $0x3  }
0x2b7: {  	[tilespmem:v48+s23+$0x0] =	vst.idx.msk $0xffff, v20  }
0x2b8: {  	v50 =	vor.u32 v8, v19;
	v20 =	vld.idx.msk [tilespmem:v49+s13+$0x0], $0xffff  }
0x2b9: {  	v51 =	vor.u32 v9, v18;
	_ =	sdelay $0x3  }
0x2ba: {  	[tilespmem:v50+s23+$0x0] =	vst.idx.msk $0xffff, v20  }
0x2bb: {  	v52 =	vor.u32 v10, v17;
	v20 =	vld.idx.msk [tilespmem:v51+s13+$0x0], $0xffff  }
0x2bc: {  	v53 =	vor.u32 v9, v37;
	_ =	sdelay $0x3  }
0x2bd: {  	[tilespmem:v52+s23+$0x0] =	vst.idx.msk $0xffff, v20  }
0x2be: {  	v54 =	vor.u32 v10, v19;
	v20 =	vld.idx.msk [tilespmem:v53+s13+$0x0], $0xffff  }
0x2bf: {  	v55 =	vor.u32 v11, v18;
	_ =	sdelay $0x3  }
0x2c0: {  	[tilespmem:v54+s23+$0x0] =	vst.idx.msk $0xffff, v20  }
0x2c1: {  	v56 =	vor.u32 v12, v17;
	v20 =	vld.idx.msk [tilespmem:v55+s13+$0x0], $0xffff  }
0x2c2: {  	v57 =	vor.u32 v11, v37;
	_ =	sdelay $0x3  }
0x2c3: {  	[tilespmem:v56+s23+$0x0] =	vst.idx.msk $0xffff, v20  }
0x2c4: {  	v58 =	vor.u32 v12, v19;
	v20 =	vld.idx.msk [tilespmem:v57+s13+$0x0], $0xffff  }
0x2c5: {  	v59 =	vor.u32 v13, v18;
	_ =	sdelay $0x3  }
0x2c6: {  	[tilespmem:v58+s23+$0x0] =	vst.idx.msk $0xffff, v20  }
0x2c7: {  	v60 =	vor.u32 v14, v17;
	v20 =	vld.idx.msk [tilespmem:v59+s13+$0x0], $0xffff  }
0x2c8: {  	v61 =	vor.u32 v13, v37;
	_ =	sdelay $0x3  }
0x2c9: {  	[tilespmem:v60+s23+$0x0] =	vst.idx.msk $0xffff, v20  }
0x2ca: {  	v62 =	vor.u32 v14, v19;
	v20 =	vld.idx.msk [tilespmem:v61+s13+$0x0], $0xffff  }
0x2cb: {  	v18 =	vor.u32 v15, v18;
	_ =	sdelay $0x3  }
0x2cc: {  	[tilespmem:v62+s23+$0x0] =	vst.idx.msk $0xffff, v20  }
0x2cd: {  	v17 =	vor.u32 v16, v17;
	v18 =	vld.idx.msk [tilespmem:v18+s13+$0x0], $0xffff  }
0x2ce: {  	v63 =	vor.u32 v15, v37;
	_ =	sdelay $0x3  }
0x2cf: {  	[tilespmem:v17+s23+$0x0] =	vst.idx.msk $0xffff, v18  }
0x2d0: {  	v18 =	vor.u32 v16, v19;
	v17 =	vld.idx.msk [tilespmem:v63+s13+$0x0], $0xffff;
	_ =	sdelay $0x1  }
.Ltmp8:
0x2d1: {  	_ = 	snop;
	(pc) =	sbr.rel @p1 .LBB2_14-.Ltmp8, $4  }
0x2d2: {  	_ = 	snop  }
0x2d3: {  	s12 =	sadd.s32 s12, s4  }
0x2d4: {  	s16 =	sadd.s32 $0x10, s12;
	[tilespmem:v18+s23+$0x0] =	vst.idx.msk $0xffff, v17  }
0x2d5: {  	[hbm4b:s16+s9] =	stream.strided.scatter [tilespmem:s23], [sflag:$0x6], $0x1000, s20, s9, $0x38;
	[tilespmem:$0x14800] =	vst v63  }
.Ltmp9:
0x2d6: {  	(pc) =	sbr.rel .LBB2_15-.Ltmp9, $4  }
0x2d7: {  	_ = 	snop  }
0x2d8: {  	_ =	swait.ge [sflag:s24], $0x1000  }
0x2d9: {  	[sflag:s24] =	ssyncset.done $0x0  }
0x2da: {  	[sflag:s24] =	ssyncadd.s32 $0xFFFFF000  }
.LBB2_14:
0x2db: {  	s16 =	sshll.u32 s10, $0x9  }
0x2dc: {  	s16 =	sand.u32 $0x3FFFFE00, s16  }
.Ltmp10:
0x2dd: {  	s16 =	sadd.s32 $0x6680, s16;
	(pc) =	sbr.rel @p0 .LBB2_16-.Ltmp10, $4  }
0x2de: {  	[tilespmem:s13], [sflag:$0x2] =	stream.indirect.gather [hbm4b:s3+s9], $0x20, s16, s9, $0xb8;
	[tilespmem:$0x14800] =	vst v63  }
0x2df: {  	_ =	swait.ge [sflag:s24], $0x1000  }
0x2e0: {  	[sflag:s24] =	ssyncset.done $0x0  }
0x2e1: {  	[sflag:s24] =	ssyncadd.s32 $0xFFFFF000  }
.LBB2_15:
0x2e2: {  	_ =	swait.ge [sflag:s25], $0x1000  }
0x2e3: {  	[sflag:s25] =	ssyncset.done $0x0  }
0x2e4: {  	[sflag:s25] =	ssyncadd.s32 $0xFFFFF000  }
.LBB2_16:
0x2e5: {  	s16 =	simm.s32 $0x0  }
0x2e6: {  	v17 =	vadd.s32 s16, v0  }
0x2e7: {  	v18 =	vand.u32 $0xF, v17  }
0x2e8: {  	v19 =	vor.u32 v1, v18;
	_ =	sdelay $0x2  }
0x2e9: {  	v20 =	vshll.u32 v17, $0x7  }
0x2ea: {  	v17 =	vor.u32 $0x10, v17;
	v20 =	vand.u32 $0x780, v20  }
0x2eb: {  	v22 =	vand.u32 $0x1F, v17;
	v21 =	vor.u32 v0, v20;
	v19 =	vld.idx.msk [tilespmem:v19+s15+$0x0], $0xffff  }
0x2ec: {  	v23 =	vor.u32 v1, v22;
	_ =	sdelay $0x3  }
0x2ed: {  	v17 =	vshll.u32 v17, $0x7;
	[tilespmem:v21+s26+$0x0] =	vst.idx.msk $0xffff, v19  }
0x2ee: {  	v21 =	vor.u32 v0, v17;
	v19 =	vld.idx.msk [tilespmem:v23+s15+$0x0], $0xffff  }
0x2ef: {  	v23 =	vor.u32 v3, v18;
	_ =	sdelay $0x3  }
0x2f0: {  	[tilespmem:v21+s26+$0x0] =	vst.idx.msk $0xffff, v19  }
0x2f1: {  	v21 =	vor.u32 v4, v20;
	v19 =	vld.idx.msk [tilespmem:v23+s15+$0x0], $0xffff  }
0x2f2: {  	v23 =	vor.u32 v3, v22;
	_ =	sdelay $0x3  }
0x2f3: {  	[tilespmem:v21+s26+$0x0] =	vst.idx.msk $0xffff, v19  }
0x2f4: {  	v21 =	vor.u32 v4, v17;
	v19 =	vld.idx.msk [tilespmem:v23+s15+$0x0], $0xffff  }
0x2f5: {  	v23 =	vor.u32 v5, v18;
	_ =	sdelay $0x3  }
0x2f6: {  	[tilespmem:v21+s26+$0x0] =	vst.idx.msk $0xffff, v19  }
0x2f7: {  	v21 =	vor.u32 v6, v20;
	v19 =	vld.idx.msk [tilespmem:v23+s15+$0x0], $0xffff  }
0x2f8: {  	v23 =	vor.u32 v5, v22;
	_ =	sdelay $0x3  }
0x2f9: {  	[tilespmem:v21+s26+$0x0] =	vst.idx.msk $0xffff, v19  }
0x2fa: {  	v21 =	vor.u32 v6, v17;
	v19 =	vld.idx.msk [tilespmem:v23+s15+$0x0], $0xffff  }
0x2fb: {  	v23 =	vor.u32 v7, v18;
	_ =	sdelay $0x3  }
0x2fc: {  	[tilespmem:v21+s26+$0x0] =	vst.idx.msk $0xffff, v19  }
0x2fd: {  	v21 =	vor.u32 v8, v20;
	v19 =	vld.idx.msk [tilespmem:v23+s15+$0x0], $0xffff  }
0x2fe: {  	v23 =	vor.u32 v7, v22;
	_ =	sdelay $0x3  }
0x2ff: {  	[tilespmem:v21+s26+$0x0] =	vst.idx.msk $0xffff, v19  }
0x300: {  	v21 =	vor.u32 v8, v17;
	v19 =	vld.idx.msk [tilespmem:v23+s15+$0x0], $0xffff  }
0x301: {  	v23 =	vor.u32 v9, v18;
	_ =	sdelay $0x3  }
0x302: {  	[tilespmem:v21+s26+$0x0] =	vst.idx.msk $0xffff, v19  }
0x303: {  	v21 =	vor.u32 v10, v20;
	v19 =	vld.idx.msk [tilespmem:v23+s15+$0x0], $0xffff  }
0x304: {  	v23 =	vor.u32 v9, v22;
	_ =	sdelay $0x3  }
0x305: {  	[tilespmem:v21+s26+$0x0] =	vst.idx.msk $0xffff, v19  }
0x306: {  	v21 =	vor.u32 v10, v17;
	v19 =	vld.idx.msk [tilespmem:v23+s15+$0x0], $0xffff  }
0x307: {  	v23 =	vor.u32 v11, v18;
	_ =	sdelay $0x3  }
0x308: {  	[tilespmem:v21+s26+$0x0] =	vst.idx.msk $0xffff, v19  }
0x309: {  	v21 =	vor.u32 v12, v20;
	v19 =	vld.idx.msk [tilespmem:v23+s15+$0x0], $0xffff  }
0x30a: {  	v23 =	vor.u32 v11, v22;
	_ =	sdelay $0x3  }
0x30b: {  	[tilespmem:v21+s26+$0x0] =	vst.idx.msk $0xffff, v19  }
0x30c: {  	v21 =	vor.u32 v12, v17;
	v19 =	vld.idx.msk [tilespmem:v23+s15+$0x0], $0xffff  }
0x30d: {  	v23 =	vor.u32 v13, v18;
	_ =	sdelay $0x3  }
0x30e: {  	[tilespmem:v21+s26+$0x0] =	vst.idx.msk $0xffff, v19  }
0x30f: {  	v21 =	vor.u32 v14, v20;
	v19 =	vld.idx.msk [tilespmem:v23+s15+$0x0], $0xffff  }
0x310: {  	v23 =	vor.u32 v13, v22;
	_ =	sdelay $0x3  }
0x311: {  	[tilespmem:v21+s26+$0x0] =	vst.idx.msk $0xffff, v19  }
0x312: {  	v21 =	vor.u32 v14, v17;
	v19 =	vld.idx.msk [tilespmem:v23+s15+$0x0], $0xffff  }
0x313: {  	v18 =	vor.u32 v15, v18;
	_ =	sdelay $0x3  }
0x314: {  	[tilespmem:v21+s26+$0x0] =	vst.idx.msk $0xffff, v19  }
0x315: {  	v19 =	vor.u32 v16, v20;
	v18 =	vld.idx.msk [tilespmem:v18+s15+$0x0], $0xffff  }
0x316: {  	v21 =	vor.u32 v15, v22;
	_ =	sdelay $0x3  }
0x317: {  	s16 =	simm.s32 $0x1;
	[tilespmem:v19+s26+$0x0] =	vst.idx.msk $0xffff, v18  }
0x318: {  	v20 =	vadd.s32 s16, v0;
	s16 =	simm.s32 $0x2;
	v19 =	vld.idx.msk [tilespmem:v21+s15+$0x0], $0xffff  }
.LBB2_17:
0x319: {  	p2 =	sne.s32 s16, $0xF;
	v18 =	vand.u32 $0xF, v20;
	v17 =	vor.u32 v16, v17  }
0x31a: {  	v21 =	vor.u32 v1, v18;
	_ =	sdelay $0x3  }
0x31b: {  	v22 =	vshll.u32 v20, $0x7;
	[tilespmem:v17+s26+$0x0] =	vst.idx.msk $0xffff, v19  }
0x31c: {  	v19 =	vand.u32 $0x780, v22;
	v17 =	vld.idx.msk [tilespmem:v21+s15+$0x0], $0xffff;
	v21 =	vor.u32 $0x10, v20  }
0x31d: {  	v22 =	vor.u32 v0, v19;
	v20 =	vand.u32 $0x1F, v21  }
0x31e: {  	v23 =	vor.u32 v1, v20;
	_ =	sdelay $0x3  }
0x31f: {  	[tilespmem:v22+s26+$0x0] =	vst.idx.msk $0xffff, v17  }
0x320: {  	v17 =	vshll.u32 v21, $0x7;
	v22 =	vld.idx.msk [tilespmem:v23+s15+$0x0], $0xffff  }
0x321: {  	v21 =	vor.u32 v0, v17  }
0x322: {  	v23 =	vor.u32 v3, v18;
	_ =	sdelay $0x3  }
0x323: {  	[tilespmem:v21+s26+$0x0] =	vst.idx.msk $0xffff, v22  }
0x324: {  	v21 =	vld.idx.msk [tilespmem:v23+s15+$0x0], $0xffff  }
0x325: {  	v22 =	vor.u32 v4, v19  }
0x326: {  	v23 =	vor.u32 v3, v20;
	_ =	sdelay $0x3  }
0x327: {  	[tilespmem:v22+s26+$0x0] =	vst.idx.msk $0xffff, v21  }
0x328: {  	v21 =	vld.idx.msk [tilespmem:v23+s15+$0x0], $0xffff  }
0x329: {  	v22 =	vor.u32 v4, v17  }
0x32a: {  	v23 =	vor.u32 v5, v18;
	_ =	sdelay $0x3  }
0x32b: {  	[tilespmem:v22+s26+$0x0] =	vst.idx.msk $0xffff, v21  }
0x32c: {  	v21 =	vld.idx.msk [tilespmem:v23+s15+$0x0], $0xffff  }
0x32d: {  	v22 =	vor.u32 v6, v19  }
0x32e: {  	v23 =	vor.u32 v5, v20;
	_ =	sdelay $0x3  }
0x32f: {  	[tilespmem:v22+s26+$0x0] =	vst.idx.msk $0xffff, v21  }
0x330: {  	v21 =	vld.idx.msk [tilespmem:v23+s15+$0x0], $0xffff  }
0x331: {  	v22 =	vor.u32 v6, v17  }
0x332: {  	v23 =	vor.u32 v7, v18;
	_ =	sdelay $0x3  }
0x333: {  	[tilespmem:v22+s26+$0x0] =	vst.idx.msk $0xffff, v21  }
0x334: {  	v21 =	vld.idx.msk [tilespmem:v23+s15+$0x0], $0xffff  }
0x335: {  	v22 =	vor.u32 v8, v19  }
0x336: {  	v23 =	vor.u32 v7, v20;
	_ =	sdelay $0x3  }
0x337: {  	[tilespmem:v22+s26+$0x0] =	vst.idx.msk $0xffff, v21  }
0x338: {  	v21 =	vld.idx.msk [tilespmem:v23+s15+$0x0], $0xffff  }
0x339: {  	v22 =	vor.u32 v8, v17  }
0x33a: {  	v23 =	vor.u32 v9, v18;
	_ =	sdelay $0x3  }
0x33b: {  	[tilespmem:v22+s26+$0x0] =	vst.idx.msk $0xffff, v21  }
0x33c: {  	v21 =	vld.idx.msk [tilespmem:v23+s15+$0x0], $0xffff  }
0x33d: {  	v22 =	vor.u32 v10, v19  }
0x33e: {  	v23 =	vor.u32 v9, v20;
	_ =	sdelay $0x3  }
0x33f: {  	[tilespmem:v22+s26+$0x0] =	vst.idx.msk $0xffff, v21  }
0x340: {  	v21 =	vld.idx.msk [tilespmem:v23+s15+$0x0], $0xffff  }
0x341: {  	v22 =	vor.u32 v10, v17  }
0x342: {  	v23 =	vor.u32 v11, v18;
	_ =	sdelay $0x3  }
0x343: {  	[tilespmem:v22+s26+$0x0] =	vst.idx.msk $0xffff, v21  }
0x344: {  	v21 =	vld.idx.msk [tilespmem:v23+s15+$0x0], $0xffff  }
0x345: {  	v22 =	vor.u32 v12, v19  }
0x346: {  	v23 =	vor.u32 v11, v20;
	_ =	sdelay $0x3  }
0x347: {  	[tilespmem:v22+s26+$0x0] =	vst.idx.msk $0xffff, v21  }
0x348: {  	v21 =	vld.idx.msk [tilespmem:v23+s15+$0x0], $0xffff  }
0x349: {  	v22 =	vor.u32 v12, v17  }
0x34a: {  	v23 =	vor.u32 v13, v18;
	_ =	sdelay $0x3  }
0x34b: {  	[tilespmem:v22+s26+$0x0] =	vst.idx.msk $0xffff, v21  }
0x34c: {  	v21 =	vld.idx.msk [tilespmem:v23+s15+$0x0], $0xffff  }
0x34d: {  	v22 =	vor.u32 v14, v19  }
0x34e: {  	v23 =	vor.u32 v13, v20;
	_ =	sdelay $0x3  }
0x34f: {  	[tilespmem:v22+s26+$0x0] =	vst.idx.msk $0xffff, v21  }
0x350: {  	v21 =	vld.idx.msk [tilespmem:v23+s15+$0x0], $0xffff  }
0x351: {  	v22 =	vor.u32 v14, v17  }
0x352: {  	v18 =	vor.u32 v15, v18;
	_ =	sdelay $0x3  }
0x353: {  	[tilespmem:v22+s26+$0x0] =	vst.idx.msk $0xffff, v21  }
0x354: {  	v18 =	vld.idx.msk [tilespmem:v18+s15+$0x0], $0xffff  }
0x355: {  	v19 =	vor.u32 v16, v19  }
0x356: {  	v21 =	vor.u32 v15, v20  }
.Ltmp11:
0x357: {  	(pc) =	sbr.rel @p2 .LBB2_17-.Ltmp11, $3  }
0x358: {  	_ =	sdelay $0x1  }
0x359: {  	[tilespmem:v19+s26+$0x0] =	vst.idx.msk $0xffff, v18  }
0x35a: {  	v20 =	vadd.s32 s16, v0;
	s16 =	sadd.s32 $0x1, s16;
	v19 =	vld.idx.msk [tilespmem:v21+s15+$0x0], $0xffff  }
0x35b: {  	v18 =	vand.u32 $0xF, v20;
	v17 =	vor.u32 v16, v17  }
0x35c: {  	v21 =	vor.u32 v1, v18;
	_ =	sdelay $0x2  }
0x35d: {  	v22 =	vshll.u32 v20, $0x7  }
0x35e: {  	[tilespmem:v17+s26+$0x0] =	vst.idx.msk $0xffff, v19;
	v17 =	vand.u32 $0x780, v22;
	v19 =	vor.u32 $0x10, v20  }
0x35f: {  	v35 =	vld.idx.msk [tilespmem:v21+s15+$0x0], $0xffff;
	v36 =	vor.u32 v0, v17;
	v37 =	vand.u32 $0x1F, v19  }
0x360: {  	v23 =	vor.u32 v1, v37;
	_ =	sdelay $0x3  }
0x361: {  	v19 =	vshll.u32 v19, $0x7;
	[tilespmem:v36+s26+$0x0] =	vst.idx.msk $0xffff, v35  }
0x362: {  	v38 =	vor.u32 v0, v19;
	v20 =	vld.idx.msk [tilespmem:v23+s15+$0x0], $0xffff  }
0x363: {  	v39 =	vor.u32 v3, v18;
	_ =	sdelay $0x3  }
0x364: {  	[tilespmem:v38+s26+$0x0] =	vst.idx.msk $0xffff, v20  }
0x365: {  	v40 =	vor.u32 v4, v17;
	v20 =	vld.idx.msk [tilespmem:v39+s15+$0x0], $0xffff  }
0x366: {  	v41 =	vor.u32 v3, v37;
	_ =	sdelay $0x3  }
0x367: {  	[tilespmem:v40+s26+$0x0] =	vst.idx.msk $0xffff, v20  }
0x368: {  	v42 =	vor.u32 v4, v19;
	v20 =	vld.idx.msk [tilespmem:v41+s15+$0x0], $0xffff  }
0x369: {  	v43 =	vor.u32 v5, v18;
	_ =	sdelay $0x3  }
0x36a: {  	[tilespmem:v42+s26+$0x0] =	vst.idx.msk $0xffff, v20  }
0x36b: {  	v44 =	vor.u32 v6, v17;
	v20 =	vld.idx.msk [tilespmem:v43+s15+$0x0], $0xffff  }
0x36c: {  	v45 =	vor.u32 v5, v37;
	_ =	sdelay $0x3  }
0x36d: {  	[tilespmem:v44+s26+$0x0] =	vst.idx.msk $0xffff, v20  }
0x36e: {  	v46 =	vor.u32 v6, v19;
	v20 =	vld.idx.msk [tilespmem:v45+s15+$0x0], $0xffff  }
0x36f: {  	v47 =	vor.u32 v7, v18;
	_ =	sdelay $0x3  }
0x370: {  	[tilespmem:v46+s26+$0x0] =	vst.idx.msk $0xffff, v20  }
0x371: {  	v48 =	vor.u32 v8, v17;
	v20 =	vld.idx.msk [tilespmem:v47+s15+$0x0], $0xffff  }
0x372: {  	v49 =	vor.u32 v7, v37;
	_ =	sdelay $0x3  }
0x373: {  	[tilespmem:v48+s26+$0x0] =	vst.idx.msk $0xffff, v20  }
0x374: {  	v50 =	vor.u32 v8, v19;
	v20 =	vld.idx.msk [tilespmem:v49+s15+$0x0], $0xffff  }
0x375: {  	v51 =	vor.u32 v9, v18;
	_ =	sdelay $0x3  }
0x376: {  	[tilespmem:v50+s26+$0x0] =	vst.idx.msk $0xffff, v20  }
0x377: {  	v52 =	vor.u32 v10, v17;
	v20 =	vld.idx.msk [tilespmem:v51+s15+$0x0], $0xffff  }
0x378: {  	v53 =	vor.u32 v9, v37;
	_ =	sdelay $0x3  }
0x379: {  	[tilespmem:v52+s26+$0x0] =	vst.idx.msk $0xffff, v20  }
0x37a: {  	v54 =	vor.u32 v10, v19;
	v20 =	vld.idx.msk [tilespmem:v53+s15+$0x0], $0xffff  }
0x37b: {  	v55 =	vor.u32 v11, v18;
	_ =	sdelay $0x3  }
0x37c: {  	[tilespmem:v54+s26+$0x0] =	vst.idx.msk $0xffff, v20  }
0x37d: {  	v56 =	vor.u32 v12, v17;
	v20 =	vld.idx.msk [tilespmem:v55+s15+$0x0], $0xffff  }
0x37e: {  	v57 =	vor.u32 v11, v37;
	_ =	sdelay $0x3  }
0x37f: {  	[tilespmem:v56+s26+$0x0] =	vst.idx.msk $0xffff, v20  }
0x380: {  	v58 =	vor.u32 v12, v19;
	v20 =	vld.idx.msk [tilespmem:v57+s15+$0x0], $0xffff  }
0x381: {  	v59 =	vor.u32 v13, v18;
	_ =	sdelay $0x3  }
0x382: {  	[tilespmem:v58+s26+$0x0] =	vst.idx.msk $0xffff, v20  }
0x383: {  	v60 =	vor.u32 v14, v17;
	v20 =	vld.idx.msk [tilespmem:v59+s15+$0x0], $0xffff  }
0x384: {  	v61 =	vor.u32 v13, v37;
	_ =	sdelay $0x3  }
0x385: {  	[tilespmem:v60+s26+$0x0] =	vst.idx.msk $0xffff, v20  }
0x386: {  	v62 =	vor.u32 v14, v19;
	v20 =	vld.idx.msk [tilespmem:v61+s15+$0x0], $0xffff  }
0x387: {  	v18 =	vor.u32 v15, v18;
	_ =	sdelay $0x3  }
0x388: {  	[tilespmem:v62+s26+$0x0] =	vst.idx.msk $0xffff, v20  }
0x389: {  	v17 =	vor.u32 v16, v17;
	v18 =	vld.idx.msk [tilespmem:v18+s15+$0x0], $0xffff  }
0x38a: {  	v63 =	vor.u32 v15, v37;
	_ =	sdelay $0x3  }
0x38b: {  	[tilespmem:v17+s26+$0x0] =	vst.idx.msk $0xffff, v18  }
0x38c: {  	v18 =	vor.u32 v16, v19;
	v17 =	vld.idx.msk [tilespmem:v63+s15+$0x0], $0xffff;
	_ =	sdelay $0x1  }
.Ltmp12:
0x38d: {  	_ = 	snop;
	(pc) =	sbr.rel @p1 .LBB2_20-.Ltmp12, $3  }
0x38e: {  	_ =	sdelay $0x1  }
0x38f: {  	s16 =	sadd.s32 $0x20, s12;
	[tilespmem:v18+s26+$0x0] =	vst.idx.msk $0xffff, v17  }
0x390: {  	[hbm4b:s16+s9] =	stream.strided.scatter [tilespmem:s26], [sflag:$0x7], $0x1000, s20, s9, $0x38;
	[tilespmem:$0x14800] =	vst v63  }
.Ltmp13:
0x391: {  	(pc) =	sbr.rel .LBB2_21-.Ltmp13, $4  }
0x392: {  	_ = 	snop  }
0x393: {  	_ =	swait.ge [sflag:s28], $0x1000  }
0x394: {  	[sflag:s28] =	ssyncset.done $0x0  }
0x395: {  	[sflag:s28] =	ssyncadd.s32 $0xFFFFF000  }
.LBB2_20:
0x396: {  	s16 =	sshll.u32 s10, $0x9  }
0x397: {  	s16 =	sand.u32 $0x3FFFFE00, s16  }
.Ltmp14:
0x398: {  	s16 =	sadd.s32 $0x6700, s16;
	(pc) =	sbr.rel @p0 .LBB2_22-.Ltmp14, $4  }
0x399: {  	[tilespmem:s15], [sflag:$0x3] =	stream.indirect.gather [hbm4b:s3+s9], $0x20, s16, s9, $0xb8;
	[tilespmem:$0x14800] =	vst v63  }
0x39a: {  	_ =	swait.ge [sflag:s28], $0x1000  }
0x39b: {  	[sflag:s28] =	ssyncset.done $0x0  }
0x39c: {  	[sflag:s28] =	ssyncadd.s32 $0xFFFFF000  }
.LBB2_21:
0x39d: {  	_ =	swait.ge [sflag:s29], $0x1000  }
0x39e: {  	[sflag:s29] =	ssyncset.done $0x0  }
0x39f: {  	[sflag:s29] =	ssyncadd.s32 $0xFFFFF000  }
.LBB2_22:
0x3a0: {  	s16 =	simm.s32 $0x0  }
0x3a1: {  	v17 =	vadd.s32 s16, v0  }
0x3a2: {  	v18 =	vand.u32 $0xF, v17  }
0x3a3: {  	v19 =	vor.u32 v1, v18;
	_ =	sdelay $0x2  }
0x3a4: {  	v20 =	vshll.u32 v17, $0x7  }
0x3a5: {  	v17 =	vor.u32 $0x10, v17;
	v20 =	vand.u32 $0x780, v20  }
0x3a6: {  	v22 =	vand.u32 $0x1F, v17;
	v21 =	vor.u32 v0, v20;
	v19 =	vld.idx.msk [tilespmem:v19+s17+$0x0], $0xffff  }
0x3a7: {  	v23 =	vor.u32 v1, v22;
	_ =	sdelay $0x3  }
0x3a8: {  	v17 =	vshll.u32 v17, $0x7;
	[tilespmem:v21+s30+$0x0] =	vst.idx.msk $0xffff, v19  }
0x3a9: {  	v21 =	vor.u32 v0, v17;
	v19 =	vld.idx.msk [tilespmem:v23+s17+$0x0], $0xffff  }
0x3aa: {  	v23 =	vor.u32 v3, v18;
	_ =	sdelay $0x3  }
0x3ab: {  	[tilespmem:v21+s30+$0x0] =	vst.idx.msk $0xffff, v19  }
0x3ac: {  	v21 =	vor.u32 v4, v20;
	v19 =	vld.idx.msk [tilespmem:v23+s17+$0x0], $0xffff  }
0x3ad: {  	v23 =	vor.u32 v3, v22;
	_ =	sdelay $0x3  }
0x3ae: {  	[tilespmem:v21+s30+$0x0] =	vst.idx.msk $0xffff, v19  }
0x3af: {  	v21 =	vor.u32 v4, v17;
	v19 =	vld.idx.msk [tilespmem:v23+s17+$0x0], $0xffff  }
0x3b0: {  	v23 =	vor.u32 v5, v18;
	_ =	sdelay $0x3  }
0x3b1: {  	[tilespmem:v21+s30+$0x0] =	vst.idx.msk $0xffff, v19  }
0x3b2: {  	v21 =	vor.u32 v6, v20;
	v19 =	vld.idx.msk [tilespmem:v23+s17+$0x0], $0xffff  }
0x3b3: {  	v23 =	vor.u32 v5, v22;
	_ =	sdelay $0x3  }
0x3b4: {  	[tilespmem:v21+s30+$0x0] =	vst.idx.msk $0xffff, v19  }
0x3b5: {  	v21 =	vor.u32 v6, v17;
	v19 =	vld.idx.msk [tilespmem:v23+s17+$0x0], $0xffff  }
0x3b6: {  	v23 =	vor.u32 v7, v18;
	_ =	sdelay $0x3  }
0x3b7: {  	[tilespmem:v21+s30+$0x0] =	vst.idx.msk $0xffff, v19  }
0x3b8: {  	v21 =	vor.u32 v8, v20;
	v19 =	vld.idx.msk [tilespmem:v23+s17+$0x0], $0xffff  }
0x3b9: {  	v23 =	vor.u32 v7, v22;
	_ =	sdelay $0x3  }
0x3ba: {  	[tilespmem:v21+s30+$0x0] =	vst.idx.msk $0xffff, v19  }
0x3bb: {  	v21 =	vor.u32 v8, v17;
	v19 =	vld.idx.msk [tilespmem:v23+s17+$0x0], $0xffff  }
0x3bc: {  	v23 =	vor.u32 v9, v18;
	_ =	sdelay $0x3  }
0x3bd: {  	[tilespmem:v21+s30+$0x0] =	vst.idx.msk $0xffff, v19  }
0x3be: {  	v21 =	vor.u32 v10, v20;
	v19 =	vld.idx.msk [tilespmem:v23+s17+$0x0], $0xffff  }
0x3bf: {  	v23 =	vor.u32 v9, v22;
	_ =	sdelay $0x3  }
0x3c0: {  	[tilespmem:v21+s30+$0x0] =	vst.idx.msk $0xffff, v19  }
0x3c1: {  	v21 =	vor.u32 v10, v17;
	v19 =	vld.idx.msk [tilespmem:v23+s17+$0x0], $0xffff  }
0x3c2: {  	v23 =	vor.u32 v11, v18;
	_ =	sdelay $0x3  }
0x3c3: {  	[tilespmem:v21+s30+$0x0] =	vst.idx.msk $0xffff, v19  }
0x3c4: {  	v21 =	vor.u32 v12, v20;
	v19 =	vld.idx.msk [tilespmem:v23+s17+$0x0], $0xffff  }
0x3c5: {  	v23 =	vor.u32 v11, v22;
	_ =	sdelay $0x3  }
0x3c6: {  	[tilespmem:v21+s30+$0x0] =	vst.idx.msk $0xffff, v19  }
0x3c7: {  	v21 =	vor.u32 v12, v17;
	v19 =	vld.idx.msk [tilespmem:v23+s17+$0x0], $0xffff  }
0x3c8: {  	v23 =	vor.u32 v13, v18;
	_ =	sdelay $0x3  }
0x3c9: {  	[tilespmem:v21+s30+$0x0] =	vst.idx.msk $0xffff, v19  }
0x3ca: {  	v21 =	vor.u32 v14, v20;
	v19 =	vld.idx.msk [tilespmem:v23+s17+$0x0], $0xffff  }
0x3cb: {  	v23 =	vor.u32 v13, v22;
	_ =	sdelay $0x3  }
0x3cc: {  	[tilespmem:v21+s30+$0x0] =	vst.idx.msk $0xffff, v19  }
0x3cd: {  	v21 =	vor.u32 v14, v17;
	v19 =	vld.idx.msk [tilespmem:v23+s17+$0x0], $0xffff  }
0x3ce: {  	v18 =	vor.u32 v15, v18;
	_ =	sdelay $0x3  }
0x3cf: {  	[tilespmem:v21+s30+$0x0] =	vst.idx.msk $0xffff, v19  }
0x3d0: {  	v19 =	vor.u32 v16, v20;
	v18 =	vld.idx.msk [tilespmem:v18+s17+$0x0], $0xffff  }
0x3d1: {  	v21 =	vor.u32 v15, v22;
	_ =	sdelay $0x3  }
0x3d2: {  	s16 =	simm.s32 $0x1;
	[tilespmem:v19+s30+$0x0] =	vst.idx.msk $0xffff, v18  }
0x3d3: {  	v20 =	vadd.s32 s16, v0;
	s16 =	simm.s32 $0x2;
	v19 =	vld.idx.msk [tilespmem:v21+s17+$0x0], $0xffff  }
.LBB2_23:
0x3d4: {  	p0 =	sne.s32 s16, $0xF;
	v18 =	vand.u32 $0xF, v20;
	v17 =	vor.u32 v16, v17  }
0x3d5: {  	v21 =	vor.u32 v1, v18;
	_ =	sdelay $0x3  }
0x3d6: {  	v22 =	vshll.u32 v20, $0x7;
	[tilespmem:v17+s30+$0x0] =	vst.idx.msk $0xffff, v19  }
0x3d7: {  	v19 =	vand.u32 $0x780, v22;
	v17 =	vld.idx.msk [tilespmem:v21+s17+$0x0], $0xffff;
	v21 =	vor.u32 $0x10, v20  }
0x3d8: {  	v22 =	vor.u32 v0, v19;
	v20 =	vand.u32 $0x1F, v21  }
0x3d9: {  	v23 =	vor.u32 v1, v20;
	_ =	sdelay $0x3  }
0x3da: {  	[tilespmem:v22+s30+$0x0] =	vst.idx.msk $0xffff, v17  }
0x3db: {  	v17 =	vshll.u32 v21, $0x7;
	v22 =	vld.idx.msk [tilespmem:v23+s17+$0x0], $0xffff  }
0x3dc: {  	v21 =	vor.u32 v0, v17  }
0x3dd: {  	v23 =	vor.u32 v3, v18;
	_ =	sdelay $0x3  }
0x3de: {  	[tilespmem:v21+s30+$0x0] =	vst.idx.msk $0xffff, v22  }
0x3df: {  	v21 =	vld.idx.msk [tilespmem:v23+s17+$0x0], $0xffff  }
0x3e0: {  	v22 =	vor.u32 v4, v19  }
0x3e1: {  	v23 =	vor.u32 v3, v20;
	_ =	sdelay $0x3  }
0x3e2: {  	[tilespmem:v22+s30+$0x0] =	vst.idx.msk $0xffff, v21  }
0x3e3: {  	v21 =	vld.idx.msk [tilespmem:v23+s17+$0x0], $0xffff  }
0x3e4: {  	v22 =	vor.u32 v4, v17  }
0x3e5: {  	v23 =	vor.u32 v5, v18;
	_ =	sdelay $0x3  }
0x3e6: {  	[tilespmem:v22+s30+$0x0] =	vst.idx.msk $0xffff, v21  }
0x3e7: {  	v21 =	vld.idx.msk [tilespmem:v23+s17+$0x0], $0xffff  }
0x3e8: {  	v22 =	vor.u32 v6, v19  }
0x3e9: {  	v23 =	vor.u32 v5, v20;
	_ =	sdelay $0x3  }
0x3ea: {  	[tilespmem:v22+s30+$0x0] =	vst.idx.msk $0xffff, v21  }
0x3eb: {  	v21 =	vld.idx.msk [tilespmem:v23+s17+$0x0], $0xffff  }
0x3ec: {  	v22 =	vor.u32 v6, v17  }
0x3ed: {  	v23 =	vor.u32 v7, v18;
	_ =	sdelay $0x3  }
0x3ee: {  	[tilespmem:v22+s30+$0x0] =	vst.idx.msk $0xffff, v21  }
0x3ef: {  	v21 =	vld.idx.msk [tilespmem:v23+s17+$0x0], $0xffff  }
0x3f0: {  	v22 =	vor.u32 v8, v19  }
0x3f1: {  	v23 =	vor.u32 v7, v20;
	_ =	sdelay $0x3  }
0x3f2: {  	[tilespmem:v22+s30+$0x0] =	vst.idx.msk $0xffff, v21  }
0x3f3: {  	v21 =	vld.idx.msk [tilespmem:v23+s17+$0x0], $0xffff  }
0x3f4: {  	v22 =	vor.u32 v8, v17  }
0x3f5: {  	v23 =	vor.u32 v9, v18;
	_ =	sdelay $0x3  }
0x3f6: {  	[tilespmem:v22+s30+$0x0] =	vst.idx.msk $0xffff, v21  }
0x3f7: {  	v21 =	vld.idx.msk [tilespmem:v23+s17+$0x0], $0xffff  }
0x3f8: {  	v22 =	vor.u32 v10, v19  }
0x3f9: {  	v23 =	vor.u32 v9, v20;
	_ =	sdelay $0x3  }
0x3fa: {  	[tilespmem:v22+s30+$0x0] =	vst.idx.msk $0xffff, v21  }
0x3fb: {  	v21 =	vld.idx.msk [tilespmem:v23+s17+$0x0], $0xffff  }
0x3fc: {  	v22 =	vor.u32 v10, v17  }
0x3fd: {  	v23 =	vor.u32 v11, v18;
	_ =	sdelay $0x3  }
0x3fe: {  	[tilespmem:v22+s30+$0x0] =	vst.idx.msk $0xffff, v21  }
0x3ff: {  	v21 =	vld.idx.msk [tilespmem:v23+s17+$0x0], $0xffff  }
0x400: {  	v22 =	vor.u32 v12, v19  }
0x401: {  	v23 =	vor.u32 v11, v20;
	_ =	sdelay $0x3  }
0x402: {  	[tilespmem:v22+s30+$0x0] =	vst.idx.msk $0xffff, v21  }
0x403: {  	v21 =	vld.idx.msk [tilespmem:v23+s17+$0x0], $0xffff  }
0x404: {  	v22 =	vor.u32 v12, v17  }
0x405: {  	v23 =	vor.u32 v13, v18;
	_ =	sdelay $0x3  }
0x406: {  	[tilespmem:v22+s30+$0x0] =	vst.idx.msk $0xffff, v21  }
0x407: {  	v21 =	vld.idx.msk [tilespmem:v23+s17+$0x0], $0xffff  }
0x408: {  	v22 =	vor.u32 v14, v19  }
0x409: {  	v23 =	vor.u32 v13, v20;
	_ =	sdelay $0x3  }
0x40a: {  	[tilespmem:v22+s30+$0x0] =	vst.idx.msk $0xffff, v21  }
0x40b: {  	v21 =	vld.idx.msk [tilespmem:v23+s17+$0x0], $0xffff  }
0x40c: {  	v22 =	vor.u32 v14, v17  }
0x40d: {  	v18 =	vor.u32 v15, v18;
	_ =	sdelay $0x3  }
0x40e: {  	[tilespmem:v22+s30+$0x0] =	vst.idx.msk $0xffff, v21  }
0x40f: {  	v18 =	vld.idx.msk [tilespmem:v18+s17+$0x0], $0xffff  }
0x410: {  	v19 =	vor.u32 v16, v19  }
0x411: {  	v21 =	vor.u32 v15, v20  }
.Ltmp15:
0x412: {  	(pc) =	sbr.rel @p0 .LBB2_23-.Ltmp15, $3  }
0x413: {  	_ =	sdelay $0x1  }
0x414: {  	[tilespmem:v19+s30+$0x0] =	vst.idx.msk $0xffff, v18  }
0x415: {  	v20 =	vadd.s32 s16, v0;
	s16 =	sadd.s32 $0x1, s16;
	v19 =	vld.idx.msk [tilespmem:v21+s17+$0x0], $0xffff  }
0x416: {  	v18 =	vand.u32 $0xF, v20;
	v17 =	vor.u32 v16, v17  }
0x417: {  	v21 =	vor.u32 v1, v18;
	_ =	sdelay $0x2  }
0x418: {  	v22 =	vshll.u32 v20, $0x7  }
0x419: {  	[tilespmem:v17+s30+$0x0] =	vst.idx.msk $0xffff, v19;
	v17 =	vand.u32 $0x780, v22;
	v19 =	vor.u32 $0x10, v20  }
0x41a: {  	v35 =	vld.idx.msk [tilespmem:v21+s17+$0x0], $0xffff;
	v36 =	vor.u32 v0, v17;
	v37 =	vand.u32 $0x1F, v19  }
0x41b: {  	v23 =	vor.u32 v1, v37;
	_ =	sdelay $0x3  }
0x41c: {  	v19 =	vshll.u32 v19, $0x7;
	[tilespmem:v36+s30+$0x0] =	vst.idx.msk $0xffff, v35  }
0x41d: {  	v38 =	vor.u32 v0, v19;
	v20 =	vld.idx.msk [tilespmem:v23+s17+$0x0], $0xffff  }
0x41e: {  	v39 =	vor.u32 v3, v18;
	_ =	sdelay $0x3  }
0x41f: {  	[tilespmem:v38+s30+$0x0] =	vst.idx.msk $0xffff, v20  }
0x420: {  	v40 =	vor.u32 v4, v17;
	v20 =	vld.idx.msk [tilespmem:v39+s17+$0x0], $0xffff  }
0x421: {  	v41 =	vor.u32 v3, v37;
	_ =	sdelay $0x3  }
0x422: {  	[tilespmem:v40+s30+$0x0] =	vst.idx.msk $0xffff, v20  }
0x423: {  	v42 =	vor.u32 v4, v19;
	v20 =	vld.idx.msk [tilespmem:v41+s17+$0x0], $0xffff  }
0x424: {  	v43 =	vor.u32 v5, v18;
	_ =	sdelay $0x3  }
0x425: {  	[tilespmem:v42+s30+$0x0] =	vst.idx.msk $0xffff, v20  }
0x426: {  	v44 =	vor.u32 v6, v17;
	v20 =	vld.idx.msk [tilespmem:v43+s17+$0x0], $0xffff  }
0x427: {  	v45 =	vor.u32 v5, v37;
	_ =	sdelay $0x3  }
0x428: {  	[tilespmem:v44+s30+$0x0] =	vst.idx.msk $0xffff, v20  }
0x429: {  	v46 =	vor.u32 v6, v19;
	v20 =	vld.idx.msk [tilespmem:v45+s17+$0x0], $0xffff  }
0x42a: {  	v47 =	vor.u32 v7, v18;
	_ =	sdelay $0x3  }
0x42b: {  	[tilespmem:v46+s30+$0x0] =	vst.idx.msk $0xffff, v20  }
0x42c: {  	v48 =	vor.u32 v8, v17;
	v20 =	vld.idx.msk [tilespmem:v47+s17+$0x0], $0xffff  }
0x42d: {  	v49 =	vor.u32 v7, v37;
	_ =	sdelay $0x3  }
0x42e: {  	[tilespmem:v48+s30+$0x0] =	vst.idx.msk $0xffff, v20  }
0x42f: {  	v50 =	vor.u32 v8, v19;
	v20 =	vld.idx.msk [tilespmem:v49+s17+$0x0], $0xffff  }
0x430: {  	v51 =	vor.u32 v9, v18;
	_ =	sdelay $0x3  }
0x431: {  	[tilespmem:v50+s30+$0x0] =	vst.idx.msk $0xffff, v20  }
0x432: {  	v52 =	vor.u32 v10, v17;
	v20 =	vld.idx.msk [tilespmem:v51+s17+$0x0], $0xffff  }
0x433: {  	v53 =	vor.u32 v9, v37;
	_ =	sdelay $0x3  }
0x434: {  	[tilespmem:v52+s30+$0x0] =	vst.idx.msk $0xffff, v20  }
0x435: {  	v54 =	vor.u32 v10, v19;
	v20 =	vld.idx.msk [tilespmem:v53+s17+$0x0], $0xffff  }
0x436: {  	v55 =	vor.u32 v11, v18;
	_ =	sdelay $0x3  }
0x437: {  	[tilespmem:v54+s30+$0x0] =	vst.idx.msk $0xffff, v20  }
0x438: {  	v56 =	vor.u32 v12, v17;
	v20 =	vld.idx.msk [tilespmem:v55+s17+$0x0], $0xffff  }
0x439: {  	v57 =	vor.u32 v11, v37;
	_ =	sdelay $0x3  }
0x43a: {  	[tilespmem:v56+s30+$0x0] =	vst.idx.msk $0xffff, v20  }
0x43b: {  	v58 =	vor.u32 v12, v19;
	v20 =	vld.idx.msk [tilespmem:v57+s17+$0x0], $0xffff  }
0x43c: {  	v59 =	vor.u32 v13, v18;
	_ =	sdelay $0x3  }
0x43d: {  	[tilespmem:v58+s30+$0x0] =	vst.idx.msk $0xffff, v20  }
0x43e: {  	v60 =	vor.u32 v14, v17;
	v20 =	vld.idx.msk [tilespmem:v59+s17+$0x0], $0xffff  }
0x43f: {  	v61 =	vor.u32 v13, v37;
	_ =	sdelay $0x3  }
0x440: {  	[tilespmem:v60+s30+$0x0] =	vst.idx.msk $0xffff, v20  }
0x441: {  	v62 =	vor.u32 v14, v19;
	v20 =	vld.idx.msk [tilespmem:v61+s17+$0x0], $0xffff  }
0x442: {  	v18 =	vor.u32 v15, v18;
	_ =	sdelay $0x3  }
0x443: {  	[tilespmem:v62+s30+$0x0] =	vst.idx.msk $0xffff, v20  }
0x444: {  	v17 =	vor.u32 v16, v17;
	v18 =	vld.idx.msk [tilespmem:v18+s17+$0x0], $0xffff  }
0x445: {  	v63 =	vor.u32 v15, v37;
	_ =	sdelay $0x3  }
0x446: {  	[tilespmem:v17+s30+$0x0] =	vst.idx.msk $0xffff, v18  }
0x447: {  	v18 =	vor.u32 v16, v19;
	v17 =	vld.idx.msk [tilespmem:v63+s17+$0x0], $0xffff  }
0x448: {  	p0 =	seq.s32 s10, $0x31  }
.Ltmp16:
0x449: {  	_ = 	snop;
	(pc) =	sbr.rel @p0 .LBB2_26-.Ltmp16, $3  }
0x44a: {  	_ =	sdelay $0x1  }
0x44b: {  	s12 =	sadd.s32 $0x30, s12;
	[tilespmem:v18+s30+$0x0] =	vst.idx.msk $0xffff, v17  }
0x44c: {  	[hbm4b:s12+s9] =	stream.strided.scatter [tilespmem:s30], [sflag:$0x8], $0x1000, s20, s9, $0x38;
	[tilespmem:$0x14800] =	vst v63  }
.Ltmp17:
0x44d: {  	(pc) =	sbr.rel .LBB2_4-.Ltmp17, $4  }
0x44e: {  	s12 =	sshll.u32 s10, $0x9  }
0x44f: {  	s12 =	sand.u32 $0x3FFFFE00, s12  }
0x450: {  	s10 =	sadd.s32 $0x1, s10;
	s12 =	sadd.s32 $0x6780, s12  }
0x451: {  	[tilespmem:s17], [sflag:$0x4] =	stream.indirect.gather [hbm4b:s3+s9], $0x20, s12, s9, $0xb8;
	[tilespmem:$0x14800] =	vst v63  }
.LBB2_27:
0x452: {  	_ =	sfence.sel $0x180000  }
0x453: {  	[bflag:$0x0] =	sbarrier.arrive $0xFFFF  }
0x454: {  	_ =	strace $0x90000047  }
0x455: {  	s0 =	stileid.u32;
	[bflag:$0x2] =	sbarrier.arrive $0xFFFF  }
0x456: {  	p0 =	sne.s32 s0, $0x0;
	s0 =	rddreg [dreg:$0x2]  }
0x457: {  	s0 =	sadd.s32 @!p0 $0x100000, s0  }
0x458: {  	[sflag:s0] =	ssyncadd.tile.s32 @!p0 $0x1;
	_ =	shalt  }
.Lfunc_end2:
_tile_overlayer_lowered:
.L_overlay_start_2:
0x459: {  	(tag) =	ssettag $0x2  }
0x45a: {  	s0 =	rddreg [dreg:$0x0];
	s2 =	stileid.u32  }
0x45b: {  	s1 =	rddreg [dreg:$0x1];
	p0 =	sne.s32 s2, $0x0  }
0x45c: {  	s3 =	rddreg [dreg:$0x2];
	[bflag:$0x3] =	sbarrier.arrive $0xFFFF;
	s2 =	simm.s32 @!p0 $0x1C09  }
0x45d: {  	[timem:s3], [sflag:s2] =	dma.local @!p0 [hbm:s0], s1  }
0x45e: {  	s0 =	simm.s32 @!p0 $0x9  }
0x45f: {  	_ =	swait.ge @!p0 [sflag:s0], s1  }
0x460: {  	s1 =	ssub.s32 @!p0 $0x0, s1;
	[sflag:s0] =	ssyncset.done @!p0 $0x0  }
0x461: {  	[sflag:s0] =	ssyncadd.s32 @!p0 s1  }
0x462: {  	[bflag:$0x3] =	sbarrier.arrive $0xFFFF  }
0x463: {  	_ =	shalt  }

</sc_bundles>
